<compile_context>
chip_gen: v7x
topology: tpu7x:2x2x1
jax: 0.10.2.dev20260603
libtpu: 0.0.44.dev20260713+nightly
codegen_flags: <defaults>
</compile_context>

<pallas_src>
import functools

import jax
import jax.numpy as jnp
from jax import lax
from jax.experimental import pallas as pl
from jax.experimental.pallas import tpu as pltpu
from jax.experimental.pallas import tpu_sc as plsc

_N = 10000
_E = 320000
_D = 128
_H = 128

_NC = 2
_NT = _NC * 16
_NS = 16
_EPT = _E // _NT
_K = 48
_NSLOT = 6
_BLK = 3
_EPTP = 10080
_EPAD = _NT * _EPTP
_OUTER = _EPTP // (2 * _BLK * _K)
_NACC = _N + 16
_RPT = _N // _NS

_mesh = plsc.VectorSubcoreMesh(core_axis_name="c", subcore_axis_name="s")

_SEGSUM_SCRATCH = (
    [pltpu.VMEM((_EPTP,), jnp.int32)]
    + [pltpu.VMEM((_K,), jnp.int32)] * _NSLOT
    + [pltpu.VMEM((_K, _H), jnp.float32)] * _NSLOT
    + [pltpu.SemaphoreType.DMA] * (2 * _NSLOT)
    + [pltpu.SemaphoreType.DMA] * _NSLOT
    + [pltpu.VMEM_SHARED((_NACC, _H), jnp.float32)]
)


@functools.partial(
    pl.kernel,
    out_type=jax.ShapeDtypeStruct((_NT, _RPT, _H), jnp.float32),
    mesh=_mesh,
    scratch_types=_SEGSUM_SCRATCH,
)
def _sc_segsum(table_hbm, src_hbm, dst_hbm, zeros_hbm, out_hbm, *scr):
    ns = _NSLOT
    srcv = scr[0]
    didx = list(scr[1:1 + ns])
    rows = list(scr[1 + ns:1 + 2 * ns])
    base = 1 + 2 * ns
    isemd = list(scr[base:base + ns])
    gsem = list(scr[base + ns:base + 2 * ns])
    ssem = list(scr[base + 2 * ns:base + 3 * ns])
    acc = scr[base + 3 * ns]

    c = lax.axis_index("c")
    s = lax.axis_index("s")
    wid = c * _NS + s
    ebase = wid * _EPTP
    pltpu.sync_copy(src_hbm.at[pl.ds(ebase, _EPTP)], srcv)
    pltpu.sync_copy(zeros_hbm, acc.at[pl.ds(s * _RPT, _RPT)])
    plsc.subcore_barrier()

    def block(j, p, not_first_round):
        for b in range(_BLK):
            sl = p * _BLK + b
            off = ebase + (j * _BLK + b) * _K
            loc = (j * _BLK + b) * _K

            @pl.when(not_first_round)
            def _():
                pltpu.make_async_copy(rows[sl], acc.at[didx[sl]],
                                      ssem[sl]).wait()

            pltpu.async_copy(dst_hbm.at[pl.ds(off, _K)], didx[sl], isemd[sl])
            pltpu.async_copy(table_hbm.at[srcv.at[pl.ds(loc, _K)]], rows[sl],
                             gsem[sl])
        for b in range(_BLK):
            sl = p * _BLK + b
            off = ebase + (j * _BLK + b) * _K
            loc = (j * _BLK + b) * _K
            pltpu.make_async_copy(dst_hbm.at[pl.ds(off, _K)], didx[sl],
                                  isemd[sl]).wait()
            pltpu.make_async_copy(table_hbm.at[srcv.at[pl.ds(loc, _K)]],
                                  rows[sl], gsem[sl]).wait()
            pltpu.async_copy(rows[sl], acc.at[didx[sl]], ssem[sl], add=True)

    def outer(jj, carry):
        block(2 * jj, 0, jj >= 1)
        block(2 * jj + 1, 1, jj >= 1)
        return carry

    lax.fori_loop(0, _OUTER, outer, 0)

    for sl in range(_NSLOT):
        pltpu.make_async_copy(rows[sl], acc.at[didx[sl]], ssem[sl]).wait()
    plsc.subcore_barrier()
    pltpu.sync_copy(acc.at[pl.ds(s * _RPT, _RPT)], out_hbm.at[wid])


_NP = 10240
_CPT = _NP // _NS
_HV = _EPT // 16


@functools.partial(
    pl.kernel,
    out_type=jax.ShapeDtypeStruct((_NT, _CPT), jnp.float32),
    mesh=_mesh,
    compiler_params=pltpu.CompilerParams(needs_layout_passes=False),
    scratch_types=[
        pltpu.VMEM((_EPT,), jnp.int32),
        pltpu.VMEM((_NP,), jnp.float32),
        pltpu.VMEM((_NS * _CPT,), jnp.float32),
        pltpu.VMEM((_CPT,), jnp.float32),
        pltpu.VMEM_SHARED((_NS * _NP,), jnp.float32),
    ],
)
def _sc_degree(dst_hbm, out_hbm, didx, hist, red, outv, shared):
    c = lax.axis_index("c")
    s = lax.axis_index("s")
    wid = c * _NS + s
    pltpu.sync_copy(dst_hbm.at[pl.ds(wid * _EPT, _EPT)], didx)

    zero16 = jnp.zeros((16,), jnp.float32)
    one16 = jnp.ones((16,), jnp.float32)

    def zbody(i, carry):
        hist[pl.ds(i * 16, 16)] = zero16
        return carry

    lax.fori_loop(0, _NP // 16, zbody, 0)

    def hbody(i, carry):
        idx = didx[pl.ds(i * 16, 16)]
        plsc.addupdate_scatter(hist, [idx], one16)
        return carry

    lax.fori_loop(0, _HV, hbody, 0)

    pltpu.sync_copy(hist, shared.at[pl.ds(s * _NP, _NP)])
    plsc.subcore_barrier()
    for r in range(_NS):
        pltpu.sync_copy(shared.at[pl.ds(r * _NP + s * _CPT, _CPT)],
                        red.at[pl.ds(r * _CPT, _CPT)])

    def rbody(j, carry):
        v = red[pl.ds(j * 16, 16)]
        for r in range(1, _NS):
            v = v + red[pl.ds(r * _CPT + j * 16, 16)]
        outv[pl.ds(j * 16, 16)] = v
        return carry

    lax.fori_loop(0, _CPT // 16, rbody, 0)
    pltpu.sync_copy(outv, out_hbm.at[wid])


def _dinv_from(deg_ref):
    deg = deg_ref[0] + deg_ref[1]
    return jnp.where(deg > 0.0, lax.rsqrt(jnp.maximum(deg, 1e-12)), 0.0)


def _tc_dense1(x_ref, w1_ref, deg_ref, out_ref):
    dinv = _dinv_from(deg_ref)
    out_ref[...] = dinv * jnp.dot(
        x_ref[...], w1_ref[...], preferred_element_type=jnp.float32)


def _tc_dense2(agg_ref, deg_ref, b1_ref, w2_ref, out_ref):
    dinv = _dinv_from(deg_ref)
    h = jnp.maximum(dinv * (agg_ref[0] + agg_ref[1]) + b1_ref[...], 0.0)
    out_ref[...] = dinv * jnp.dot(
        h, w2_ref[...], preferred_element_type=jnp.float32)


def _tc_dense3(agg_ref, deg_ref, b2_ref, wdt_ref, out_ref):
    dinv = _dinv_from(deg_ref)
    z = jnp.maximum(dinv * (agg_ref[0] + agg_ref[1]) + b2_ref[...], 0.0)
    summary = jax.nn.sigmoid(jnp.mean(z, axis=0, keepdims=True))
    wsum = jnp.dot(summary, wdt_ref[...],
                   preferred_element_type=jnp.float32)
    logits = jnp.sum(z * wsum, axis=1, keepdims=True)
    a = jnp.abs(logits)
    out_ref[...] = jnp.mean(a + 2.0 * jnp.log1p(jnp.exp(-a)), keepdims=True)


_dense1_call = pl.pallas_call(
    _tc_dense1, out_shape=jax.ShapeDtypeStruct((_N, _H), jnp.float32))
_dense2_call = pl.pallas_call(
    _tc_dense2, out_shape=jax.ShapeDtypeStruct((_N, _H), jnp.float32))
_dense3_call = pl.pallas_call(
    _tc_dense3, out_shape=jax.ShapeDtypeStruct((1, 1), jnp.float32))


def kernel(x, edge_index, W1, b1, W2, b2, Wd):
    src = edge_index[0]
    dst = edge_index[1]
    zeros_h = jnp.zeros((_RPT, _H), jnp.float32)
    npt = _EPTP - _EPT
    lane = jnp.arange(npt, dtype=jnp.int32)[None, :]
    tidx = jnp.arange(_NT, dtype=jnp.int32)[:, None]
    pad_src = (tidx * 977 + lane * 41) % _N
    pad_dst = jnp.broadcast_to(_N + (lane % 16), (_NT, npt))
    src_p = jnp.concatenate(
        [src.reshape(_NT, _EPT), pad_src], axis=1).reshape(-1)
    dst_p = jnp.concatenate(
        [dst.reshape(_NT, _EPT), pad_dst], axis=1).reshape(-1)

    deg = _sc_degree(dst).reshape(_NC, _NP)[:, :_N, None]
    h1p = _dense1_call(x, W1, deg)
    agg1 = _sc_segsum(h1p, src_p, dst_p, zeros_h).reshape(_NC, _N, _H)
    h2p = _dense2_call(agg1, deg, b1.reshape(1, _H), W2)
    agg2 = _sc_segsum(h2p, src_p, dst_p, zeros_h).reshape(_NC, _N, _H)
    loss = _dense3_call(agg2, deg, b2.reshape(1, _H), Wd.T)
    return loss.reshape(())

# --- scband reference (transcript-rebuilt; emitter-appended) ---
"""Pipeline reference for scband-dgi-9216999817667 (READ-ONLY COPY).

The authoritative reference and input builder live on the scoring server;
editing this copy changes nothing except your own understanding.
"""

import jax, jax.numpy as jnp
import numpy as np
import math

N = 10000
E = 320000
D = 128
H = 128


def _uniform(key, shape, bound):
    return jax.random.uniform(key, shape, dtype=jnp.float32, minval=-bound, maxval=bound)


def setup_inputs(seed: int = 0) -> dict:
    key = jax.random.key(seed)
    ks = jax.random.split(key, 8)
    x = jax.random.normal(ks[0], (N, D), dtype=jnp.float32)
    edge_index = jax.random.randint(ks[1], (2, E), 0, N, dtype=jnp.int32)
    # GCN encoder params (glorot-ish uniform)
    b1v = 1.0 / math.sqrt(D)
    b2v = 1.0 / math.sqrt(H)
    W1 = _uniform(ks[2], (D, H), b1v)
    b1 = jnp.zeros((H,), dtype=jnp.float32)
    W2 = _uniform(ks[3], (H, H), b2v)
    b2 = jnp.zeros((H,), dtype=jnp.float32)
    # Discriminator bilinear weight, uniform(-1/sqrt(H), 1/sqrt(H))
    Wd = _uniform(ks[4], (H, H), 1.0 / math.sqrt(H))
    return {"x": x, "edge_index": edge_index, "W1": W1, "b1": b1, "W2": W2, "b2": b2, "Wd": Wd}


def reference(x, edge_index, W1, b1, W2, b2, Wd):
    src = edge_index[0]
    dst = edge_index[1]
    # symmetric GCN normalization based on in-degree
    deg = jax.ops.segment_sum(jnp.ones((E,), dtype=jnp.float32), dst, num_segments=N)
    dinv = jnp.where(deg > 0, 1.0 / jnp.sqrt(jnp.maximum(deg, 1e-12)), 0.0)
    coef = (dinv[src] * dinv[dst])[:, None]

    def encoder(feat):
        h = feat @ W1
        h = jax.ops.segment_sum(h[src] * coef, dst, num_segments=N) + b1
        h = jax.nn.relu(h)
        h = h @ W2
        h = jax.ops.segment_sum(h[src] * coef, dst, num_segments=N) + b2
        h = jax.nn.relu(h)
        return h

    # forward as written: encoder run twice on same inputs (dropout=0 -> identical)
    positive = encoder(x)
    negative = encoder(x)
    summary = jax.nn.sigmoid(positive.mean(axis=0))
    wsum = Wd @ summary  # [H]
    pos_logits = positive @ wsum  # [N]
    neg_logits = negative @ wsum  # [N]
    # BCEWithLogits(pos, 1) = softplus(-pos); BCEWithLogits(neg, 0) = softplus(neg)
    l1 = jnp.mean(jax.nn.softplus(-pos_logits))
    l2 = jnp.mean(jax.nn.softplus(neg_logits))
    return l1 + l2

if __name__ == "__main__":
    import jax
    _d = setup_inputs()
    print(jax.jit(kernel)(*tuple(_d.values())))

</pallas_src>

<mosaic_0001>
#map = affine_map<(d0, d1) -> (0, 0)>
#map1 = affine_map<(d0, d1) -> (0)>
#map2 = affine_map<(d0, d1) -> (0, 0, 0)>
module attributes {stable_mosaic.version = 14 : i64} {
  func.func @_sc_segsum(%arg0: i32, %arg1: i32, %arg2: memref<10000x128xf32, #tpu.memory_space<hbm>>, %arg3: memref<322560xi32, #tpu.memory_space<hbm>>, %arg4: memref<322560xi32, #tpu.memory_space<hbm>>, %arg5: memref<625x128xf32, #tpu.memory_space<hbm>>, %arg6: memref<32x625x128xf32, #tpu.memory_space<hbm>>, %arg7: memref<10080xi32, #tpu.memory_space<vmem>>, %arg8: memref<48xi32, #tpu.memory_space<vmem>>, %arg9: memref<48xi32, #tpu.memory_space<vmem>>, %arg10: memref<48xi32, #tpu.memory_space<vmem>>, %arg11: memref<48xi32, #tpu.memory_space<vmem>>, %arg12: memref<48xi32, #tpu.memory_space<vmem>>, %arg13: memref<48xi32, #tpu.memory_space<vmem>>, %arg14: memref<48x128xf32, #tpu.memory_space<vmem>>, %arg15: memref<48x128xf32, #tpu.memory_space<vmem>>, %arg16: memref<48x128xf32, #tpu.memory_space<vmem>>, %arg17: memref<48x128xf32, #tpu.memory_space<vmem>>, %arg18: memref<48x128xf32, #tpu.memory_space<vmem>>, %arg19: memref<48x128xf32, #tpu.memory_space<vmem>>, %arg20: memref<!tpu.dma_semaphore, #tpu.memory_space<semaphore_mem>>, %arg21: memref<!tpu.dma_semaphore, #tpu.memory_space<semaphore_mem>>, %arg22: memref<!tpu.dma_semaphore, #tpu.memory_space<semaphore_mem>>, %arg23: memref<!tpu.dma_semaphore, #tpu.memory_space<semaphore_mem>>, %arg24: memref<!tpu.dma_semaphore, #tpu.memory_space<semaphore_mem>>, %arg25: memref<!tpu.dma_semaphore, #tpu.memory_space<semaphore_mem>>, %arg26: memref<!tpu.dma_semaphore, #tpu.memory_space<semaphore_mem>>, %arg27: memref<!tpu.dma_semaphore, #tpu.memory_space<semaphore_mem>>, %arg28: memref<!tpu.dma_semaphore, #tpu.memory_space<semaphore_mem>>, %arg29: memref<!tpu.dma_semaphore, #tpu.memory_space<semaphore_mem>>, %arg30: memref<!tpu.dma_semaphore, #tpu.memory_space<semaphore_mem>>, %arg31: memref<!tpu.dma_semaphore, #tpu.memory_space<semaphore_mem>>, %arg32: memref<!tpu.dma_semaphore, #tpu.memory_space<semaphore_mem>>, %arg33: memref<!tpu.dma_semaphore, #tpu.memory_space<semaphore_mem>>, %arg34: memref<!tpu.dma_semaphore, #tpu.memory_space<semaphore_mem>>, %arg35: memref<!tpu.dma_semaphore, #tpu.memory_space<semaphore_mem>>, %arg36: memref<!tpu.dma_semaphore, #tpu.memory_space<semaphore_mem>>, %arg37: memref<!tpu.dma_semaphore, #tpu.memory_space<semaphore_mem>>, %arg38: memref<10016x128xf32, #tpu.memory_space<vmem_shared>>) attributes {dimension_semantics = [#tpu.dimension_semantics<core_parallel>, #tpu.dimension_semantics<subcore_parallel>], iteration_bounds = array<i64: 2, 16>, scalar_prefetch = 0 : i64, scratch_operands = 32 : i64, tpu.core_type = #tpu.core_type<sc_vector_subcore>, window_params = [{transform_indices = #map}, {transform_indices = #map1}, {transform_indices = #map1}, {transform_indices = #map}, {transform_indices = #map2}]} {
    %mul3A = arith.constant 16 : i32
    %mul3A_0 = arith.muli %arg0, %mul3A : i32
    %add3A = arith.addi %mul3A_0, %arg1 : i32
    %mul3A_1 = arith.constant 10080 : i32
    %mul3A_2 = arith.muli %add3A, %mul3A_1 : i32
    "tpu.region"() ({
      %run_scoped3A = tpu.sem_alloc : memref<!tpu.dma_semaphore, #tpu.memory_space<semaphore_mem>>
      %dma_start3A = tpu.memref_slice %arg3[%mul3A_2] : memref<322560xi32, #tpu.memory_space<hbm>> -> memref<10080xi32, #tpu.memory_space<hbm>>
      %dma_start3A_30 = tpu.memref_slice %arg3[%mul3A_2] : memref<322560xi32, #tpu.memory_space<hbm>> -> memref<10080xi32, #tpu.memory_space<hbm>>
      tpu.enqueue_dma source(%dma_start3A_30 : memref<10080xi32, #tpu.memory_space<hbm>>) target(%arg7 : memref<10080xi32, #tpu.memory_space<vmem>>) target_semaphore(%run_scoped3A : memref<!tpu.dma_semaphore, #tpu.memory_space<semaphore_mem>>)
      %dma_wait3A_31 = tpu.memref_slice %arg3[%mul3A_2] : memref<322560xi32, #tpu.memory_space<hbm>> -> memref<10080xi32, #tpu.memory_space<hbm>>
      %dma_wait3A_32 = tpu.memref_slice %arg3[%mul3A_2] : memref<322560xi32, #tpu.memory_space<hbm>> -> memref<10080xi32, #tpu.memory_space<hbm>>
      tpu.wait_dma2 semaphore(%run_scoped3A : memref<!tpu.dma_semaphore, #tpu.memory_space<semaphore_mem>>) src(%dma_wait3A_32 : memref<10080xi32, #tpu.memory_space<hbm>>) dst(%arg7 : memref<10080xi32, #tpu.memory_space<vmem>>)
      tpu.yield
    }) : () -> ()
    %mul3A_3 = arith.constant 625 : i32
    %mul3A_4 = arith.muli %arg1, %mul3A_3 : i32
    "tpu.region"() ({
      %run_scoped3A = tpu.sem_alloc : memref<!tpu.dma_semaphore, #tpu.memory_space<semaphore_mem>>
      %dma_start3A = arith.constant 0 : i32
      %dma_start3A_30 = tpu.memref_slice %arg38[%mul3A_4, %dma_start3A] : memref<10016x128xf32, #tpu.memory_space<vmem_shared>> -> memref<625x128xf32, #tpu.memory_space<vmem_shared>>
      tpu.enqueue_dma source(%arg5 : memref<625x128xf32, #tpu.memory_space<hbm>>) target(%dma_start3A_30 : memref<625x128xf32, #tpu.memory_space<vmem_shared>>) target_semaphore(%run_scoped3A : memref<!tpu.dma_semaphore, #tpu.memory_space<semaphore_mem>>)
      %dma_wait3A_31 = arith.constant 0 : i32
      %dma_wait3A_32 = tpu.memref_slice %arg38[%mul3A_4, %dma_wait3A_31] : memref<10016x128xf32, #tpu.memory_space<vmem_shared>> -> memref<625x128xf32, #tpu.memory_space<vmem_shared>>
      tpu.wait_dma2 semaphore(%run_scoped3A : memref<!tpu.dma_semaphore, #tpu.memory_space<semaphore_mem>>) src(%arg5 : memref<625x128xf32, #tpu.memory_space<hbm>>) dst(%dma_wait3A_32 : memref<625x128xf32, #tpu.memory_space<vmem_shared>>)
      tpu.yield
    }) : () -> ()
    %barrier3A = arith.constant 0 : index
    tpu.barrier barrier_id(%barrier3A)
    %scan3A = arith.constant 0 : i32
    %scan3A_5 = arith.constant 0 : i32
    %scan3A_6 = arith.constant 35 : i32
    %scan3A_7 = arith.addi %scan3A_5, %scan3A_6 : i32
    %scan3A_8 = arith.constant 1 : i32
    scf.for %scan3A_30 = %scan3A_5 to %scan3A_7 step %scan3A_8  : i32 {
      %mul3A_31 = arith.constant 2 : i32
      %mul3A_32 = arith.muli %mul3A_31, %scan3A_30 : i32
      %ge3A = arith.constant 1 : i32
      %ge3A_33 = arith.cmpi sge, %scan3A_30, %ge3A : i32
      %mul3A_34 = arith.constant 3 : i32
      %mul3A_35 = arith.muli %mul3A_32, %mul3A_34 : i32
      %add3A_36 = arith.constant 0 : i32
      %add3A_37 = arith.addi %mul3A_35, %add3A_36 : i32
      %mul3A_38 = arith.constant 48 : i32
      %mul3A_39 = arith.muli %add3A_37, %mul3A_38 : i32
      %add3A_40 = arith.addi %mul3A_2, %mul3A_39 : i32
      %mul3A_41 = arith.constant 3 : i32
      %mul3A_42 = arith.muli %mul3A_32, %mul3A_41 : i32
      %add3A_43 = arith.constant 0 : i32
      %add3A_44 = arith.addi %mul3A_42, %add3A_43 : i32
      %mul3A_45 = arith.constant 48 : i32
      %mul3A_46 = arith.muli %add3A_44, %mul3A_45 : i32
      %convert_element_type3A = arith.extui %ge3A_33 : i1 to i32
      %cond3A = arith.constant 0 : i32
      %cond3A_47 = arith.cmpi ne, %convert_element_type3A, %cond3A : i32
      scf.if %cond3A_47 {
        %dma_wait3A_301 = arith.constant 0 : i32
        %dma_wait3A_302 = arith.constant 0 : i32
        %dma_wait3A_303 = tpu.memref_slice %arg38[%dma_wait3A_301, %dma_wait3A_302] : memref<10016x128xf32, #tpu.memory_space<vmem_shared>> -> memref<10016x128xf32, #tpu.memory_space<vmem_shared>>
        tpu.wait_indirect_dma semaphore(%arg32 : memref<!tpu.dma_semaphore, #tpu.memory_space<semaphore_mem>>) src(%arg14 : memref<48x128xf32, #tpu.memory_space<vmem>>) dst(%dma_wait3A_303 : memref<10016x128xf32, #tpu.memory_space<vmem_shared>>)
      } else {
      }
      %dma_start3A = tpu.memref_slice %arg4[%add3A_40] : memref<322560xi32, #tpu.memory_space<hbm>> -> memref<48xi32, #tpu.memory_space<hbm>>
      %dma_start3A_48 = tpu.memref_slice %arg4[%add3A_40] : memref<322560xi32, #tpu.memory_space<hbm>> -> memref<48xi32, #tpu.memory_space<hbm>>
      tpu.enqueue_dma source(%dma_start3A_48 : memref<48xi32, #tpu.memory_space<hbm>>) target(%arg8 : memref<48xi32, #tpu.memory_space<vmem>>) target_semaphore(%arg20 : memref<!tpu.dma_semaphore, #tpu.memory_space<semaphore_mem>>)
      %dma_start3A_49 = tpu.memref_slice %arg7[%mul3A_46] : memref<10080xi32, #tpu.memory_space<vmem>> -> memref<48xi32, #tpu.memory_space<vmem>>
      %dma_start3A_50 = arith.constant 0 : i32
      %dma_start3A_51 = arith.constant 0 : i32
      %dma_start3A_52 = tpu.memref_slice %arg2[%dma_start3A_50, %dma_start3A_51] : memref<10000x128xf32, #tpu.memory_space<hbm>> -> memref<10000x128xf32, #tpu.memory_space<hbm>>
      tpu.enqueue_indirect_dma source(%dma_start3A_52 : memref<10000x128xf32, #tpu.memory_space<hbm>>) target(%arg14 : memref<48x128xf32, #tpu.memory_space<vmem>>) offsets(%dma_start3A_49 : memref<48xi32, #tpu.memory_space<vmem>>) semaphore(%arg26 : memref<!tpu.dma_semaphore, #tpu.memory_space<semaphore_mem>>)
      %mul3A_53 = arith.constant 3 : i32
      %mul3A_54 = arith.muli %mul3A_32, %mul3A_53 : i32
      %add3A_55 = arith.constant 1 : i32
      %add3A_56 = arith.addi %mul3A_54, %add3A_55 : i32
      %mul3A_57 = arith.constant 48 : i32
      %mul3A_58 = arith.muli %add3A_56, %mul3A_57 : i32
      %add3A_59 = arith.addi %mul3A_2, %mul3A_58 : i32
      %mul3A_60 = arith.constant 3 : i32
      %mul3A_61 = arith.muli %mul3A_32, %mul3A_60 : i32
      %add3A_62 = arith.constant 1 : i32
      %add3A_63 = arith.addi %mul3A_61, %add3A_62 : i32
      %mul3A_64 = arith.constant 48 : i32
      %mul3A_65 = arith.muli %add3A_63, %mul3A_64 : i32
      %convert_element_type3A_66 = arith.extui %ge3A_33 : i1 to i32
      %cond3A_67 = arith.constant 0 : i32
      %cond3A_68 = arith.cmpi ne, %convert_element_type3A_66, %cond3A_67 : i32
      scf.if %cond3A_68 {
        %dma_wait3A_301 = arith.constant 0 : i32
        %dma_wait3A_302 = arith.constant 0 : i32
        %dma_wait3A_303 = tpu.memref_slice %arg38[%dma_wait3A_301, %dma_wait3A_302] : memref<10016x128xf32, #tpu.memory_space<vmem_shared>> -> memref<10016x128xf32, #tpu.memory_space<vmem_shared>>
        tpu.wait_indirect_dma semaphore(%arg33 : memref<!tpu.dma_semaphore, #tpu.memory_space<semaphore_mem>>) src(%arg15 : memref<48x128xf32, #tpu.memory_space<vmem>>) dst(%dma_wait3A_303 : memref<10016x128xf32, #tpu.memory_space<vmem_shared>>)
      } else {
      }
      %dma_start3A_69 = tpu.memref_slice %arg4[%add3A_59] : memref<322560xi32, #tpu.memory_space<hbm>> -> memref<48xi32, #tpu.memory_space<hbm>>
      %dma_start3A_70 = tpu.memref_slice %arg4[%add3A_59] : memref<322560xi32, #tpu.memory_space<hbm>> -> memref<48xi32, #tpu.memory_space<hbm>>
      tpu.enqueue_dma source(%dma_start3A_70 : memref<48xi32, #tpu.memory_space<hbm>>) target(%arg9 : memref<48xi32, #tpu.memory_space<vmem>>) target_semaphore(%arg21 : memref<!tpu.dma_semaphore, #tpu.memory_space<semaphore_mem>>)
      %dma_start3A_71 = tpu.memref_slice %arg7[%mul3A_65] : memref<10080xi32, #tpu.memory_space<vmem>> -> memref<48xi32, #tpu.memory_space<vmem>>
      %dma_start3A_72 = arith.constant 0 : i32
      %dma_start3A_73 = arith.constant 0 : i32
      %dma_start3A_74 = tpu.memref_slice %arg2[%dma_start3A_72, %dma_start3A_73] : memref<10000x128xf32, #tpu.memory_space<hbm>> -> memref<10000x128xf32, #tpu.memory_space<hbm>>
      tpu.enqueue_indirect_dma source(%dma_start3A_74 : memref<10000x128xf32, #tpu.memory_space<hbm>>) target(%arg15 : memref<48x128xf32, #tpu.memory_space<vmem>>) offsets(%dma_start3A_71 : memref<48xi32, #tpu.memory_space<vmem>>) semaphore(%arg27 : memref<!tpu.dma_semaphore, #tpu.memory_space<semaphore_mem>>)
      %mul3A_75 = arith.constant 3 : i32
      %mul3A_76 = arith.muli %mul3A_32, %mul3A_75 : i32
      %add3A_77 = arith.constant 2 : i32
      %add3A_78 = arith.addi %mul3A_76, %add3A_77 : i32
      %mul3A_79 = arith.constant 48 : i32
      %mul3A_80 = arith.muli %add3A_78, %mul3A_79 : i32
      %add3A_81 = arith.addi %mul3A_2, %mul3A_80 : i32
      %mul3A_82 = arith.constant 3 : i32
      %mul3A_83 = arith.muli %mul3A_32, %mul3A_82 : i32
      %add3A_84 = arith.constant 2 : i32
      %add3A_85 = arith.addi %mul3A_83, %add3A_84 : i32
      %mul3A_86 = arith.constant 48 : i32
      %mul3A_87 = arith.muli %add3A_85, %mul3A_86 : i32
      %convert_element_type3A_88 = arith.extui %ge3A_33 : i1 to i32
      %cond3A_89 = arith.constant 0 : i32
      %cond3A_90 = arith.cmpi ne, %convert_element_type3A_88, %cond3A_89 : i32
      scf.if %cond3A_90 {
        %dma_wait3A_301 = arith.constant 0 : i32
        %dma_wait3A_302 = arith.constant 0 : i32
        %dma_wait3A_303 = tpu.memref_slice %arg38[%dma_wait3A_301, %dma_wait3A_302] : memref<10016x128xf32, #tpu.memory_space<vmem_shared>> -> memref<10016x128xf32, #tpu.memory_space<vmem_shared>>
        tpu.wait_indirect_dma semaphore(%arg34 : memref<!tpu.dma_semaphore, #tpu.memory_space<semaphore_mem>>) src(%arg16 : memref<48x128xf32, #tpu.memory_space<vmem>>) dst(%dma_wait3A_303 : memref<10016x128xf32, #tpu.memory_space<vmem_shared>>)
      } else {
      }
      %dma_start3A_91 = tpu.memref_slice %arg4[%add3A_81] : memref<322560xi32, #tpu.memory_space<hbm>> -> memref<48xi32, #tpu.memory_space<hbm>>
      %dma_start3A_92 = tpu.memref_slice %arg4[%add3A_81] : memref<322560xi32, #tpu.memory_space<hbm>> -> memref<48xi32, #tpu.memory_space<hbm>>
      tpu.enqueue_dma source(%dma_start3A_92 : memref<48xi32, #tpu.memory_space<hbm>>) target(%arg10 : memref<48xi32, #tpu.memory_space<vmem>>) target_semaphore(%arg22 : memref<!tpu.dma_semaphore, #tpu.memory_space<semaphore_mem>>)
      %dma_start3A_93 = tpu.memref_slice %arg7[%mul3A_87] : memref<10080xi32, #tpu.memory_space<vmem>> -> memref<48xi32, #tpu.memory_space<vmem>>
      %dma_start3A_94 = arith.constant 0 : i32
      %dma_start3A_95 = arith.constant 0 : i32
      %dma_start3A_96 = tpu.memref_slice %arg2[%dma_start3A_94, %dma_start3A_95] : memref<10000x128xf32, #tpu.memory_space<hbm>> -> memref<10000x128xf32, #tpu.memory_space<hbm>>
      tpu.enqueue_indirect_dma source(%dma_start3A_96 : memref<10000x128xf32, #tpu.memory_space<hbm>>) target(%arg16 : memref<48x128xf32, #tpu.memory_space<vmem>>) offsets(%dma_start3A_93 : memref<48xi32, #tpu.memory_space<vmem>>) semaphore(%arg28 : memref<!tpu.dma_semaphore, #tpu.memory_space<semaphore_mem>>)
      %mul3A_97 = arith.constant 3 : i32
      %mul3A_98 = arith.muli %mul3A_32, %mul3A_97 : i32
      %add3A_99 = arith.constant 0 : i32
      %add3A_100 = arith.addi %mul3A_98, %add3A_99 : i32
      %mul3A_101 = arith.constant 48 : i32
      %mul3A_102 = arith.muli %add3A_100, %mul3A_101 : i32
      %add3A_103 = arith.addi %mul3A_2, %mul3A_102 : i32
      %mul3A_104 = arith.constant 3 : i32
      %mul3A_105 = arith.muli %mul3A_32, %mul3A_104 : i32
      %add3A_106 = arith.constant 0 : i32
      %add3A_107 = arith.addi %mul3A_105, %add3A_106 : i32
      %mul3A_108 = arith.constant 48 : i32
      %mul3A_109 = arith.muli %add3A_107, %mul3A_108 : i32
      %dma_wait3A_110 = tpu.memref_slice %arg4[%add3A_103] : memref<322560xi32, #tpu.memory_space<hbm>> -> memref<48xi32, #tpu.memory_space<hbm>>
      %dma_wait3A_111 = tpu.memref_slice %arg4[%add3A_103] : memref<322560xi32, #tpu.memory_space<hbm>> -> memref<48xi32, #tpu.memory_space<hbm>>
      tpu.wait_dma2 semaphore(%arg20 : memref<!tpu.dma_semaphore, #tpu.memory_space<semaphore_mem>>) src(%dma_wait3A_111 : memref<48xi32, #tpu.memory_space<hbm>>) dst(%arg8 : memref<48xi32, #tpu.memory_space<vmem>>)
      %dma_wait3A_112 = tpu.memref_slice %arg7[%mul3A_109] : memref<10080xi32, #tpu.memory_space<vmem>> -> memref<48xi32, #tpu.memory_space<vmem>>
      %dma_wait3A_113 = arith.constant 0 : i32
      %dma_wait3A_114 = arith.constant 0 : i32
      %dma_wait3A_115 = tpu.memref_slice %arg2[%dma_wait3A_113, %dma_wait3A_114] : memref<10000x128xf32, #tpu.memory_space<hbm>> -> memref<10000x128xf32, #tpu.memory_space<hbm>>
      tpu.wait_indirect_dma semaphore(%arg26 : memref<!tpu.dma_semaphore, #tpu.memory_space<semaphore_mem>>) src(%dma_wait3A_115 : memref<10000x128xf32, #tpu.memory_space<hbm>>) dst(%arg14 : memref<48x128xf32, #tpu.memory_space<vmem>>)
      %dma_start3A_116 = arith.constant 0 : i32
      %dma_start3A_117 = arith.constant 0 : i32
      %dma_start3A_118 = tpu.memref_slice %arg38[%dma_start3A_116, %dma_start3A_117] : memref<10016x128xf32, #tpu.memory_space<vmem_shared>> -> memref<10016x128xf32, #tpu.memory_space<vmem_shared>>
      tpu.enqueue_indirect_dma source(%arg14 : memref<48x128xf32, #tpu.memory_space<vmem>>) target(%dma_start3A_118 : memref<10016x128xf32, #tpu.memory_space<vmem_shared>>) offsets(%arg8 : memref<48xi32, #tpu.memory_space<vmem>>) semaphore(%arg32 : memref<!tpu.dma_semaphore, #tpu.memory_space<semaphore_mem>>) {add = true}
      %mul3A_119 = arith.constant 3 : i32
      %mul3A_120 = arith.muli %mul3A_32, %mul3A_119 : i32
      %add3A_121 = arith.constant 1 : i32
      %add3A_122 = arith.addi %mul3A_120, %add3A_121 : i32
      %mul3A_123 = arith.constant 48 : i32
      %mul3A_124 = arith.muli %add3A_122, %mul3A_123 : i32
      %add3A_125 = arith.addi %mul3A_2, %mul3A_124 : i32
      %mul3A_126 = arith.constant 3 : i32
      %mul3A_127 = arith.muli %mul3A_32, %mul3A_126 : i32
      %add3A_128 = arith.constant 1 : i32
      %add3A_129 = arith.addi %mul3A_127, %add3A_128 : i32
      %mul3A_130 = arith.constant 48 : i32
      %mul3A_131 = arith.muli %add3A_129, %mul3A_130 : i32
      %dma_wait3A_132 = tpu.memref_slice %arg4[%add3A_125] : memref<322560xi32, #tpu.memory_space<hbm>> -> memref<48xi32, #tpu.memory_space<hbm>>
      %dma_wait3A_133 = tpu.memref_slice %arg4[%add3A_125] : memref<322560xi32, #tpu.memory_space<hbm>> -> memref<48xi32, #tpu.memory_space<hbm>>
      tpu.wait_dma2 semaphore(%arg21 : memref<!tpu.dma_semaphore, #tpu.memory_space<semaphore_mem>>) src(%dma_wait3A_133 : memref<48xi32, #tpu.memory_space<hbm>>) dst(%arg9 : memref<48xi32, #tpu.memory_space<vmem>>)
      %dma_wait3A_134 = tpu.memref_slice %arg7[%mul3A_131] : memref<10080xi32, #tpu.memory_space<vmem>> -> memref<48xi32, #tpu.memory_space<vmem>>
      %dma_wait3A_135 = arith.constant 0 : i32
      %dma_wait3A_136 = arith.constant 0 : i32
      %dma_wait3A_137 = tpu.memref_slice %arg2[%dma_wait3A_135, %dma_wait3A_136] : memref<10000x128xf32, #tpu.memory_space<hbm>> -> memref<10000x128xf32, #tpu.memory_space<hbm>>
      tpu.wait_indirect_dma semaphore(%arg27 : memref<!tpu.dma_semaphore, #tpu.memory_space<semaphore_mem>>) src(%dma_wait3A_137 : memref<10000x128xf32, #tpu.memory_space<hbm>>) dst(%arg15 : memref<48x128xf32, #tpu.memory_space<vmem>>)
      %dma_start3A_138 = arith.constant 0 : i32
      %dma_start3A_139 = arith.constant 0 : i32
      %dma_start3A_140 = tpu.memref_slice %arg38[%dma_start3A_138, %dma_start3A_139] : memref<10016x128xf32, #tpu.memory_space<vmem_shared>> -> memref<10016x128xf32, #tpu.memory_space<vmem_shared>>
      tpu.enqueue_indirect_dma source(%arg15 : memref<48x128xf32, #tpu.memory_space<vmem>>) target(%dma_start3A_140 : memref<10016x128xf32, #tpu.memory_space<vmem_shared>>) offsets(%arg9 : memref<48xi32, #tpu.memory_space<vmem>>) semaphore(%arg33 : memref<!tpu.dma_semaphore, #tpu.memory_space<semaphore_mem>>) {add = true}
      %mul3A_141 = arith.constant 3 : i32
      %mul3A_142 = arith.muli %mul3A_32, %mul3A_141 : i32
      %add3A_143 = arith.constant 2 : i32
      %add3A_144 = arith.addi %mul3A_142, %add3A_143 : i32
      %mul3A_145 = arith.constant 48 : i32
      %mul3A_146 = arith.muli %add3A_144, %mul3A_145 : i32
      %add3A_147 = arith.addi %mul3A_2, %mul3A_146 : i32
      %mul3A_148 = arith.constant 3 : i32
      %mul3A_149 = arith.muli %mul3A_32, %mul3A_148 : i32
      %add3A_150 = arith.constant 2 : i32
      %add3A_151 = arith.addi %mul3A_149, %add3A_150 : i32
      %mul3A_152 = arith.constant 48 : i32
      %mul3A_153 = arith.muli %add3A_151, %mul3A_152 : i32
      %dma_wait3A_154 = tpu.memref_slice %arg4[%add3A_147] : memref<322560xi32, #tpu.memory_space<hbm>> -> memref<48xi32, #tpu.memory_space<hbm>>
      %dma_wait3A_155 = tpu.memref_slice %arg4[%add3A_147] : memref<322560xi32, #tpu.memory_space<hbm>> -> memref<48xi32, #tpu.memory_space<hbm>>
      tpu.wait_dma2 semaphore(%arg22 : memref<!tpu.dma_semaphore, #tpu.memory_space<semaphore_mem>>) src(%dma_wait3A_155 : memref<48xi32, #tpu.memory_space<hbm>>) dst(%arg10 : memref<48xi32, #tpu.memory_space<vmem>>)
      %dma_wait3A_156 = tpu.memref_slice %arg7[%mul3A_153] : memref<10080xi32, #tpu.memory_space<vmem>> -> memref<48xi32, #tpu.memory_space<vmem>>
      %dma_wait3A_157 = arith.constant 0 : i32
      %dma_wait3A_158 = arith.constant 0 : i32
      %dma_wait3A_159 = tpu.memref_slice %arg2[%dma_wait3A_157, %dma_wait3A_158] : memref<10000x128xf32, #tpu.memory_space<hbm>> -> memref<10000x128xf32, #tpu.memory_space<hbm>>
      tpu.wait_indirect_dma semaphore(%arg28 : memref<!tpu.dma_semaphore, #tpu.memory_space<semaphore_mem>>) src(%dma_wait3A_159 : memref<10000x128xf32, #tpu.memory_space<hbm>>) dst(%arg16 : memref<48x128xf32, #tpu.memory_space<vmem>>)
      %dma_start3A_160 = arith.constant 0 : i32
      %dma_start3A_161 = arith.constant 0 : i32
      %dma_start3A_162 = tpu.memref_slice %arg38[%dma_start3A_160, %dma_start3A_161] : memref<10016x128xf32, #tpu.memory_space<vmem_shared>> -> memref<10016x128xf32, #tpu.memory_space<vmem_shared>>
      tpu.enqueue_indirect_dma source(%arg16 : memref<48x128xf32, #tpu.memory_space<vmem>>) target(%dma_start3A_162 : memref<10016x128xf32, #tpu.memory_space<vmem_shared>>) offsets(%arg10 : memref<48xi32, #tpu.memory_space<vmem>>) semaphore(%arg34 : memref<!tpu.dma_semaphore, #tpu.memory_space<semaphore_mem>>) {add = true}
      %mul3A_163 = arith.constant 2 : i32
      %mul3A_164 = arith.muli %mul3A_163, %scan3A_30 : i32
      %add3A_165 = arith.constant 1 : i32
      %add3A_166 = arith.addi %mul3A_164, %add3A_165 : i32
      %ge3A_167 = arith.constant 1 : i32
      %ge3A_168 = arith.cmpi sge, %scan3A_30, %ge3A_167 : i32
      %mul3A_169 = arith.constant 3 : i32
      %mul3A_170 = arith.muli %add3A_166, %mul3A_169 : i32
      %add3A_171 = arith.constant 0 : i32
      %add3A_172 = arith.addi %mul3A_170, %add3A_171 : i32
      %mul3A_173 = arith.constant 48 : i32
      %mul3A_174 = arith.muli %add3A_172, %mul3A_173 : i32
      %add3A_175 = arith.addi %mul3A_2, %mul3A_174 : i32
      %mul3A_176 = arith.constant 3 : i32
      %mul3A_177 = arith.muli %add3A_166, %mul3A_176 : i32
      %add3A_178 = arith.constant 0 : i32
      %add3A_179 = arith.addi %mul3A_177, %add3A_178 : i32
      %mul3A_180 = arith.constant 48 : i32
      %mul3A_181 = arith.muli %add3A_179, %mul3A_180 : i32
      %convert_element_type3A_182 = arith.extui %ge3A_168 : i1 to i32
      %cond3A_183 = arith.constant 0 : i32
      %cond3A_184 = arith.cmpi ne, %convert_element_type3A_182, %cond3A_183 : i32
      scf.if %cond3A_184 {
        %dma_wait3A_301 = arith.constant 0 : i32
        %dma_wait3A_302 = arith.constant 0 : i32
        %dma_wait3A_303 = tpu.memref_slice %arg38[%dma_wait3A_301, %dma_wait3A_302] : memref<10016x128xf32, #tpu.memory_space<vmem_shared>> -> memref<10016x128xf32, #tpu.memory_space<vmem_shared>>
        tpu.wait_indirect_dma semaphore(%arg35 : memref<!tpu.dma_semaphore, #tpu.memory_space<semaphore_mem>>) src(%arg17 : memref<48x128xf32, #tpu.memory_space<vmem>>) dst(%dma_wait3A_303 : memref<10016x128xf32, #tpu.memory_space<vmem_shared>>)
      } else {
      }
      %dma_start3A_185 = tpu.memref_slice %arg4[%add3A_175] : memref<322560xi32, #tpu.memory_space<hbm>> -> memref<48xi32, #tpu.memory_space<hbm>>
      %dma_start3A_186 = tpu.memref_slice %arg4[%add3A_175] : memref<322560xi32, #tpu.memory_space<hbm>> -> memref<48xi32, #tpu.memory_space<hbm>>
      tpu.enqueue_dma source(%dma_start3A_186 : memref<48xi32, #tpu.memory_space<hbm>>) target(%arg11 : memref<48xi32, #tpu.memory_space<vmem>>) target_semaphore(%arg23 : memref<!tpu.dma_semaphore, #tpu.memory_space<semaphore_mem>>)
      %dma_start3A_187 = tpu.memref_slice %arg7[%mul3A_181] : memref<10080xi32, #tpu.memory_space<vmem>> -> memref<48xi32, #tpu.memory_space<vmem>>
      %dma_start3A_188 = arith.constant 0 : i32
      %dma_start3A_189 = arith.constant 0 : i32
      %dma_start3A_190 = tpu.memref_slice %arg2[%dma_start3A_188, %dma_start3A_189] : memref<10000x128xf32, #tpu.memory_space<hbm>> -> memref<10000x128xf32, #tpu.memory_space<hbm>>
      tpu.enqueue_indirect_dma source(%dma_start3A_190 : memref<10000x128xf32, #tpu.memory_space<hbm>>) target(%arg17 : memref<48x128xf32, #tpu.memory_space<vmem>>) offsets(%dma_start3A_187 : memref<48xi32, #tpu.memory_space<vmem>>) semaphore(%arg29 : memref<!tpu.dma_semaphore, #tpu.memory_space<semaphore_mem>>)
      %mul3A_191 = arith.constant 3 : i32
      %mul3A_192 = arith.muli %add3A_166, %mul3A_191 : i32
      %add3A_193 = arith.constant 1 : i32
      %add3A_194 = arith.addi %mul3A_192, %add3A_193 : i32
      %mul3A_195 = arith.constant 48 : i32
      %mul3A_196 = arith.muli %add3A_194, %mul3A_195 : i32
      %add3A_197 = arith.addi %mul3A_2, %mul3A_196 : i32
      %mul3A_198 = arith.constant 3 : i32
      %mul3A_199 = arith.muli %add3A_166, %mul3A_198 : i32
      %add3A_200 = arith.constant 1 : i32
      %add3A_201 = arith.addi %mul3A_199, %add3A_200 : i32
      %mul3A_202 = arith.constant 48 : i32
      %mul3A_203 = arith.muli %add3A_201, %mul3A_202 : i32
      %convert_element_type3A_204 = arith.extui %ge3A_168 : i1 to i32
      %cond3A_205 = arith.constant 0 : i32
      %cond3A_206 = arith.cmpi ne, %convert_element_type3A_204, %cond3A_205 : i32
      scf.if %cond3A_206 {
        %dma_wait3A_301 = arith.constant 0 : i32
        %dma_wait3A_302 = arith.constant 0 : i32
        %dma_wait3A_303 = tpu.memref_slice %arg38[%dma_wait3A_301, %dma_wait3A_302] : memref<10016x128xf32, #tpu.memory_space<vmem_shared>> -> memref<10016x128xf32, #tpu.memory_space<vmem_shared>>
        tpu.wait_indirect_dma semaphore(%arg36 : memref<!tpu.dma_semaphore, #tpu.memory_space<semaphore_mem>>) src(%arg18 : memref<48x128xf32, #tpu.memory_space<vmem>>) dst(%dma_wait3A_303 : memref<10016x128xf32, #tpu.memory_space<vmem_shared>>)
      } else {
      }
      %dma_start3A_207 = tpu.memref_slice %arg4[%add3A_197] : memref<322560xi32, #tpu.memory_space<hbm>> -> memref<48xi32, #tpu.memory_space<hbm>>
      %dma_start3A_208 = tpu.memref_slice %arg4[%add3A_197] : memref<322560xi32, #tpu.memory_space<hbm>> -> memref<48xi32, #tpu.memory_space<hbm>>
      tpu.enqueue_dma source(%dma_start3A_208 : memref<48xi32, #tpu.memory_space<hbm>>) target(%arg12 : memref<48xi32, #tpu.memory_space<vmem>>) target_semaphore(%arg24 : memref<!tpu.dma_semaphore, #tpu.memory_space<semaphore_mem>>)
      %dma_start3A_209 = tpu.memref_slice %arg7[%mul3A_203] : memref<10080xi32, #tpu.memory_space<vmem>> -> memref<48xi32, #tpu.memory_space<vmem>>
      %dma_start3A_210 = arith.constant 0 : i32
      %dma_start3A_211 = arith.constant 0 : i32
      %dma_start3A_212 = tpu.memref_slice %arg2[%dma_start3A_210, %dma_start3A_211] : memref<10000x128xf32, #tpu.memory_space<hbm>> -> memref<10000x128xf32, #tpu.memory_space<hbm>>
      tpu.enqueue_indirect_dma source(%dma_start3A_212 : memref<10000x128xf32, #tpu.memory_space<hbm>>) target(%arg18 : memref<48x128xf32, #tpu.memory_space<vmem>>) offsets(%dma_start3A_209 : memref<48xi32, #tpu.memory_space<vmem>>) semaphore(%arg30 : memref<!tpu.dma_semaphore, #tpu.memory_space<semaphore_mem>>)
      %mul3A_213 = arith.constant 3 : i32
      %mul3A_214 = arith.muli %add3A_166, %mul3A_213 : i32
      %add3A_215 = arith.constant 2 : i32
      %add3A_216 = arith.addi %mul3A_214, %add3A_215 : i32
      %mul3A_217 = arith.constant 48 : i32
      %mul3A_218 = arith.muli %add3A_216, %mul3A_217 : i32
      %add3A_219 = arith.addi %mul3A_2, %mul3A_218 : i32
      %mul3A_220 = arith.constant 3 : i32
      %mul3A_221 = arith.muli %add3A_166, %mul3A_220 : i32
      %add3A_222 = arith.constant 2 : i32
      %add3A_223 = arith.addi %mul3A_221, %add3A_222 : i32
      %mul3A_224 = arith.constant 48 : i32
      %mul3A_225 = arith.muli %add3A_223, %mul3A_224 : i32
      %convert_element_type3A_226 = arith.extui %ge3A_168 : i1 to i32
      %cond3A_227 = arith.constant 0 : i32
      %cond3A_228 = arith.cmpi ne, %convert_element_type3A_226, %cond3A_227 : i32
      scf.if %cond3A_228 {
        %dma_wait3A_301 = arith.constant 0 : i32
        %dma_wait3A_302 = arith.constant 0 : i32
        %dma_wait3A_303 = tpu.memref_slice %arg38[%dma_wait3A_301, %dma_wait3A_302] : memref<10016x128xf32, #tpu.memory_space<vmem_shared>> -> memref<10016x128xf32, #tpu.memory_space<vmem_shared>>
        tpu.wait_indirect_dma semaphore(%arg37 : memref<!tpu.dma_semaphore, #tpu.memory_space<semaphore_mem>>) src(%arg19 : memref<48x128xf32, #tpu.memory_space<vmem>>) dst(%dma_wait3A_303 : memref<10016x128xf32, #tpu.memory_space<vmem_shared>>)
      } else {
      }
      %dma_start3A_229 = tpu.memref_slice %arg4[%add3A_219] : memref<322560xi32, #tpu.memory_space<hbm>> -> memref<48xi32, #tpu.memory_space<hbm>>
      %dma_start3A_230 = tpu.memref_slice %arg4[%add3A_219] : memref<322560xi32, #tpu.memory_space<hbm>> -> memref<48xi32, #tpu.memory_space<hbm>>
      tpu.enqueue_dma source(%dma_start3A_230 : memref<48xi32, #tpu.memory_space<hbm>>) target(%arg13 : memref<48xi32, #tpu.memory_space<vmem>>) target_semaphore(%arg25 : memref<!tpu.dma_semaphore, #tpu.memory_space<semaphore_mem>>)
      %dma_start3A_231 = tpu.memref_slice %arg7[%mul3A_225] : memref<10080xi32, #tpu.memory_space<vmem>> -> memref<48xi32, #tpu.memory_space<vmem>>
      %dma_start3A_232 = arith.constant 0 : i32
      %dma_start3A_233 = arith.constant 0 : i32
      %dma_start3A_234 = tpu.memref_slice %arg2[%dma_start3A_232, %dma_start3A_233] : memref<10000x128xf32, #tpu.memory_space<hbm>> -> memref<10000x128xf32, #tpu.memory_space<hbm>>
      tpu.enqueue_indirect_dma source(%dma_start3A_234 : memref<10000x128xf32, #tpu.memory_space<hbm>>) target(%arg19 : memref<48x128xf32, #tpu.memory_space<vmem>>) offsets(%dma_start3A_231 : memref<48xi32, #tpu.memory_space<vmem>>) semaphore(%arg31 : memref<!tpu.dma_semaphore, #tpu.memory_space<semaphore_mem>>)
      %mul3A_235 = arith.constant 3 : i32
      %mul3A_236 = arith.muli %add3A_166, %mul3A_235 : i32
      %add3A_237 = arith.constant 0 : i32
      %add3A_238 = arith.addi %mul3A_236, %add3A_237 : i32
      %mul3A_239 = arith.constant 48 : i32
      %mul3A_240 = arith.muli %add3A_238, %mul3A_239 : i32
      %add3A_241 = arith.addi %mul3A_2, %mul3A_240 : i32
      %mul3A_242 = arith.constant 3 : i32
      %mul3A_243 = arith.muli %add3A_166, %mul3A_242 : i32
      %add3A_244 = arith.constant 0 : i32
      %add3A_245 = arith.addi %mul3A_243, %add3A_244 : i32
      %mul3A_246 = arith.constant 48 : i32
      %mul3A_247 = arith.muli %add3A_245, %mul3A_246 : i32
      %dma_wait3A_248 = tpu.memref_slice %arg4[%add3A_241] : memref<322560xi32, #tpu.memory_space<hbm>> -> memref<48xi32, #tpu.memory_space<hbm>>
      %dma_wait3A_249 = tpu.memref_slice %arg4[%add3A_241] : memref<322560xi32, #tpu.memory_space<hbm>> -> memref<48xi32, #tpu.memory_space<hbm>>
      tpu.wait_dma2 semaphore(%arg23 : memref<!tpu.dma_semaphore, #tpu.memory_space<semaphore_mem>>) src(%dma_wait3A_249 : memref<48xi32, #tpu.memory_space<hbm>>) dst(%arg11 : memref<48xi32, #tpu.memory_space<vmem>>)
      %dma_wait3A_250 = tpu.memref_slice %arg7[%mul3A_247] : memref<10080xi32, #tpu.memory_space<vmem>> -> memref<48xi32, #tpu.memory_space<vmem>>
      %dma_wait3A_251 = arith.constant 0 : i32
      %dma_wait3A_252 = arith.constant 0 : i32
      %dma_wait3A_253 = tpu.memref_slice %arg2[%dma_wait3A_251, %dma_wait3A_252] : memref<10000x128xf32, #tpu.memory_space<hbm>> -> memref<10000x128xf32, #tpu.memory_space<hbm>>
      tpu.wait_indirect_dma semaphore(%arg29 : memref<!tpu.dma_semaphore, #tpu.memory_space<semaphore_mem>>) src(%dma_wait3A_253 : memref<10000x128xf32, #tpu.memory_space<hbm>>) dst(%arg17 : memref<48x128xf32, #tpu.memory_space<vmem>>)
      %dma_start3A_254 = arith.constant 0 : i32
      %dma_start3A_255 = arith.constant 0 : i32
      %dma_start3A_256 = tpu.memref_slice %arg38[%dma_start3A_254, %dma_start3A_255] : memref<10016x128xf32, #tpu.memory_space<vmem_shared>> -> memref<10016x128xf32, #tpu.memory_space<vmem_shared>>
      tpu.enqueue_indirect_dma source(%arg17 : memref<48x128xf32, #tpu.memory_space<vmem>>) target(%dma_start3A_256 : memref<10016x128xf32, #tpu.memory_space<vmem_shared>>) offsets(%arg11 : memref<48xi32, #tpu.memory_space<vmem>>) semaphore(%arg35 : memref<!tpu.dma_semaphore, #tpu.memory_space<semaphore_mem>>) {add = true}
      %mul3A_257 = arith.constant 3 : i32
      %mul3A_258 = arith.muli %add3A_166, %mul3A_257 : i32
      %add3A_259 = arith.constant 1 : i32
      %add3A_260 = arith.addi %mul3A_258, %add3A_259 : i32
      %mul3A_261 = arith.constant 48 : i32
      %mul3A_262 = arith.muli %add3A_260, %mul3A_261 : i32
      %add3A_263 = arith.addi %mul3A_2, %mul3A_262 : i32
      %mul3A_264 = arith.constant 3 : i32
      %mul3A_265 = arith.muli %add3A_166, %mul3A_264 : i32
      %add3A_266 = arith.constant 1 : i32
      %add3A_267 = arith.addi %mul3A_265, %add3A_266 : i32
      %mul3A_268 = arith.constant 48 : i32
      %mul3A_269 = arith.muli %add3A_267, %mul3A_268 : i32
      %dma_wait3A_270 = tpu.memref_slice %arg4[%add3A_263] : memref<322560xi32, #tpu.memory_space<hbm>> -> memref<48xi32, #tpu.memory_space<hbm>>
      %dma_wait3A_271 = tpu.memref_slice %arg4[%add3A_263] : memref<322560xi32, #tpu.memory_space<hbm>> -> memref<48xi32, #tpu.memory_space<hbm>>
      tpu.wait_dma2 semaphore(%arg24 : memref<!tpu.dma_semaphore, #tpu.memory_space<semaphore_mem>>) src(%dma_wait3A_271 : memref<48xi32, #tpu.memory_space<hbm>>) dst(%arg12 : memref<48xi32, #tpu.memory_space<vmem>>)
      %dma_wait3A_272 = tpu.memref_slice %arg7[%mul3A_269] : memref<10080xi32, #tpu.memory_space<vmem>> -> memref<48xi32, #tpu.memory_space<vmem>>
      %dma_wait3A_273 = arith.constant 0 : i32
      %dma_wait3A_274 = arith.constant 0 : i32
      %dma_wait3A_275 = tpu.memref_slice %arg2[%dma_wait3A_273, %dma_wait3A_274] : memref<10000x128xf32, #tpu.memory_space<hbm>> -> memref<10000x128xf32, #tpu.memory_space<hbm>>
      tpu.wait_indirect_dma semaphore(%arg30 : memref<!tpu.dma_semaphore, #tpu.memory_space<semaphore_mem>>) src(%dma_wait3A_275 : memref<10000x128xf32, #tpu.memory_space<hbm>>) dst(%arg18 : memref<48x128xf32, #tpu.memory_space<vmem>>)
      %dma_start3A_276 = arith.constant 0 : i32
      %dma_start3A_277 = arith.constant 0 : i32
      %dma_start3A_278 = tpu.memref_slice %arg38[%dma_start3A_276, %dma_start3A_277] : memref<10016x128xf32, #tpu.memory_space<vmem_shared>> -> memref<10016x128xf32, #tpu.memory_space<vmem_shared>>
      tpu.enqueue_indirect_dma source(%arg18 : memref<48x128xf32, #tpu.memory_space<vmem>>) target(%dma_start3A_278 : memref<10016x128xf32, #tpu.memory_space<vmem_shared>>) offsets(%arg12 : memref<48xi32, #tpu.memory_space<vmem>>) semaphore(%arg36 : memref<!tpu.dma_semaphore, #tpu.memory_space<semaphore_mem>>) {add = true}
      %mul3A_279 = arith.constant 3 : i32
      %mul3A_280 = arith.muli %add3A_166, %mul3A_279 : i32
      %add3A_281 = arith.constant 2 : i32
      %add3A_282 = arith.addi %mul3A_280, %add3A_281 : i32
      %mul3A_283 = arith.constant 48 : i32
      %mul3A_284 = arith.muli %add3A_282, %mul3A_283 : i32
      %add3A_285 = arith.addi %mul3A_2, %mul3A_284 : i32
      %mul3A_286 = arith.constant 3 : i32
      %mul3A_287 = arith.muli %add3A_166, %mul3A_286 : i32
      %add3A_288 = arith.constant 2 : i32
      %add3A_289 = arith.addi %mul3A_287, %add3A_288 : i32
      %mul3A_290 = arith.constant 48 : i32
      %mul3A_291 = arith.muli %add3A_289, %mul3A_290 : i32
      %dma_wait3A_292 = tpu.memref_slice %arg4[%add3A_285] : memref<322560xi32, #tpu.memory_space<hbm>> -> memref<48xi32, #tpu.memory_space<hbm>>
      %dma_wait3A_293 = tpu.memref_slice %arg4[%add3A_285] : memref<322560xi32, #tpu.memory_space<hbm>> -> memref<48xi32, #tpu.memory_space<hbm>>
      tpu.wait_dma2 semaphore(%arg25 : memref<!tpu.dma_semaphore, #tpu.memory_space<semaphore_mem>>) src(%dma_wait3A_293 : memref<48xi32, #tpu.memory_space<hbm>>) dst(%arg13 : memref<48xi32, #tpu.memory_space<vmem>>)
      %dma_wait3A_294 = tpu.memref_slice %arg7[%mul3A_291] : memref<10080xi32, #tpu.memory_space<vmem>> -> memref<48xi32, #tpu.memory_space<vmem>>
      %dma_wait3A_295 = arith.constant 0 : i32
      %dma_wait3A_296 = arith.constant 0 : i32
      %dma_wait3A_297 = tpu.memref_slice %arg2[%dma_wait3A_295, %dma_wait3A_296] : memref<10000x128xf32, #tpu.memory_space<hbm>> -> memref<10000x128xf32, #tpu.memory_space<hbm>>
      tpu.wait_indirect_dma semaphore(%arg31 : memref<!tpu.dma_semaphore, #tpu.memory_space<semaphore_mem>>) src(%dma_wait3A_297 : memref<10000x128xf32, #tpu.memory_space<hbm>>) dst(%arg19 : memref<48x128xf32, #tpu.memory_space<vmem>>)
      %dma_start3A_298 = arith.constant 0 : i32
      %dma_start3A_299 = arith.constant 0 : i32
      %dma_start3A_300 = tpu.memref_slice %arg38[%dma_start3A_298, %dma_start3A_299] : memref<10016x128xf32, #tpu.memory_space<vmem_shared>> -> memref<10016x128xf32, #tpu.memory_space<vmem_shared>>
      tpu.enqueue_indirect_dma source(%arg19 : memref<48x128xf32, #tpu.memory_space<vmem>>) target(%dma_start3A_300 : memref<10016x128xf32, #tpu.memory_space<vmem_shared>>) offsets(%arg13 : memref<48xi32, #tpu.memory_space<vmem>>) semaphore(%arg37 : memref<!tpu.dma_semaphore, #tpu.memory_space<semaphore_mem>>) {add = true}
    }
    %scan3A_9 = arith.constant 35 : i32
    %dma_wait3A = arith.constant 0 : i32
    %dma_wait3A_10 = arith.constant 0 : i32
    %dma_wait3A_11 = tpu.memref_slice %arg38[%dma_wait3A, %dma_wait3A_10] : memref<10016x128xf32, #tpu.memory_space<vmem_shared>> -> memref<10016x128xf32, #tpu.memory_space<vmem_shared>>
    tpu.wait_indirect_dma semaphore(%arg32 : memref<!tpu.dma_semaphore, #tpu.memory_space<semaphore_mem>>) src(%arg14 : memref<48x128xf32, #tpu.memory_space<vmem>>) dst(%dma_wait3A_11 : memref<10016x128xf32, #tpu.memory_space<vmem_shared>>)
    %dma_wait3A_12 = arith.constant 0 : i32
    %dma_wait3A_13 = arith.constant 0 : i32
    %dma_wait3A_14 = tpu.memref_slice %arg38[%dma_wait3A_12, %dma_wait3A_13] : memref<10016x128xf32, #tpu.memory_space<vmem_shared>> -> memref<10016x128xf32, #tpu.memory_space<vmem_shared>>
    tpu.wait_indirect_dma semaphore(%arg33 : memref<!tpu.dma_semaphore, #tpu.memory_space<semaphore_mem>>) src(%arg15 : memref<48x128xf32, #tpu.memory_space<vmem>>) dst(%dma_wait3A_14 : memref<10016x128xf32, #tpu.memory_space<vmem_shared>>)
    %dma_wait3A_15 = arith.constant 0 : i32
    %dma_wait3A_16 = arith.constant 0 : i32
    %dma_wait3A_17 = tpu.memref_slice %arg38[%dma_wait3A_15, %dma_wait3A_16] : memref<10016x128xf32, #tpu.memory_space<vmem_shared>> -> memref<10016x128xf32, #tpu.memory_space<vmem_shared>>
    tpu.wait_indirect_dma semaphore(%arg34 : memref<!tpu.dma_semaphore, #tpu.memory_space<semaphore_mem>>) src(%arg16 : memref<48x128xf32, #tpu.memory_space<vmem>>) dst(%dma_wait3A_17 : memref<10016x128xf32, #tpu.memory_space<vmem_shared>>)
    %dma_wait3A_18 = arith.constant 0 : i32
    %dma_wait3A_19 = arith.constant 0 : i32
    %dma_wait3A_20 = tpu.memref_slice %arg38[%dma_wait3A_18, %dma_wait3A_19] : memref<10016x128xf32, #tpu.memory_space<vmem_shared>> -> memref<10016x128xf32, #tpu.memory_space<vmem_shared>>
    tpu.wait_indirect_dma semaphore(%arg35 : memref<!tpu.dma_semaphore, #tpu.memory_space<semaphore_mem>>) src(%arg17 : memref<48x128xf32, #tpu.memory_space<vmem>>) dst(%dma_wait3A_20 : memref<10016x128xf32, #tpu.memory_space<vmem_shared>>)
    %dma_wait3A_21 = arith.constant 0 : i32
    %dma_wait3A_22 = arith.constant 0 : i32
    %dma_wait3A_23 = tpu.memref_slice %arg38[%dma_wait3A_21, %dma_wait3A_22] : memref<10016x128xf32, #tpu.memory_space<vmem_shared>> -> memref<10016x128xf32, #tpu.memory_space<vmem_shared>>
    tpu.wait_indirect_dma semaphore(%arg36 : memref<!tpu.dma_semaphore, #tpu.memory_space<semaphore_mem>>) src(%arg18 : memref<48x128xf32, #tpu.memory_space<vmem>>) dst(%dma_wait3A_23 : memref<10016x128xf32, #tpu.memory_space<vmem_shared>>)
    %dma_wait3A_24 = arith.constant 0 : i32
    %dma_wait3A_25 = arith.constant 0 : i32
    %dma_wait3A_26 = tpu.memref_slice %arg38[%dma_wait3A_24, %dma_wait3A_25] : memref<10016x128xf32, #tpu.memory_space<vmem_shared>> -> memref<10016x128xf32, #tpu.memory_space<vmem_shared>>
    tpu.wait_indirect_dma semaphore(%arg37 : memref<!tpu.dma_semaphore, #tpu.memory_space<semaphore_mem>>) src(%arg19 : memref<48x128xf32, #tpu.memory_space<vmem>>) dst(%dma_wait3A_26 : memref<10016x128xf32, #tpu.memory_space<vmem_shared>>)
    %barrier3A_27 = arith.constant 0 : index
    tpu.barrier barrier_id(%barrier3A_27)
    %mul3A_28 = arith.constant 625 : i32
    %mul3A_29 = arith.muli %arg1, %mul3A_28 : i32
    "tpu.region"() ({
      %run_scoped3A = tpu.sem_alloc : memref<!tpu.dma_semaphore, #tpu.memory_space<semaphore_mem>>
      %dma_start3A = arith.constant 0 : i32
      %dma_start3A_30 = arith.constant 0 : i32
      %dma_start3A_31 = tpu.memref_slice %arg6[%add3A, %dma_start3A, %dma_start3A_30] : memref<32x625x128xf32, #tpu.memory_space<hbm>> -> memref<1x625x128xf32, #tpu.memory_space<hbm>>
      %dma_start3A_32 = tpu.memref_squeeze %dma_start3A_31 : memref<1x625x128xf32, #tpu.memory_space<hbm>> -> memref<625x128xf32, #tpu.memory_space<hbm>>
      %dma_start3A_33 = arith.constant 0 : i32
      %dma_start3A_34 = tpu.memref_slice %arg38[%mul3A_29, %dma_start3A_33] : memref<10016x128xf32, #tpu.memory_space<vmem_shared>> -> memref<625x128xf32, #tpu.memory_space<vmem_shared>>
      tpu.enqueue_dma source(%dma_start3A_34 : memref<625x128xf32, #tpu.memory_space<vmem_shared>>) target(%dma_start3A_32 : memref<625x128xf32, #tpu.memory_space<hbm>>) target_semaphore(%run_scoped3A : memref<!tpu.dma_semaphore, #tpu.memory_space<semaphore_mem>>)
      %dma_wait3A_35 = arith.constant 0 : i32
      %dma_wait3A_36 = arith.constant 0 : i32
      %dma_wait3A_37 = tpu.memref_slice %arg6[%add3A, %dma_wait3A_35, %dma_wait3A_36] : memref<32x625x128xf32, #tpu.memory_space<hbm>> -> memref<1x625x128xf32, #tpu.memory_space<hbm>>
      %dma_wait3A_38 = tpu.memref_squeeze %dma_wait3A_37 : memref<1x625x128xf32, #tpu.memory_space<hbm>> -> memref<625x128xf32, #tpu.memory_space<hbm>>
      %dma_wait3A_39 = arith.constant 0 : i32
      %dma_wait3A_40 = tpu.memref_slice %arg38[%mul3A_29, %dma_wait3A_39] : memref<10016x128xf32, #tpu.memory_space<vmem_shared>> -> memref<625x128xf32, #tpu.memory_space<vmem_shared>>
      tpu.wait_dma2 semaphore(%run_scoped3A : memref<!tpu.dma_semaphore, #tpu.memory_space<semaphore_mem>>) src(%dma_wait3A_40 : memref<625x128xf32, #tpu.memory_space<vmem_shared>>) dst(%dma_wait3A_38 : memref<625x128xf32, #tpu.memory_space<hbm>>)
      tpu.yield
    }) : () -> ()
    return
  }
}

#map = affine_map<(d0, d1) -> (0)>
#map1 = affine_map<(d0, d1) -> (0, 0)>
module attributes {stable_mosaic.version = 14 : i64} {
  func.func @_sc_degree(%arg0: i32, %arg1: i32, %arg2: memref<320000xi32, #tpu.memory_space<hbm>>, %arg3: memref<32x640xf32, #tpu.memory_space<hbm>>, %arg4: memref<10000xi32, #tpu.memory_space<vmem>>, %arg5: memref<10240xf32, #tpu.memory_space<vmem>>, %arg6: memref<10240xf32, #tpu.memory_space<vmem>>, %arg7: memref<640xf32, #tpu.memory_space<vmem>>, %arg8: memref<163840xf32, #tpu.memory_space<vmem_shared>>) attributes {dimension_semantics = [#tpu.dimension_semantics<core_parallel>, #tpu.dimension_semantics<subcore_parallel>], iteration_bounds = array<i64: 2, 16>, scalar_prefetch = 0 : i64, scratch_operands = 5 : i64, tpu.core_type = #tpu.core_type<sc_vector_subcore>, window_params = [{transform_indices = #map}, {transform_indices = #map1}]} {
    %mul3A = arith.constant 16 : i32
    %mul3A_0 = arith.muli %arg0, %mul3A : i32
    %add3A = arith.addi %mul3A_0, %arg1 : i32
    %mul3A_1 = arith.constant 10000 : i32
    %mul3A_2 = arith.muli %add3A, %mul3A_1 : i32
    "tpu.region"() ({
      %run_scoped3A = tpu.sem_alloc : memref<!tpu.dma_semaphore, #tpu.memory_space<semaphore_mem>>
      %dma_start3A = tpu.memref_slice %arg2[%mul3A_2] : memref<320000xi32, #tpu.memory_space<hbm>> -> memref<10000xi32, #tpu.memory_space<hbm>>
      %dma_start3A_89 = tpu.memref_slice %arg2[%mul3A_2] : memref<320000xi32, #tpu.memory_space<hbm>> -> memref<10000xi32, #tpu.memory_space<hbm>>
      tpu.enqueue_dma source(%dma_start3A_89 : memref<10000xi32, #tpu.memory_space<hbm>>) target(%arg4 : memref<10000xi32, #tpu.memory_space<vmem>>) target_semaphore(%run_scoped3A : memref<!tpu.dma_semaphore, #tpu.memory_space<semaphore_mem>>)
      %dma_wait3A = tpu.memref_slice %arg2[%mul3A_2] : memref<320000xi32, #tpu.memory_space<hbm>> -> memref<10000xi32, #tpu.memory_space<hbm>>
      %dma_wait3A_90 = tpu.memref_slice %arg2[%mul3A_2] : memref<320000xi32, #tpu.memory_space<hbm>> -> memref<10000xi32, #tpu.memory_space<hbm>>
      tpu.wait_dma2 semaphore(%run_scoped3A : memref<!tpu.dma_semaphore, #tpu.memory_space<semaphore_mem>>) src(%dma_wait3A_90 : memref<10000xi32, #tpu.memory_space<hbm>>) dst(%arg4 : memref<10000xi32, #tpu.memory_space<vmem>>)
      tpu.yield
    }) : () -> ()
    %broadcast_in_dim3A = arith.constant 0.000000e+00 : f32
    %broadcast_in_dim3A_3 = vector.broadcast %broadcast_in_dim3A : f32 to vector<16xf32>
    %broadcast_in_dim3A_4 = arith.constant 1.000000e+00 : f32
    %broadcast_in_dim3A_5 = vector.broadcast %broadcast_in_dim3A_4 : f32 to vector<16xf32>
    %scan3A = arith.constant 0 : i32
    %scan3A_6 = arith.constant 0 : i32
    %scan3A_7 = arith.constant 640 : i32
    %scan3A_8 = arith.addi %scan3A_6, %scan3A_7 : i32
    %scan3A_9 = arith.constant 1 : i32
    scf.for %scan3A_89 = %scan3A_6 to %scan3A_8 step %scan3A_9  : i32 {
      %mul3A_90 = arith.constant 16 : i32
      %mul3A_91 = arith.muli %scan3A_89, %mul3A_90 : i32
      %swap3A = arith.index_cast %mul3A_91 : i32 to index
      %swap3A_92 = tpu.vector_load %arg5[%swap3A] {strides = array<i32>} : memref<10240xf32, #tpu.memory_space<vmem>>, vector<16xf32>,
      tpu.vector_store %arg5[%swap3A], %broadcast_in_dim3A_3 {strides = array<i32>} : memref<10240xf32, #tpu.memory_space<vmem>>, vector<16xf32>,
    }
    %scan3A_10 = arith.constant 640 : i32
    %scan3A_11 = arith.constant 0 : i32
    %scan3A_12 = arith.constant 0 : i32
    %scan3A_13 = arith.constant 625 : i32
    %scan3A_14 = arith.addi %scan3A_12, %scan3A_13 : i32
    %scan3A_15 = arith.constant 1 : i32
    scf.for %scan3A_89 = %scan3A_12 to %scan3A_14 step %scan3A_15  : i32 {
      %mul3A_90 = arith.constant 16 : i32
      %mul3A_91 = arith.muli %scan3A_89, %mul3A_90 : i32
      %get3A = arith.index_cast %mul3A_91 : i32 to index
      %get3A_92 = tpu.vector_load %arg4[%get3A] {strides = array<i32>} : memref<10000xi32, #tpu.memory_space<vmem>>, vector<16xi32>,
      tpu.vector_store_idx %arg5[%get3A_92], %broadcast_in_dim3A_5 {add = true} : memref<10240xf32, #tpu.memory_space<vmem>>[vector<16xi32>], vector<16xf32>,
    }
    %scan3A_16 = arith.constant 625 : i32
    %mul3A_17 = arith.constant 10240 : i32
    %mul3A_18 = arith.muli %arg1, %mul3A_17 : i32
    "tpu.region"() ({
      %run_scoped3A = tpu.sem_alloc : memref<!tpu.dma_semaphore, #tpu.memory_space<semaphore_mem>>
      %dma_start3A = tpu.memref_slice %arg8[%mul3A_18] : memref<163840xf32, #tpu.memory_space<vmem_shared>> -> memref<10240xf32, #tpu.memory_space<vmem_shared>>
      %dma_start3A_89 = tpu.memref_slice %arg8[%mul3A_18] : memref<163840xf32, #tpu.memory_space<vmem_shared>> -> memref<10240xf32, #tpu.memory_space<vmem_shared>>
      tpu.enqueue_dma source(%arg5 : memref<10240xf32, #tpu.memory_space<vmem>>) target(%dma_start3A_89 : memref<10240xf32, #tpu.memory_space<vmem_shared>>) target_semaphore(%run_scoped3A : memref<!tpu.dma_semaphore, #tpu.memory_space<semaphore_mem>>)
      %dma_wait3A = tpu.memref_slice %arg8[%mul3A_18] : memref<163840xf32, #tpu.memory_space<vmem_shared>> -> memref<10240xf32, #tpu.memory_space<vmem_shared>>
      %dma_wait3A_90 = tpu.memref_slice %arg8[%mul3A_18] : memref<163840xf32, #tpu.memory_space<vmem_shared>> -> memref<10240xf32, #tpu.memory_space<vmem_shared>>
      tpu.wait_dma2 semaphore(%run_scoped3A : memref<!tpu.dma_semaphore, #tpu.memory_space<semaphore_mem>>) src(%arg5 : memref<10240xf32, #tpu.memory_space<vmem>>) dst(%dma_wait3A_90 : memref<10240xf32, #tpu.memory_space<vmem_shared>>)
      tpu.yield
    }) : () -> ()
    %barrier3A = arith.constant 0 : index
    tpu.barrier barrier_id(%barrier3A)
    %mul3A_19 = arith.constant 640 : i32
    %mul3A_20 = arith.muli %arg1, %mul3A_19 : i32
    %add3A_21 = arith.constant 0 : i32
    %add3A_22 = arith.addi %add3A_21, %mul3A_20 : i32
    "tpu.region"() ({
      %run_scoped3A = tpu.sem_alloc : memref<!tpu.dma_semaphore, #tpu.memory_space<semaphore_mem>>
      %dma_start3A = arith.constant 0 : i32
      %dma_start3A_89 = tpu.memref_slice %arg6[%dma_start3A] : memref<10240xf32, #tpu.memory_space<vmem>> -> memref<640xf32, #tpu.memory_space<vmem>>
      %dma_start3A_90 = tpu.memref_slice %arg8[%add3A_22] : memref<163840xf32, #tpu.memory_space<vmem_shared>> -> memref<640xf32, #tpu.memory_space<vmem_shared>>
      %dma_start3A_91 = arith.constant 0 : i32
      %dma_start3A_92 = tpu.memref_slice %arg6[%dma_start3A_91] : memref<10240xf32, #tpu.memory_space<vmem>> -> memref<640xf32, #tpu.memory_space<vmem>>
      %dma_start3A_93 = tpu.memref_slice %arg8[%add3A_22] : memref<163840xf32, #tpu.memory_space<vmem_shared>> -> memref<640xf32, #tpu.memory_space<vmem_shared>>
      tpu.enqueue_dma source(%dma_start3A_93 : memref<640xf32, #tpu.memory_space<vmem_shared>>) target(%dma_start3A_92 : memref<640xf32, #tpu.memory_space<vmem>>) target_semaphore(%run_scoped3A : memref<!tpu.dma_semaphore, #tpu.memory_space<semaphore_mem>>)
      %dma_wait3A = arith.constant 0 : i32
      %dma_wait3A_94 = tpu.memref_slice %arg6[%dma_wait3A] : memref<10240xf32, #tpu.memory_space<vmem>> -> memref<640xf32, #tpu.memory_space<vmem>>
      %dma_wait3A_95 = tpu.memref_slice %arg8[%add3A_22] : memref<163840xf32, #tpu.memory_space<vmem_shared>> -> memref<640xf32, #tpu.memory_space<vmem_shared>>
      %dma_wait3A_96 = arith.constant 0 : i32
      %dma_wait3A_97 = tpu.memref_slice %arg6[%dma_wait3A_96] : memref<10240xf32, #tpu.memory_space<vmem>> -> memref<640xf32, #tpu.memory_space<vmem>>
      %dma_wait3A_98 = tpu.memref_slice %arg8[%add3A_22] : memref<163840xf32, #tpu.memory_space<vmem_shared>> -> memref<640xf32, #tpu.memory_space<vmem_shared>>
      tpu.wait_dma2 semaphore(%run_scoped3A : memref<!tpu.dma_semaphore, #tpu.memory_space<semaphore_mem>>) src(%dma_wait3A_98 : memref<640xf32, #tpu.memory_space<vmem_shared>>) dst(%dma_wait3A_97 : memref<640xf32, #tpu.memory_space<vmem>>)
      tpu.yield
    }) : () -> ()
    %mul3A_23 = arith.constant 640 : i32
    %mul3A_24 = arith.muli %arg1, %mul3A_23 : i32
    %add3A_25 = arith.constant 10240 : i32
    %add3A_26 = arith.addi %add3A_25, %mul3A_24 : i32
    "tpu.region"() ({
      %run_scoped3A = tpu.sem_alloc : memref<!tpu.dma_semaphore, #tpu.memory_space<semaphore_mem>>
      %dma_start3A = arith.constant 640 : i32
      %dma_start3A_89 = tpu.memref_slice %arg6[%dma_start3A] : memref<10240xf32, #tpu.memory_space<vmem>> -> memref<640xf32, #tpu.memory_space<vmem>>
      %dma_start3A_90 = tpu.memref_slice %arg8[%add3A_26] : memref<163840xf32, #tpu.memory_space<vmem_shared>> -> memref<640xf32, #tpu.memory_space<vmem_shared>>
      %dma_start3A_91 = arith.constant 640 : i32
      %dma_start3A_92 = tpu.memref_slice %arg6[%dma_start3A_91] : memref<10240xf32, #tpu.memory_space<vmem>> -> memref<640xf32, #tpu.memory_space<vmem>>
      %dma_start3A_93 = tpu.memref_slice %arg8[%add3A_26] : memref<163840xf32, #tpu.memory_space<vmem_shared>> -> memref<640xf32, #tpu.memory_space<vmem_shared>>
      tpu.enqueue_dma source(%dma_start3A_93 : memref<640xf32, #tpu.memory_space<vmem_shared>>) target(%dma_start3A_92 : memref<640xf32, #tpu.memory_space<vmem>>) target_semaphore(%run_scoped3A : memref<!tpu.dma_semaphore, #tpu.memory_space<semaphore_mem>>)
      %dma_wait3A = arith.constant 640 : i32
      %dma_wait3A_94 = tpu.memref_slice %arg6[%dma_wait3A] : memref<10240xf32, #tpu.memory_space<vmem>> -> memref<640xf32, #tpu.memory_space<vmem>>
      %dma_wait3A_95 = tpu.memref_slice %arg8[%add3A_26] : memref<163840xf32, #tpu.memory_space<vmem_shared>> -> memref<640xf32, #tpu.memory_space<vmem_shared>>
      %dma_wait3A_96 = arith.constant 640 : i32
      %dma_wait3A_97 = tpu.memref_slice %arg6[%dma_wait3A_96] : memref<10240xf32, #tpu.memory_space<vmem>> -> memref<640xf32, #tpu.memory_space<vmem>>
      %dma_wait3A_98 = tpu.memref_slice %arg8[%add3A_26] : memref<163840xf32, #tpu.memory_space<vmem_shared>> -> memref<640xf32, #tpu.memory_space<vmem_shared>>
      tpu.wait_dma2 semaphore(%run_scoped3A : memref<!tpu.dma_semaphore, #tpu.memory_space<semaphore_mem>>) src(%dma_wait3A_98 : memref<640xf32, #tpu.memory_space<vmem_shared>>) dst(%dma_wait3A_97 : memref<640xf32, #tpu.memory_space<vmem>>)
      tpu.yield
    }) : () -> ()
    %mul3A_27 = arith.constant 640 : i32
    %mul3A_28 = arith.muli %arg1, %mul3A_27 : i32
    %add3A_29 = arith.constant 20480 : i32
    %add3A_30 = arith.addi %add3A_29, %mul3A_28 : i32
    "tpu.region"() ({
      %run_scoped3A = tpu.sem_alloc : memref<!tpu.dma_semaphore, #tpu.memory_space<semaphore_mem>>
      %dma_start3A = arith.constant 1280 : i32
      %dma_start3A_89 = tpu.memref_slice %arg6[%dma_start3A] : memref<10240xf32, #tpu.memory_space<vmem>> -> memref<640xf32, #tpu.memory_space<vmem>>
      %dma_start3A_90 = tpu.memref_slice %arg8[%add3A_30] : memref<163840xf32, #tpu.memory_space<vmem_shared>> -> memref<640xf32, #tpu.memory_space<vmem_shared>>
      %dma_start3A_91 = arith.constant 1280 : i32
      %dma_start3A_92 = tpu.memref_slice %arg6[%dma_start3A_91] : memref<10240xf32, #tpu.memory_space<vmem>> -> memref<640xf32, #tpu.memory_space<vmem>>
      %dma_start3A_93 = tpu.memref_slice %arg8[%add3A_30] : memref<163840xf32, #tpu.memory_space<vmem_shared>> -> memref<640xf32, #tpu.memory_space<vmem_shared>>
      tpu.enqueue_dma source(%dma_start3A_93 : memref<640xf32, #tpu.memory_space<vmem_shared>>) target(%dma_start3A_92 : memref<640xf32, #tpu.memory_space<vmem>>) target_semaphore(%run_scoped3A : memref<!tpu.dma_semaphore, #tpu.memory_space<semaphore_mem>>)
      %dma_wait3A = arith.constant 1280 : i32
      %dma_wait3A_94 = tpu.memref_slice %arg6[%dma_wait3A] : memref<10240xf32, #tpu.memory_space<vmem>> -> memref<640xf32, #tpu.memory_space<vmem>>
      %dma_wait3A_95 = tpu.memref_slice %arg8[%add3A_30] : memref<163840xf32, #tpu.memory_space<vmem_shared>> -> memref<640xf32, #tpu.memory_space<vmem_shared>>
      %dma_wait3A_96 = arith.constant 1280 : i32
      %dma_wait3A_97 = tpu.memref_slice %arg6[%dma_wait3A_96] : memref<10240xf32, #tpu.memory_space<vmem>> -> memref<640xf32, #tpu.memory_space<vmem>>
      %dma_wait3A_98 = tpu.memref_slice %arg8[%add3A_30] : memref<163840xf32, #tpu.memory_space<vmem_shared>> -> memref<640xf32, #tpu.memory_space<vmem_shared>>
      tpu.wait_dma2 semaphore(%run_scoped3A : memref<!tpu.dma_semaphore, #tpu.memory_space<semaphore_mem>>) src(%dma_wait3A_98 : memref<640xf32, #tpu.memory_space<vmem_shared>>) dst(%dma_wait3A_97 : memref<640xf32, #tpu.memory_space<vmem>>)
      tpu.yield
    }) : () -> ()
    %mul3A_31 = arith.constant 640 : i32
    %mul3A_32 = arith.muli %arg1, %mul3A_31 : i32
    %add3A_33 = arith.constant 30720 : i32
    %add3A_34 = arith.addi %add3A_33, %mul3A_32 : i32
    "tpu.region"() ({
      %run_scoped3A = tpu.sem_alloc : memref<!tpu.dma_semaphore, #tpu.memory_space<semaphore_mem>>
      %dma_start3A = arith.constant 1920 : i32
      %dma_start3A_89 = tpu.memref_slice %arg6[%dma_start3A] : memref<10240xf32, #tpu.memory_space<vmem>> -> memref<640xf32, #tpu.memory_space<vmem>>
      %dma_start3A_90 = tpu.memref_slice %arg8[%add3A_34] : memref<163840xf32, #tpu.memory_space<vmem_shared>> -> memref<640xf32, #tpu.memory_space<vmem_shared>>
      %dma_start3A_91 = arith.constant 1920 : i32
      %dma_start3A_92 = tpu.memref_slice %arg6[%dma_start3A_91] : memref<10240xf32, #tpu.memory_space<vmem>> -> memref<640xf32, #tpu.memory_space<vmem>>
      %dma_start3A_93 = tpu.memref_slice %arg8[%add3A_34] : memref<163840xf32, #tpu.memory_space<vmem_shared>> -> memref<640xf32, #tpu.memory_space<vmem_shared>>
      tpu.enqueue_dma source(%dma_start3A_93 : memref<640xf32, #tpu.memory_space<vmem_shared>>) target(%dma_start3A_92 : memref<640xf32, #tpu.memory_space<vmem>>) target_semaphore(%run_scoped3A : memref<!tpu.dma_semaphore, #tpu.memory_space<semaphore_mem>>)
      %dma_wait3A = arith.constant 1920 : i32
      %dma_wait3A_94 = tpu.memref_slice %arg6[%dma_wait3A] : memref<10240xf32, #tpu.memory_space<vmem>> -> memref<640xf32, #tpu.memory_space<vmem>>
      %dma_wait3A_95 = tpu.memref_slice %arg8[%add3A_34] : memref<163840xf32, #tpu.memory_space<vmem_shared>> -> memref<640xf32, #tpu.memory_space<vmem_shared>>
      %dma_wait3A_96 = arith.constant 1920 : i32
      %dma_wait3A_97 = tpu.memref_slice %arg6[%dma_wait3A_96] : memref<10240xf32, #tpu.memory_space<vmem>> -> memref<640xf32, #tpu.memory_space<vmem>>
      %dma_wait3A_98 = tpu.memref_slice %arg8[%add3A_34] : memref<163840xf32, #tpu.memory_space<vmem_shared>> -> memref<640xf32, #tpu.memory_space<vmem_shared>>
      tpu.wait_dma2 semaphore(%run_scoped3A : memref<!tpu.dma_semaphore, #tpu.memory_space<semaphore_mem>>) src(%dma_wait3A_98 : memref<640xf32, #tpu.memory_space<vmem_shared>>) dst(%dma_wait3A_97 : memref<640xf32, #tpu.memory_space<vmem>>)
      tpu.yield
    }) : () -> ()
    %mul3A_35 = arith.constant 640 : i32
    %mul3A_36 = arith.muli %arg1, %mul3A_35 : i32
    %add3A_37 = arith.constant 40960 : i32
    %add3A_38 = arith.addi %add3A_37, %mul3A_36 : i32
    "tpu.region"() ({
      %run_scoped3A = tpu.sem_alloc : memref<!tpu.dma_semaphore, #tpu.memory_space<semaphore_mem>>
      %dma_start3A = arith.constant 2560 : i32
      %dma_start3A_89 = tpu.memref_slice %arg6[%dma_start3A] : memref<10240xf32, #tpu.memory_space<vmem>> -> memref<640xf32, #tpu.memory_space<vmem>>
      %dma_start3A_90 = tpu.memref_slice %arg8[%add3A_38] : memref<163840xf32, #tpu.memory_space<vmem_shared>> -> memref<640xf32, #tpu.memory_space<vmem_shared>>
      %dma_start3A_91 = arith.constant 2560 : i32
      %dma_start3A_92 = tpu.memref_slice %arg6[%dma_start3A_91] : memref<10240xf32, #tpu.memory_space<vmem>> -> memref<640xf32, #tpu.memory_space<vmem>>
      %dma_start3A_93 = tpu.memref_slice %arg8[%add3A_38] : memref<163840xf32, #tpu.memory_space<vmem_shared>> -> memref<640xf32, #tpu.memory_space<vmem_shared>>
      tpu.enqueue_dma source(%dma_start3A_93 : memref<640xf32, #tpu.memory_space<vmem_shared>>) target(%dma_start3A_92 : memref<640xf32, #tpu.memory_space<vmem>>) target_semaphore(%run_scoped3A : memref<!tpu.dma_semaphore, #tpu.memory_space<semaphore_mem>>)
      %dma_wait3A = arith.constant 2560 : i32
      %dma_wait3A_94 = tpu.memref_slice %arg6[%dma_wait3A] : memref<10240xf32, #tpu.memory_space<vmem>> -> memref<640xf32, #tpu.memory_space<vmem>>
      %dma_wait3A_95 = tpu.memref_slice %arg8[%add3A_38] : memref<163840xf32, #tpu.memory_space<vmem_shared>> -> memref<640xf32, #tpu.memory_space<vmem_shared>>
      %dma_wait3A_96 = arith.constant 2560 : i32
      %dma_wait3A_97 = tpu.memref_slice %arg6[%dma_wait3A_96] : memref<10240xf32, #tpu.memory_space<vmem>> -> memref<640xf32, #tpu.memory_space<vmem>>
      %dma_wait3A_98 = tpu.memref_slice %arg8[%add3A_38] : memref<163840xf32, #tpu.memory_space<vmem_shared>> -> memref<640xf32, #tpu.memory_space<vmem_shared>>
      tpu.wait_dma2 semaphore(%run_scoped3A : memref<!tpu.dma_semaphore, #tpu.memory_space<semaphore_mem>>) src(%dma_wait3A_98 : memref<640xf32, #tpu.memory_space<vmem_shared>>) dst(%dma_wait3A_97 : memref<640xf32, #tpu.memory_space<vmem>>)
      tpu.yield
    }) : () -> ()
    %mul3A_39 = arith.constant 640 : i32
    %mul3A_40 = arith.muli %arg1, %mul3A_39 : i32
    %add3A_41 = arith.constant 51200 : i32
    %add3A_42 = arith.addi %add3A_41, %mul3A_40 : i32
    "tpu.region"() ({
      %run_scoped3A = tpu.sem_alloc : memref<!tpu.dma_semaphore, #tpu.memory_space<semaphore_mem>>
      %dma_start3A = arith.constant 3200 : i32
      %dma_start3A_89 = tpu.memref_slice %arg6[%dma_start3A] : memref<10240xf32, #tpu.memory_space<vmem>> -> memref<640xf32, #tpu.memory_space<vmem>>
      %dma_start3A_90 = tpu.memref_slice %arg8[%add3A_42] : memref<163840xf32, #tpu.memory_space<vmem_shared>> -> memref<640xf32, #tpu.memory_space<vmem_shared>>
      %dma_start3A_91 = arith.constant 3200 : i32
      %dma_start3A_92 = tpu.memref_slice %arg6[%dma_start3A_91] : memref<10240xf32, #tpu.memory_space<vmem>> -> memref<640xf32, #tpu.memory_space<vmem>>
      %dma_start3A_93 = tpu.memref_slice %arg8[%add3A_42] : memref<163840xf32, #tpu.memory_space<vmem_shared>> -> memref<640xf32, #tpu.memory_space<vmem_shared>>
      tpu.enqueue_dma source(%dma_start3A_93 : memref<640xf32, #tpu.memory_space<vmem_shared>>) target(%dma_start3A_92 : memref<640xf32, #tpu.memory_space<vmem>>) target_semaphore(%run_scoped3A : memref<!tpu.dma_semaphore, #tpu.memory_space<semaphore_mem>>)
      %dma_wait3A = arith.constant 3200 : i32
      %dma_wait3A_94 = tpu.memref_slice %arg6[%dma_wait3A] : memref<10240xf32, #tpu.memory_space<vmem>> -> memref<640xf32, #tpu.memory_space<vmem>>
      %dma_wait3A_95 = tpu.memref_slice %arg8[%add3A_42] : memref<163840xf32, #tpu.memory_space<vmem_shared>> -> memref<640xf32, #tpu.memory_space<vmem_shared>>
      %dma_wait3A_96 = arith.constant 3200 : i32
      %dma_wait3A_97 = tpu.memref_slice %arg6[%dma_wait3A_96] : memref<10240xf32, #tpu.memory_space<vmem>> -> memref<640xf32, #tpu.memory_space<vmem>>
      %dma_wait3A_98 = tpu.memref_slice %arg8[%add3A_42] : memref<163840xf32, #tpu.memory_space<vmem_shared>> -> memref<640xf32, #tpu.memory_space<vmem_shared>>
      tpu.wait_dma2 semaphore(%run_scoped3A : memref<!tpu.dma_semaphore, #tpu.memory_space<semaphore_mem>>) src(%dma_wait3A_98 : memref<640xf32, #tpu.memory_space<vmem_shared>>) dst(%dma_wait3A_97 : memref<640xf32, #tpu.memory_space<vmem>>)
      tpu.yield
    }) : () -> ()
    %mul3A_43 = arith.constant 640 : i32
    %mul3A_44 = arith.muli %arg1, %mul3A_43 : i32
    %add3A_45 = arith.constant 61440 : i32
    %add3A_46 = arith.addi %add3A_45, %mul3A_44 : i32
    "tpu.region"() ({
      %run_scoped3A = tpu.sem_alloc : memref<!tpu.dma_semaphore, #tpu.memory_space<semaphore_mem>>
      %dma_start3A = arith.constant 3840 : i32
      %dma_start3A_89 = tpu.memref_slice %arg6[%dma_start3A] : memref<10240xf32, #tpu.memory_space<vmem>> -> memref<640xf32, #tpu.memory_space<vmem>>
      %dma_start3A_90 = tpu.memref_slice %arg8[%add3A_46] : memref<163840xf32, #tpu.memory_space<vmem_shared>> -> memref<640xf32, #tpu.memory_space<vmem_shared>>
      %dma_start3A_91 = arith.constant 3840 : i32
      %dma_start3A_92 = tpu.memref_slice %arg6[%dma_start3A_91] : memref<10240xf32, #tpu.memory_space<vmem>> -> memref<640xf32, #tpu.memory_space<vmem>>
      %dma_start3A_93 = tpu.memref_slice %arg8[%add3A_46] : memref<163840xf32, #tpu.memory_space<vmem_shared>> -> memref<640xf32, #tpu.memory_space<vmem_shared>>
      tpu.enqueue_dma source(%dma_start3A_93 : memref<640xf32, #tpu.memory_space<vmem_shared>>) target(%dma_start3A_92 : memref<640xf32, #tpu.memory_space<vmem>>) target_semaphore(%run_scoped3A : memref<!tpu.dma_semaphore, #tpu.memory_space<semaphore_mem>>)
      %dma_wait3A = arith.constant 3840 : i32
      %dma_wait3A_94 = tpu.memref_slice %arg6[%dma_wait3A] : memref<10240xf32, #tpu.memory_space<vmem>> -> memref<640xf32, #tpu.memory_space<vmem>>
      %dma_wait3A_95 = tpu.memref_slice %arg8[%add3A_46] : memref<163840xf32, #tpu.memory_space<vmem_shared>> -> memref<640xf32, #tpu.memory_space<vmem_shared>>
      %dma_wait3A_96 = arith.constant 3840 : i32
      %dma_wait3A_97 = tpu.memref_slice %arg6[%dma_wait3A_96] : memref<10240xf32, #tpu.memory_space<vmem>> -> memref<640xf32, #tpu.memory_space<vmem>>
      %dma_wait3A_98 = tpu.memref_slice %arg8[%add3A_46] : memref<163840xf32, #tpu.memory_space<vmem_shared>> -> memref<640xf32, #tpu.memory_space<vmem_shared>>
      tpu.wait_dma2 semaphore(%run_scoped3A : memref<!tpu.dma_semaphore, #tpu.memory_space<semaphore_mem>>) src(%dma_wait3A_98 : memref<640xf32, #tpu.memory_space<vmem_shared>>) dst(%dma_wait3A_97 : memref<640xf32, #tpu.memory_space<vmem>>)
      tpu.yield
    }) : () -> ()
    %mul3A_47 = arith.constant 640 : i32
    %mul3A_48 = arith.muli %arg1, %mul3A_47 : i32
    %add3A_49 = arith.constant 71680 : i32
    %add3A_50 = arith.addi %add3A_49, %mul3A_48 : i32
    "tpu.region"() ({
      %run_scoped3A = tpu.sem_alloc : memref<!tpu.dma_semaphore, #tpu.memory_space<semaphore_mem>>
      %dma_start3A = arith.constant 4480 : i32
      %dma_start3A_89 = tpu.memref_slice %arg6[%dma_start3A] : memref<10240xf32, #tpu.memory_space<vmem>> -> memref<640xf32, #tpu.memory_space<vmem>>
      %dma_start3A_90 = tpu.memref_slice %arg8[%add3A_50] : memref<163840xf32, #tpu.memory_space<vmem_shared>> -> memref<640xf32, #tpu.memory_space<vmem_shared>>
      %dma_start3A_91 = arith.constant 4480 : i32
      %dma_start3A_92 = tpu.memref_slice %arg6[%dma_start3A_91] : memref<10240xf32, #tpu.memory_space<vmem>> -> memref<640xf32, #tpu.memory_space<vmem>>
      %dma_start3A_93 = tpu.memref_slice %arg8[%add3A_50] : memref<163840xf32, #tpu.memory_space<vmem_shared>> -> memref<640xf32, #tpu.memory_space<vmem_shared>>
      tpu.enqueue_dma source(%dma_start3A_93 : memref<640xf32, #tpu.memory_space<vmem_shared>>) target(%dma_start3A_92 : memref<640xf32, #tpu.memory_space<vmem>>) target_semaphore(%run_scoped3A : memref<!tpu.dma_semaphore, #tpu.memory_space<semaphore_mem>>)
      %dma_wait3A = arith.constant 4480 : i32
      %dma_wait3A_94 = tpu.memref_slice %arg6[%dma_wait3A] : memref<10240xf32, #tpu.memory_space<vmem>> -> memref<640xf32, #tpu.memory_space<vmem>>
      %dma_wait3A_95 = tpu.memref_slice %arg8[%add3A_50] : memref<163840xf32, #tpu.memory_space<vmem_shared>> -> memref<640xf32, #tpu.memory_space<vmem_shared>>
      %dma_wait3A_96 = arith.constant 4480 : i32
      %dma_wait3A_97 = tpu.memref_slice %arg6[%dma_wait3A_96] : memref<10240xf32, #tpu.memory_space<vmem>> -> memref<640xf32, #tpu.memory_space<vmem>>
      %dma_wait3A_98 = tpu.memref_slice %arg8[%add3A_50] : memref<163840xf32, #tpu.memory_space<vmem_shared>> -> memref<640xf32, #tpu.memory_space<vmem_shared>>
      tpu.wait_dma2 semaphore(%run_scoped3A : memref<!tpu.dma_semaphore, #tpu.memory_space<semaphore_mem>>) src(%dma_wait3A_98 : memref<640xf32, #tpu.memory_space<vmem_shared>>) dst(%dma_wait3A_97 : memref<640xf32, #tpu.memory_space<vmem>>)
      tpu.yield
    }) : () -> ()
    %mul3A_51 = arith.constant 640 : i32
    %mul3A_52 = arith.muli %arg1, %mul3A_51 : i32
    %add3A_53 = arith.constant 81920 : i32
    %add3A_54 = arith.addi %add3A_53, %mul3A_52 : i32
    "tpu.region"() ({
      %run_scoped3A = tpu.sem_alloc : memref<!tpu.dma_semaphore, #tpu.memory_space<semaphore_mem>>
      %dma_start3A = arith.constant 5120 : i32
      %dma_start3A_89 = tpu.memref_slice %arg6[%dma_start3A] : memref<10240xf32, #tpu.memory_space<vmem>> -> memref<640xf32, #tpu.memory_space<vmem>>
      %dma_start3A_90 = tpu.memref_slice %arg8[%add3A_54] : memref<163840xf32, #tpu.memory_space<vmem_shared>> -> memref<640xf32, #tpu.memory_space<vmem_shared>>
      %dma_start3A_91 = arith.constant 5120 : i32
      %dma_start3A_92 = tpu.memref_slice %arg6[%dma_start3A_91] : memref<10240xf32, #tpu.memory_space<vmem>> -> memref<640xf32, #tpu.memory_space<vmem>>
      %dma_start3A_93 = tpu.memref_slice %arg8[%add3A_54] : memref<163840xf32, #tpu.memory_space<vmem_shared>> -> memref<640xf32, #tpu.memory_space<vmem_shared>>
      tpu.enqueue_dma source(%dma_start3A_93 : memref<640xf32, #tpu.memory_space<vmem_shared>>) target(%dma_start3A_92 : memref<640xf32, #tpu.memory_space<vmem>>) target_semaphore(%run_scoped3A : memref<!tpu.dma_semaphore, #tpu.memory_space<semaphore_mem>>)
      %dma_wait3A = arith.constant 5120 : i32
      %dma_wait3A_94 = tpu.memref_slice %arg6[%dma_wait3A] : memref<10240xf32, #tpu.memory_space<vmem>> -> memref<640xf32, #tpu.memory_space<vmem>>
      %dma_wait3A_95 = tpu.memref_slice %arg8[%add3A_54] : memref<163840xf32, #tpu.memory_space<vmem_shared>> -> memref<640xf32, #tpu.memory_space<vmem_shared>>
      %dma_wait3A_96 = arith.constant 5120 : i32
      %dma_wait3A_97 = tpu.memref_slice %arg6[%dma_wait3A_96] : memref<10240xf32, #tpu.memory_space<vmem>> -> memref<640xf32, #tpu.memory_space<vmem>>
      %dma_wait3A_98 = tpu.memref_slice %arg8[%add3A_54] : memref<163840xf32, #tpu.memory_space<vmem_shared>> -> memref<640xf32, #tpu.memory_space<vmem_shared>>
      tpu.wait_dma2 semaphore(%run_scoped3A : memref<!tpu.dma_semaphore, #tpu.memory_space<semaphore_mem>>) src(%dma_wait3A_98 : memref<640xf32, #tpu.memory_space<vmem_shared>>) dst(%dma_wait3A_97 : memref<640xf32, #tpu.memory_space<vmem>>)
      tpu.yield
    }) : () -> ()
    %mul3A_55 = arith.constant 640 : i32
    %mul3A_56 = arith.muli %arg1, %mul3A_55 : i32
    %add3A_57 = arith.constant 92160 : i32
    %add3A_58 = arith.addi %add3A_57, %mul3A_56 : i32
    "tpu.region"() ({
      %run_scoped3A = tpu.sem_alloc : memref<!tpu.dma_semaphore, #tpu.memory_space<semaphore_mem>>
      %dma_start3A = arith.constant 5760 : i32
      %dma_start3A_89 = tpu.memref_slice %arg6[%dma_start3A] : memref<10240xf32, #tpu.memory_space<vmem>> -> memref<640xf32, #tpu.memory_space<vmem>>
      %dma_start3A_90 = tpu.memref_slice %arg8[%add3A_58] : memref<163840xf32, #tpu.memory_space<vmem_shared>> -> memref<640xf32, #tpu.memory_space<vmem_shared>>
      %dma_start3A_91 = arith.constant 5760 : i32
      %dma_start3A_92 = tpu.memref_slice %arg6[%dma_start3A_91] : memref<10240xf32, #tpu.memory_space<vmem>> -> memref<640xf32, #tpu.memory_space<vmem>>
      %dma_start3A_93 = tpu.memref_slice %arg8[%add3A_58] : memref<163840xf32, #tpu.memory_space<vmem_shared>> -> memref<640xf32, #tpu.memory_space<vmem_shared>>
      tpu.enqueue_dma source(%dma_start3A_93 : memref<640xf32, #tpu.memory_space<vmem_shared>>) target(%dma_start3A_92 : memref<640xf32, #tpu.memory_space<vmem>>) target_semaphore(%run_scoped3A : memref<!tpu.dma_semaphore, #tpu.memory_space<semaphore_mem>>)
      %dma_wait3A = arith.constant 5760 : i32
      %dma_wait3A_94 = tpu.memref_slice %arg6[%dma_wait3A] : memref<10240xf32, #tpu.memory_space<vmem>> -> memref<640xf32, #tpu.memory_space<vmem>>
      %dma_wait3A_95 = tpu.memref_slice %arg8[%add3A_58] : memref<163840xf32, #tpu.memory_space<vmem_shared>> -> memref<640xf32, #tpu.memory_space<vmem_shared>>
      %dma_wait3A_96 = arith.constant 5760 : i32
      %dma_wait3A_97 = tpu.memref_slice %arg6[%dma_wait3A_96] : memref<10240xf32, #tpu.memory_space<vmem>> -> memref<640xf32, #tpu.memory_space<vmem>>
      %dma_wait3A_98 = tpu.memref_slice %arg8[%add3A_58] : memref<163840xf32, #tpu.memory_space<vmem_shared>> -> memref<640xf32, #tpu.memory_space<vmem_shared>>
      tpu.wait_dma2 semaphore(%run_scoped3A : memref<!tpu.dma_semaphore, #tpu.memory_space<semaphore_mem>>) src(%dma_wait3A_98 : memref<640xf32, #tpu.memory_space<vmem_shared>>) dst(%dma_wait3A_97 : memref<640xf32, #tpu.memory_space<vmem>>)
      tpu.yield
    }) : () -> ()
    %mul3A_59 = arith.constant 640 : i32
    %mul3A_60 = arith.muli %arg1, %mul3A_59 : i32
    %add3A_61 = arith.constant 102400 : i32
    %add3A_62 = arith.addi %add3A_61, %mul3A_60 : i32
    "tpu.region"() ({
      %run_scoped3A = tpu.sem_alloc : memref<!tpu.dma_semaphore, #tpu.memory_space<semaphore_mem>>
      %dma_start3A = arith.constant 6400 : i32
      %dma_start3A_89 = tpu.memref_slice %arg6[%dma_start3A] : memref<10240xf32, #tpu.memory_space<vmem>> -> memref<640xf32, #tpu.memory_space<vmem>>
      %dma_start3A_90 = tpu.memref_slice %arg8[%add3A_62] : memref<163840xf32, #tpu.memory_space<vmem_shared>> -> memref<640xf32, #tpu.memory_space<vmem_shared>>
      %dma_start3A_91 = arith.constant 6400 : i32
      %dma_start3A_92 = tpu.memref_slice %arg6[%dma_start3A_91] : memref<10240xf32, #tpu.memory_space<vmem>> -> memref<640xf32, #tpu.memory_space<vmem>>
      %dma_start3A_93 = tpu.memref_slice %arg8[%add3A_62] : memref<163840xf32, #tpu.memory_space<vmem_shared>> -> memref<640xf32, #tpu.memory_space<vmem_shared>>
      tpu.enqueue_dma source(%dma_start3A_93 : memref<640xf32, #tpu.memory_space<vmem_shared>>) target(%dma_start3A_92 : memref<640xf32, #tpu.memory_space<vmem>>) target_semaphore(%run_scoped3A : memref<!tpu.dma_semaphore, #tpu.memory_space<semaphore_mem>>)
      %dma_wait3A = arith.constant 6400 : i32
      %dma_wait3A_94 = tpu.memref_slice %arg6[%dma_wait3A] : memref<10240xf32, #tpu.memory_space<vmem>> -> memref<640xf32, #tpu.memory_space<vmem>>
      %dma_wait3A_95 = tpu.memref_slice %arg8[%add3A_62] : memref<163840xf32, #tpu.memory_space<vmem_shared>> -> memref<640xf32, #tpu.memory_space<vmem_shared>>
      %dma_wait3A_96 = arith.constant 6400 : i32
      %dma_wait3A_97 = tpu.memref_slice %arg6[%dma_wait3A_96] : memref<10240xf32, #tpu.memory_space<vmem>> -> memref<640xf32, #tpu.memory_space<vmem>>
      %dma_wait3A_98 = tpu.memref_slice %arg8[%add3A_62] : memref<163840xf32, #tpu.memory_space<vmem_shared>> -> memref<640xf32, #tpu.memory_space<vmem_shared>>
      tpu.wait_dma2 semaphore(%run_scoped3A : memref<!tpu.dma_semaphore, #tpu.memory_space<semaphore_mem>>) src(%dma_wait3A_98 : memref<640xf32, #tpu.memory_space<vmem_shared>>) dst(%dma_wait3A_97 : memref<640xf32, #tpu.memory_space<vmem>>)
      tpu.yield
    }) : () -> ()
    %mul3A_63 = arith.constant 640 : i32
    %mul3A_64 = arith.muli %arg1, %mul3A_63 : i32
    %add3A_65 = arith.constant 112640 : i32
    %add3A_66 = arith.addi %add3A_65, %mul3A_64 : i32
    "tpu.region"() ({
      %run_scoped3A = tpu.sem_alloc : memref<!tpu.dma_semaphore, #tpu.memory_space<semaphore_mem>>
      %dma_start3A = arith.constant 7040 : i32
      %dma_start3A_89 = tpu.memref_slice %arg6[%dma_start3A] : memref<10240xf32, #tpu.memory_space<vmem>> -> memref<640xf32, #tpu.memory_space<vmem>>
      %dma_start3A_90 = tpu.memref_slice %arg8[%add3A_66] : memref<163840xf32, #tpu.memory_space<vmem_shared>> -> memref<640xf32, #tpu.memory_space<vmem_shared>>
      %dma_start3A_91 = arith.constant 7040 : i32
      %dma_start3A_92 = tpu.memref_slice %arg6[%dma_start3A_91] : memref<10240xf32, #tpu.memory_space<vmem>> -> memref<640xf32, #tpu.memory_space<vmem>>
      %dma_start3A_93 = tpu.memref_slice %arg8[%add3A_66] : memref<163840xf32, #tpu.memory_space<vmem_shared>> -> memref<640xf32, #tpu.memory_space<vmem_shared>>
      tpu.enqueue_dma source(%dma_start3A_93 : memref<640xf32, #tpu.memory_space<vmem_shared>>) target(%dma_start3A_92 : memref<640xf32, #tpu.memory_space<vmem>>) target_semaphore(%run_scoped3A : memref<!tpu.dma_semaphore, #tpu.memory_space<semaphore_mem>>)
      %dma_wait3A = arith.constant 7040 : i32
      %dma_wait3A_94 = tpu.memref_slice %arg6[%dma_wait3A] : memref<10240xf32, #tpu.memory_space<vmem>> -> memref<640xf32, #tpu.memory_space<vmem>>
      %dma_wait3A_95 = tpu.memref_slice %arg8[%add3A_66] : memref<163840xf32, #tpu.memory_space<vmem_shared>> -> memref<640xf32, #tpu.memory_space<vmem_shared>>
      %dma_wait3A_96 = arith.constant 7040 : i32
      %dma_wait3A_97 = tpu.memref_slice %arg6[%dma_wait3A_96] : memref<10240xf32, #tpu.memory_space<vmem>> -> memref<640xf32, #tpu.memory_space<vmem>>
      %dma_wait3A_98 = tpu.memref_slice %arg8[%add3A_66] : memref<163840xf32, #tpu.memory_space<vmem_shared>> -> memref<640xf32, #tpu.memory_space<vmem_shared>>
      tpu.wait_dma2 semaphore(%run_scoped3A : memref<!tpu.dma_semaphore, #tpu.memory_space<semaphore_mem>>) src(%dma_wait3A_98 : memref<640xf32, #tpu.memory_space<vmem_shared>>) dst(%dma_wait3A_97 : memref<640xf32, #tpu.memory_space<vmem>>)
      tpu.yield
    }) : () -> ()
    %mul3A_67 = arith.constant 640 : i32
    %mul3A_68 = arith.muli %arg1, %mul3A_67 : i32
    %add3A_69 = arith.constant 122880 : i32
    %add3A_70 = arith.addi %add3A_69, %mul3A_68 : i32
    "tpu.region"() ({
      %run_scoped3A = tpu.sem_alloc : memref<!tpu.dma_semaphore, #tpu.memory_space<semaphore_mem>>
      %dma_start3A = arith.constant 7680 : i32
      %dma_start3A_89 = tpu.memref_slice %arg6[%dma_start3A] : memref<10240xf32, #tpu.memory_space<vmem>> -> memref<640xf32, #tpu.memory_space<vmem>>
      %dma_start3A_90 = tpu.memref_slice %arg8[%add3A_70] : memref<163840xf32, #tpu.memory_space<vmem_shared>> -> memref<640xf32, #tpu.memory_space<vmem_shared>>
      %dma_start3A_91 = arith.constant 7680 : i32
      %dma_start3A_92 = tpu.memref_slice %arg6[%dma_start3A_91] : memref<10240xf32, #tpu.memory_space<vmem>> -> memref<640xf32, #tpu.memory_space<vmem>>
      %dma_start3A_93 = tpu.memref_slice %arg8[%add3A_70] : memref<163840xf32, #tpu.memory_space<vmem_shared>> -> memref<640xf32, #tpu.memory_space<vmem_shared>>
      tpu.enqueue_dma source(%dma_start3A_93 : memref<640xf32, #tpu.memory_space<vmem_shared>>) target(%dma_start3A_92 : memref<640xf32, #tpu.memory_space<vmem>>) target_semaphore(%run_scoped3A : memref<!tpu.dma_semaphore, #tpu.memory_space<semaphore_mem>>)
      %dma_wait3A = arith.constant 7680 : i32
      %dma_wait3A_94 = tpu.memref_slice %arg6[%dma_wait3A] : memref<10240xf32, #tpu.memory_space<vmem>> -> memref<640xf32, #tpu.memory_space<vmem>>
      %dma_wait3A_95 = tpu.memref_slice %arg8[%add3A_70] : memref<163840xf32, #tpu.memory_space<vmem_shared>> -> memref<640xf32, #tpu.memory_space<vmem_shared>>
      %dma_wait3A_96 = arith.constant 7680 : i32
      %dma_wait3A_97 = tpu.memref_slice %arg6[%dma_wait3A_96] : memref<10240xf32, #tpu.memory_space<vmem>> -> memref<640xf32, #tpu.memory_space<vmem>>
      %dma_wait3A_98 = tpu.memref_slice %arg8[%add3A_70] : memref<163840xf32, #tpu.memory_space<vmem_shared>> -> memref<640xf32, #tpu.memory_space<vmem_shared>>
      tpu.wait_dma2 semaphore(%run_scoped3A : memref<!tpu.dma_semaphore, #tpu.memory_space<semaphore_mem>>) src(%dma_wait3A_98 : memref<640xf32, #tpu.memory_space<vmem_shared>>) dst(%dma_wait3A_97 : memref<640xf32, #tpu.memory_space<vmem>>)
      tpu.yield
    }) : () -> ()
    %mul3A_71 = arith.constant 640 : i32
    %mul3A_72 = arith.muli %arg1, %mul3A_71 : i32
    %add3A_73 = arith.constant 133120 : i32
    %add3A_74 = arith.addi %add3A_73, %mul3A_72 : i32
    "tpu.region"() ({
      %run_scoped3A = tpu.sem_alloc : memref<!tpu.dma_semaphore, #tpu.memory_space<semaphore_mem>>
      %dma_start3A = arith.constant 8320 : i32
      %dma_start3A_89 = tpu.memref_slice %arg6[%dma_start3A] : memref<10240xf32, #tpu.memory_space<vmem>> -> memref<640xf32, #tpu.memory_space<vmem>>
      %dma_start3A_90 = tpu.memref_slice %arg8[%add3A_74] : memref<163840xf32, #tpu.memory_space<vmem_shared>> -> memref<640xf32, #tpu.memory_space<vmem_shared>>
      %dma_start3A_91 = arith.constant 8320 : i32
      %dma_start3A_92 = tpu.memref_slice %arg6[%dma_start3A_91] : memref<10240xf32, #tpu.memory_space<vmem>> -> memref<640xf32, #tpu.memory_space<vmem>>
      %dma_start3A_93 = tpu.memref_slice %arg8[%add3A_74] : memref<163840xf32, #tpu.memory_space<vmem_shared>> -> memref<640xf32, #tpu.memory_space<vmem_shared>>
      tpu.enqueue_dma source(%dma_start3A_93 : memref<640xf32, #tpu.memory_space<vmem_shared>>) target(%dma_start3A_92 : memref<640xf32, #tpu.memory_space<vmem>>) target_semaphore(%run_scoped3A : memref<!tpu.dma_semaphore, #tpu.memory_space<semaphore_mem>>)
      %dma_wait3A = arith.constant 8320 : i32
      %dma_wait3A_94 = tpu.memref_slice %arg6[%dma_wait3A] : memref<10240xf32, #tpu.memory_space<vmem>> -> memref<640xf32, #tpu.memory_space<vmem>>
      %dma_wait3A_95 = tpu.memref_slice %arg8[%add3A_74] : memref<163840xf32, #tpu.memory_space<vmem_shared>> -> memref<640xf32, #tpu.memory_space<vmem_shared>>
      %dma_wait3A_96 = arith.constant 8320 : i32
      %dma_wait3A_97 = tpu.memref_slice %arg6[%dma_wait3A_96] : memref<10240xf32, #tpu.memory_space<vmem>> -> memref<640xf32, #tpu.memory_space<vmem>>
      %dma_wait3A_98 = tpu.memref_slice %arg8[%add3A_74] : memref<163840xf32, #tpu.memory_space<vmem_shared>> -> memref<640xf32, #tpu.memory_space<vmem_shared>>
      tpu.wait_dma2 semaphore(%run_scoped3A : memref<!tpu.dma_semaphore, #tpu.memory_space<semaphore_mem>>) src(%dma_wait3A_98 : memref<640xf32, #tpu.memory_space<vmem_shared>>) dst(%dma_wait3A_97 : memref<640xf32, #tpu.memory_space<vmem>>)
      tpu.yield
    }) : () -> ()
    %mul3A_75 = arith.constant 640 : i32
    %mul3A_76 = arith.muli %arg1, %mul3A_75 : i32
    %add3A_77 = arith.constant 143360 : i32
    %add3A_78 = arith.addi %add3A_77, %mul3A_76 : i32
    "tpu.region"() ({
      %run_scoped3A = tpu.sem_alloc : memref<!tpu.dma_semaphore, #tpu.memory_space<semaphore_mem>>
      %dma_start3A = arith.constant 8960 : i32
      %dma_start3A_89 = tpu.memref_slice %arg6[%dma_start3A] : memref<10240xf32, #tpu.memory_space<vmem>> -> memref<640xf32, #tpu.memory_space<vmem>>
      %dma_start3A_90 = tpu.memref_slice %arg8[%add3A_78] : memref<163840xf32, #tpu.memory_space<vmem_shared>> -> memref<640xf32, #tpu.memory_space<vmem_shared>>
      %dma_start3A_91 = arith.constant 8960 : i32
      %dma_start3A_92 = tpu.memref_slice %arg6[%dma_start3A_91] : memref<10240xf32, #tpu.memory_space<vmem>> -> memref<640xf32, #tpu.memory_space<vmem>>
      %dma_start3A_93 = tpu.memref_slice %arg8[%add3A_78] : memref<163840xf32, #tpu.memory_space<vmem_shared>> -> memref<640xf32, #tpu.memory_space<vmem_shared>>
      tpu.enqueue_dma source(%dma_start3A_93 : memref<640xf32, #tpu.memory_space<vmem_shared>>) target(%dma_start3A_92 : memref<640xf32, #tpu.memory_space<vmem>>) target_semaphore(%run_scoped3A : memref<!tpu.dma_semaphore, #tpu.memory_space<semaphore_mem>>)
      %dma_wait3A = arith.constant 8960 : i32
      %dma_wait3A_94 = tpu.memref_slice %arg6[%dma_wait3A] : memref<10240xf32, #tpu.memory_space<vmem>> -> memref<640xf32, #tpu.memory_space<vmem>>
      %dma_wait3A_95 = tpu.memref_slice %arg8[%add3A_78] : memref<163840xf32, #tpu.memory_space<vmem_shared>> -> memref<640xf32, #tpu.memory_space<vmem_shared>>
      %dma_wait3A_96 = arith.constant 8960 : i32
      %dma_wait3A_97 = tpu.memref_slice %arg6[%dma_wait3A_96] : memref<10240xf32, #tpu.memory_space<vmem>> -> memref<640xf32, #tpu.memory_space<vmem>>
      %dma_wait3A_98 = tpu.memref_slice %arg8[%add3A_78] : memref<163840xf32, #tpu.memory_space<vmem_shared>> -> memref<640xf32, #tpu.memory_space<vmem_shared>>
      tpu.wait_dma2 semaphore(%run_scoped3A : memref<!tpu.dma_semaphore, #tpu.memory_space<semaphore_mem>>) src(%dma_wait3A_98 : memref<640xf32, #tpu.memory_space<vmem_shared>>) dst(%dma_wait3A_97 : memref<640xf32, #tpu.memory_space<vmem>>)
      tpu.yield
    }) : () -> ()
    %mul3A_79 = arith.constant 640 : i32
    %mul3A_80 = arith.muli %arg1, %mul3A_79 : i32
    %add3A_81 = arith.constant 153600 : i32
    %add3A_82 = arith.addi %add3A_81, %mul3A_80 : i32
    "tpu.region"() ({
      %run_scoped3A = tpu.sem_alloc : memref<!tpu.dma_semaphore, #tpu.memory_space<semaphore_mem>>
      %dma_start3A = arith.constant 9600 : i32
      %dma_start3A_89 = tpu.memref_slice %arg6[%dma_start3A] : memref<10240xf32, #tpu.memory_space<vmem>> -> memref<640xf32, #tpu.memory_space<vmem>>
      %dma_start3A_90 = tpu.memref_slice %arg8[%add3A_82] : memref<163840xf32, #tpu.memory_space<vmem_shared>> -> memref<640xf32, #tpu.memory_space<vmem_shared>>
      %dma_start3A_91 = arith.constant 9600 : i32
      %dma_start3A_92 = tpu.memref_slice %arg6[%dma_start3A_91] : memref<10240xf32, #tpu.memory_space<vmem>> -> memref<640xf32, #tpu.memory_space<vmem>>
      %dma_start3A_93 = tpu.memref_slice %arg8[%add3A_82] : memref<163840xf32, #tpu.memory_space<vmem_shared>> -> memref<640xf32, #tpu.memory_space<vmem_shared>>
      tpu.enqueue_dma source(%dma_start3A_93 : memref<640xf32, #tpu.memory_space<vmem_shared>>) target(%dma_start3A_92 : memref<640xf32, #tpu.memory_space<vmem>>) target_semaphore(%run_scoped3A : memref<!tpu.dma_semaphore, #tpu.memory_space<semaphore_mem>>)
      %dma_wait3A = arith.constant 9600 : i32
      %dma_wait3A_94 = tpu.memref_slice %arg6[%dma_wait3A] : memref<10240xf32, #tpu.memory_space<vmem>> -> memref<640xf32, #tpu.memory_space<vmem>>
      %dma_wait3A_95 = tpu.memref_slice %arg8[%add3A_82] : memref<163840xf32, #tpu.memory_space<vmem_shared>> -> memref<640xf32, #tpu.memory_space<vmem_shared>>
      %dma_wait3A_96 = arith.constant 9600 : i32
      %dma_wait3A_97 = tpu.memref_slice %arg6[%dma_wait3A_96] : memref<10240xf32, #tpu.memory_space<vmem>> -> memref<640xf32, #tpu.memory_space<vmem>>
      %dma_wait3A_98 = tpu.memref_slice %arg8[%add3A_82] : memref<163840xf32, #tpu.memory_space<vmem_shared>> -> memref<640xf32, #tpu.memory_space<vmem_shared>>
      tpu.wait_dma2 semaphore(%run_scoped3A : memref<!tpu.dma_semaphore, #tpu.memory_space<semaphore_mem>>) src(%dma_wait3A_98 : memref<640xf32, #tpu.memory_space<vmem_shared>>) dst(%dma_wait3A_97 : memref<640xf32, #tpu.memory_space<vmem>>)
      tpu.yield
    }) : () -> ()
    %scan3A_83 = arith.constant 0 : i32
    %scan3A_84 = arith.constant 0 : i32
    %scan3A_85 = arith.constant 40 : i32
    %scan3A_86 = arith.addi %scan3A_84, %scan3A_85 : i32
    %scan3A_87 = arith.constant 1 : i32
    scf.for %scan3A_89 = %scan3A_84 to %scan3A_86 step %scan3A_87  : i32 {
      %mul3A_90 = arith.constant 16 : i32
      %mul3A_91 = arith.muli %scan3A_89, %mul3A_90 : i32
      %get3A = arith.index_cast %mul3A_91 : i32 to index
      %get3A_92 = tpu.vector_load %arg6[%get3A] {strides = array<i32>} : memref<10240xf32, #tpu.memory_space<vmem>>, vector<16xf32>,
      %mul3A_93 = arith.constant 16 : i32
      %mul3A_94 = arith.muli %scan3A_89, %mul3A_93 : i32
      %add3A_95 = arith.constant 640 : i32
      %add3A_96 = arith.addi %add3A_95, %mul3A_94 : i32
      %get3A_97 = arith.index_cast %add3A_96 : i32 to index
      %get3A_98 = tpu.vector_load %arg6[%get3A_97] {strides = array<i32>} : memref<10240xf32, #tpu.memory_space<vmem>>, vector<16xf32>,
      %add3A_99 = arith.addf %get3A_92, %get3A_98 : vector<16xf32>
      %mul3A_100 = arith.constant 16 : i32
      %mul3A_101 = arith.muli %scan3A_89, %mul3A_100 : i32
      %add3A_102 = arith.constant 1280 : i32
      %add3A_103 = arith.addi %add3A_102, %mul3A_101 : i32
      %get3A_104 = arith.index_cast %add3A_103 : i32 to index
      %get3A_105 = tpu.vector_load %arg6[%get3A_104] {strides = array<i32>} : memref<10240xf32, #tpu.memory_space<vmem>>, vector<16xf32>,
      %add3A_106 = arith.addf %add3A_99, %get3A_105 : vector<16xf32>
      %mul3A_107 = arith.constant 16 : i32
      %mul3A_108 = arith.muli %scan3A_89, %mul3A_107 : i32
      %add3A_109 = arith.constant 1920 : i32
      %add3A_110 = arith.addi %add3A_109, %mul3A_108 : i32
      %get3A_111 = arith.index_cast %add3A_110 : i32 to index
      %get3A_112 = tpu.vector_load %arg6[%get3A_111] {strides = array<i32>} : memref<10240xf32, #tpu.memory_space<vmem>>, vector<16xf32>,
      %add3A_113 = arith.addf %add3A_106, %get3A_112 : vector<16xf32>
      %mul3A_114 = arith.constant 16 : i32
      %mul3A_115 = arith.muli %scan3A_89, %mul3A_114 : i32
      %add3A_116 = arith.constant 2560 : i32
      %add3A_117 = arith.addi %add3A_116, %mul3A_115 : i32
      %get3A_118 = arith.index_cast %add3A_117 : i32 to index
      %get3A_119 = tpu.vector_load %arg6[%get3A_118] {strides = array<i32>} : memref<10240xf32, #tpu.memory_space<vmem>>, vector<16xf32>,
      %add3A_120 = arith.addf %add3A_113, %get3A_119 : vector<16xf32>
      %mul3A_121 = arith.constant 16 : i32
      %mul3A_122 = arith.muli %scan3A_89, %mul3A_121 : i32
      %add3A_123 = arith.constant 3200 : i32
      %add3A_124 = arith.addi %add3A_123, %mul3A_122 : i32
      %get3A_125 = arith.index_cast %add3A_124 : i32 to index
      %get3A_126 = tpu.vector_load %arg6[%get3A_125] {strides = array<i32>} : memref<10240xf32, #tpu.memory_space<vmem>>, vector<16xf32>,
      %add3A_127 = arith.addf %add3A_120, %get3A_126 : vector<16xf32>
      %mul3A_128 = arith.constant 16 : i32
      %mul3A_129 = arith.muli %scan3A_89, %mul3A_128 : i32
      %add3A_130 = arith.constant 3840 : i32
      %add3A_131 = arith.addi %add3A_130, %mul3A_129 : i32
      %get3A_132 = arith.index_cast %add3A_131 : i32 to index
      %get3A_133 = tpu.vector_load %arg6[%get3A_132] {strides = array<i32>} : memref<10240xf32, #tpu.memory_space<vmem>>, vector<16xf32>,
      %add3A_134 = arith.addf %add3A_127, %get3A_133 : vector<16xf32>
      %mul3A_135 = arith.constant 16 : i32
      %mul3A_136 = arith.muli %scan3A_89, %mul3A_135 : i32
      %add3A_137 = arith.constant 4480 : i32
      %add3A_138 = arith.addi %add3A_137, %mul3A_136 : i32
      %get3A_139 = arith.index_cast %add3A_138 : i32 to index
      %get3A_140 = tpu.vector_load %arg6[%get3A_139] {strides = array<i32>} : memref<10240xf32, #tpu.memory_space<vmem>>, vector<16xf32>,
      %add3A_141 = arith.addf %add3A_134, %get3A_140 : vector<16xf32>
      %mul3A_142 = arith.constant 16 : i32
      %mul3A_143 = arith.muli %scan3A_89, %mul3A_142 : i32
      %add3A_144 = arith.constant 5120 : i32
      %add3A_145 = arith.addi %add3A_144, %mul3A_143 : i32
      %get3A_146 = arith.index_cast %add3A_145 : i32 to index
      %get3A_147 = tpu.vector_load %arg6[%get3A_146] {strides = array<i32>} : memref<10240xf32, #tpu.memory_space<vmem>>, vector<16xf32>,
      %add3A_148 = arith.addf %add3A_141, %get3A_147 : vector<16xf32>
      %mul3A_149 = arith.constant 16 : i32
      %mul3A_150 = arith.muli %scan3A_89, %mul3A_149 : i32
      %add3A_151 = arith.constant 5760 : i32
      %add3A_152 = arith.addi %add3A_151, %mul3A_150 : i32
      %get3A_153 = arith.index_cast %add3A_152 : i32 to index
      %get3A_154 = tpu.vector_load %arg6[%get3A_153] {strides = array<i32>} : memref<10240xf32, #tpu.memory_space<vmem>>, vector<16xf32>,
      %add3A_155 = arith.addf %add3A_148, %get3A_154 : vector<16xf32>
      %mul3A_156 = arith.constant 16 : i32
      %mul3A_157 = arith.muli %scan3A_89, %mul3A_156 : i32
      %add3A_158 = arith.constant 6400 : i32
      %add3A_159 = arith.addi %add3A_158, %mul3A_157 : i32
      %get3A_160 = arith.index_cast %add3A_159 : i32 to index
      %get3A_161 = tpu.vector_load %arg6[%get3A_160] {strides = array<i32>} : memref<10240xf32, #tpu.memory_space<vmem>>, vector<16xf32>,
      %add3A_162 = arith.addf %add3A_155, %get3A_161 : vector<16xf32>
      %mul3A_163 = arith.constant 16 : i32
      %mul3A_164 = arith.muli %scan3A_89, %mul3A_163 : i32
      %add3A_165 = arith.constant 7040 : i32
      %add3A_166 = arith.addi %add3A_165, %mul3A_164 : i32
      %get3A_167 = arith.index_cast %add3A_166 : i32 to index
      %get3A_168 = tpu.vector_load %arg6[%get3A_167] {strides = array<i32>} : memref<10240xf32, #tpu.memory_space<vmem>>, vector<16xf32>,
      %add3A_169 = arith.addf %add3A_162, %get3A_168 : vector<16xf32>
      %mul3A_170 = arith.constant 16 : i32
      %mul3A_171 = arith.muli %scan3A_89, %mul3A_170 : i32
      %add3A_172 = arith.constant 7680 : i32
      %add3A_173 = arith.addi %add3A_172, %mul3A_171 : i32
      %get3A_174 = arith.index_cast %add3A_173 : i32 to index
      %get3A_175 = tpu.vector_load %arg6[%get3A_174] {strides = array<i32>} : memref<10240xf32, #tpu.memory_space<vmem>>, vector<16xf32>,
      %add3A_176 = arith.addf %add3A_169, %get3A_175 : vector<16xf32>
      %mul3A_177 = arith.constant 16 : i32
      %mul3A_178 = arith.muli %scan3A_89, %mul3A_177 : i32
      %add3A_179 = arith.constant 8320 : i32
      %add3A_180 = arith.addi %add3A_179, %mul3A_178 : i32
      %get3A_181 = arith.index_cast %add3A_180 : i32 to index
      %get3A_182 = tpu.vector_load %arg6[%get3A_181] {strides = array<i32>} : memref<10240xf32, #tpu.memory_space<vmem>>, vector<16xf32>,
      %add3A_183 = arith.addf %add3A_176, %get3A_182 : vector<16xf32>
      %mul3A_184 = arith.constant 16 : i32
      %mul3A_185 = arith.muli %scan3A_89, %mul3A_184 : i32
      %add3A_186 = arith.constant 8960 : i32
      %add3A_187 = arith.addi %add3A_186, %mul3A_185 : i32
      %get3A_188 = arith.index_cast %add3A_187 : i32 to index
      %get3A_189 = tpu.vector_load %arg6[%get3A_188] {strides = array<i32>} : memref<10240xf32, #tpu.memory_space<vmem>>, vector<16xf32>,
      %add3A_190 = arith.addf %add3A_183, %get3A_189 : vector<16xf32>
      %mul3A_191 = arith.constant 16 : i32
      %mul3A_192 = arith.muli %scan3A_89, %mul3A_191 : i32
      %add3A_193 = arith.constant 9600 : i32
      %add3A_194 = arith.addi %add3A_193, %mul3A_192 : i32
      %get3A_195 = arith.index_cast %add3A_194 : i32 to index
      %get3A_196 = tpu.vector_load %arg6[%get3A_195] {strides = array<i32>} : memref<10240xf32, #tpu.memory_space<vmem>>, vector<16xf32>,
      %add3A_197 = arith.addf %add3A_190, %get3A_196 : vector<16xf32>
      %mul3A_198 = arith.constant 16 : i32
      %mul3A_199 = arith.muli %scan3A_89, %mul3A_198 : i32
      %swap3A = arith.index_cast %mul3A_199 : i32 to index
      %swap3A_200 = tpu.vector_load %arg7[%swap3A] {strides = array<i32>} : memref<640xf32, #tpu.memory_space<vmem>>, vector<16xf32>,
      tpu.vector_store %arg7[%swap3A], %add3A_197 {strides = array<i32>} : memref<640xf32, #tpu.memory_space<vmem>>, vector<16xf32>,
    }
    %scan3A_88 = arith.constant 40 : i32
    "tpu.region"() ({
      %run_scoped3A = tpu.sem_alloc : memref<!tpu.dma_semaphore, #tpu.memory_space<semaphore_mem>>
      %dma_start3A = arith.constant 0 : i32
      %dma_start3A_89 = tpu.memref_slice %arg3[%add3A, %dma_start3A] : memref<32x640xf32, #tpu.memory_space<hbm>> -> memref<1x640xf32, #tpu.memory_space<hbm>>
      %dma_start3A_90 = tpu.memref_squeeze %dma_start3A_89 : memref<1x640xf32, #tpu.memory_space<hbm>> -> memref<640xf32, #tpu.memory_space<hbm>>
      %dma_start3A_91 = arith.constant 0 : i32
      %dma_start3A_92 = tpu.memref_slice %arg3[%add3A, %dma_start3A_91] : memref<32x640xf32, #tpu.memory_space<hbm>> -> memref<1x640xf32, #tpu.memory_space<hbm>>
      %dma_start3A_93 = tpu.memref_squeeze %dma_start3A_92 : memref<1x640xf32, #tpu.memory_space<hbm>> -> memref<640xf32, #tpu.memory_space<hbm>>
      tpu.enqueue_dma source(%arg7 : memref<640xf32, #tpu.memory_space<vmem>>) target(%dma_start3A_93 : memref<640xf32, #tpu.memory_space<hbm>>) target_semaphore(%run_scoped3A : memref<!tpu.dma_semaphore, #tpu.memory_space<semaphore_mem>>)
      %dma_wait3A = arith.constant 0 : i32
      %dma_wait3A_94 = tpu.memref_slice %arg3[%add3A, %dma_wait3A] : memref<32x640xf32, #tpu.memory_space<hbm>> -> memref<1x640xf32, #tpu.memory_space<hbm>>
      %dma_wait3A_95 = tpu.memref_squeeze %dma_wait3A_94 : memref<1x640xf32, #tpu.memory_space<hbm>> -> memref<640xf32, #tpu.memory_space<hbm>>
      %dma_wait3A_96 = arith.constant 0 : i32
      %dma_wait3A_97 = tpu.memref_slice %arg3[%add3A, %dma_wait3A_96] : memref<32x640xf32, #tpu.memory_space<hbm>> -> memref<1x640xf32, #tpu.memory_space<hbm>>
      %dma_wait3A_98 = tpu.memref_squeeze %dma_wait3A_97 : memref<1x640xf32, #tpu.memory_space<hbm>> -> memref<640xf32, #tpu.memory_space<hbm>>
      tpu.wait_dma2 semaphore(%run_scoped3A : memref<!tpu.dma_semaphore, #tpu.memory_space<semaphore_mem>>) src(%arg7 : memref<640xf32, #tpu.memory_space<vmem>>) dst(%dma_wait3A_98 : memref<640xf32, #tpu.memory_space<hbm>>)
      tpu.yield
    }) : () -> ()
    return
  }
}

#map = affine_map<(d0, d1) -> (0, 0)>
#map1 = affine_map<(d0, d1) -> (0)>
#map2 = affine_map<(d0, d1) -> (0, 0, 0)>
module attributes {stable_mosaic.version = 14 : i64} {
  func.func @_sc_segsum(%arg0: i32, %arg1: i32, %arg2: memref<10000x128xf32, #tpu.memory_space<hbm>>, %arg3: memref<322560xi32, #tpu.memory_space<hbm>>, %arg4: memref<322560xi32, #tpu.memory_space<hbm>>, %arg5: memref<625x128xf32, #tpu.memory_space<hbm>>, %arg6: memref<32x625x128xf32, #tpu.memory_space<hbm>>, %arg7: memref<10080xi32, #tpu.memory_space<vmem>>, %arg8: memref<48xi32, #tpu.memory_space<vmem>>, %arg9: memref<48xi32, #tpu.memory_space<vmem>>, %arg10: memref<48xi32, #tpu.memory_space<vmem>>, %arg11: memref<48xi32, #tpu.memory_space<vmem>>, %arg12: memref<48xi32, #tpu.memory_space<vmem>>, %arg13: memref<48xi32, #tpu.memory_space<vmem>>, %arg14: memref<48x128xf32, #tpu.memory_space<vmem>>, %arg15: memref<48x128xf32, #tpu.memory_space<vmem>>, %arg16: memref<48x128xf32, #tpu.memory_space<vmem>>, %arg17: memref<48x128xf32, #tpu.memory_space<vmem>>, %arg18: memref<48x128xf32, #tpu.memory_space<vmem>>, %arg19: memref<48x128xf32, #tpu.memory_space<vmem>>, %arg20: memref<!tpu.dma_semaphore, #tpu.memory_space<semaphore_mem>>, %arg21: memref<!tpu.dma_semaphore, #tpu.memory_space<semaphore_mem>>, %arg22: memref<!tpu.dma_semaphore, #tpu.memory_space<semaphore_mem>>, %arg23: memref<!tpu.dma_semaphore, #tpu.memory_space<semaphore_mem>>, %arg24: memref<!tpu.dma_semaphore, #tpu.memory_space<semaphore_mem>>, %arg25: memref<!tpu.dma_semaphore, #tpu.memory_space<semaphore_mem>>, %arg26: memref<!tpu.dma_semaphore, #tpu.memory_space<semaphore_mem>>, %arg27: memref<!tpu.dma_semaphore, #tpu.memory_space<semaphore_mem>>, %arg28: memref<!tpu.dma_semaphore, #tpu.memory_space<semaphore_mem>>, %arg29: memref<!tpu.dma_semaphore, #tpu.memory_space<semaphore_mem>>, %arg30: memref<!tpu.dma_semaphore, #tpu.memory_space<semaphore_mem>>, %arg31: memref<!tpu.dma_semaphore, #tpu.memory_space<semaphore_mem>>, %arg32: memref<!tpu.dma_semaphore, #tpu.memory_space<semaphore_mem>>, %arg33: memref<!tpu.dma_semaphore, #tpu.memory_space<semaphore_mem>>, %arg34: memref<!tpu.dma_semaphore, #tpu.memory_space<semaphore_mem>>, %arg35: memref<!tpu.dma_semaphore, #tpu.memory_space<semaphore_mem>>, %arg36: memref<!tpu.dma_semaphore, #tpu.memory_space<semaphore_mem>>, %arg37: memref<!tpu.dma_semaphore, #tpu.memory_space<semaphore_mem>>, %arg38: memref<10016x128xf32, #tpu.memory_space<vmem_shared>>) attributes {dimension_semantics = [#tpu.dimension_semantics<core_parallel>, #tpu.dimension_semantics<subcore_parallel>], iteration_bounds = array<i64: 2, 16>, scalar_prefetch = 0 : i64, scratch_operands = 32 : i64, tpu.core_type = #tpu.core_type<sc_vector_subcore>, window_params = [{transform_indices = #map}, {transform_indices = #map1}, {transform_indices = #map1}, {transform_indices = #map}, {transform_indices = #map2}]} {
    %mul3A = arith.constant 16 : i32
    %mul3A_0 = arith.muli %arg0, %mul3A : i32
    %add3A = arith.addi %mul3A_0, %arg1 : i32
    %mul3A_1 = arith.constant 10080 : i32
    %mul3A_2 = arith.muli %add3A, %mul3A_1 : i32
    "tpu.region"() ({
      %run_scoped3A = tpu.sem_alloc : memref<!tpu.dma_semaphore, #tpu.memory_space<semaphore_mem>>
      %dma_start3A = tpu.memref_slice %arg3[%mul3A_2] : memref<322560xi32, #tpu.memory_space<hbm>> -> memref<10080xi32, #tpu.memory_space<hbm>>
      %dma_start3A_30 = tpu.memref_slice %arg3[%mul3A_2] : memref<322560xi32, #tpu.memory_space<hbm>> -> memref<10080xi32, #tpu.memory_space<hbm>>
      tpu.enqueue_dma source(%dma_start3A_30 : memref<10080xi32, #tpu.memory_space<hbm>>) target(%arg7 : memref<10080xi32, #tpu.memory_space<vmem>>) target_semaphore(%run_scoped3A : memref<!tpu.dma_semaphore, #tpu.memory_space<semaphore_mem>>)
      %dma_wait3A_31 = tpu.memref_slice %arg3[%mul3A_2] : memref<322560xi32, #tpu.memory_space<hbm>> -> memref<10080xi32, #tpu.memory_space<hbm>>
      %dma_wait3A_32 = tpu.memref_slice %arg3[%mul3A_2] : memref<322560xi32, #tpu.memory_space<hbm>> -> memref<10080xi32, #tpu.memory_space<hbm>>
      tpu.wait_dma2 semaphore(%run_scoped3A : memref<!tpu.dma_semaphore, #tpu.memory_space<semaphore_mem>>) src(%dma_wait3A_32 : memref<10080xi32, #tpu.memory_space<hbm>>) dst(%arg7 : memref<10080xi32, #tpu.memory_space<vmem>>)
      tpu.yield
    }) : () -> ()
    %mul3A_3 = arith.constant 625 : i32
    %mul3A_4 = arith.muli %arg1, %mul3A_3 : i32
    "tpu.region"() ({
      %run_scoped3A = tpu.sem_alloc : memref<!tpu.dma_semaphore, #tpu.memory_space<semaphore_mem>>
      %dma_start3A = arith.constant 0 : i32
      %dma_start3A_30 = tpu.memref_slice %arg38[%mul3A_4, %dma_start3A] : memref<10016x128xf32, #tpu.memory_space<vmem_shared>> -> memref<625x128xf32, #tpu.memory_space<vmem_shared>>
      tpu.enqueue_dma source(%arg5 : memref<625x128xf32, #tpu.memory_space<hbm>>) target(%dma_start3A_30 : memref<625x128xf32, #tpu.memory_space<vmem_shared>>) target_semaphore(%run_scoped3A : memref<!tpu.dma_semaphore, #tpu.memory_space<semaphore_mem>>)
      %dma_wait3A_31 = arith.constant 0 : i32
      %dma_wait3A_32 = tpu.memref_slice %arg38[%mul3A_4, %dma_wait3A_31] : memref<10016x128xf32, #tpu.memory_space<vmem_shared>> -> memref<625x128xf32, #tpu.memory_space<vmem_shared>>
      tpu.wait_dma2 semaphore(%run_scoped3A : memref<!tpu.dma_semaphore, #tpu.memory_space<semaphore_mem>>) src(%arg5 : memref<625x128xf32, #tpu.memory_space<hbm>>) dst(%dma_wait3A_32 : memref<625x128xf32, #tpu.memory_space<vmem_shared>>)
      tpu.yield
    }) : () -> ()
    %barrier3A = arith.constant 0 : index
    tpu.barrier barrier_id(%barrier3A)
    %scan3A = arith.constant 0 : i32
    %scan3A_5 = arith.constant 0 : i32
    %scan3A_6 = arith.constant 35 : i32
    %scan3A_7 = arith.addi %scan3A_5, %scan3A_6 : i32
    %scan3A_8 = arith.constant 1 : i32
    scf.for %scan3A_30 = %scan3A_5 to %scan3A_7 step %scan3A_8  : i32 {
      %mul3A_31 = arith.constant 2 : i32
      %mul3A_32 = arith.muli %mul3A_31, %scan3A_30 : i32
      %ge3A = arith.constant 1 : i32
      %ge3A_33 = arith.cmpi sge, %scan3A_30, %ge3A : i32
      %mul3A_34 = arith.constant 3 : i32
      %mul3A_35 = arith.muli %mul3A_32, %mul3A_34 : i32
      %add3A_36 = arith.constant 0 : i32
      %add3A_37 = arith.addi %mul3A_35, %add3A_36 : i32
      %mul3A_38 = arith.constant 48 : i32
      %mul3A_39 = arith.muli %add3A_37, %mul3A_38 : i32
      %add3A_40 = arith.addi %mul3A_2, %mul3A_39 : i32
      %mul3A_41 = arith.constant 3 : i32
      %mul3A_42 = arith.muli %mul3A_32, %mul3A_41 : i32
      %add3A_43 = arith.constant 0 : i32
      %add3A_44 = arith.addi %mul3A_42, %add3A_43 : i32
      %mul3A_45 = arith.constant 48 : i32
      %mul3A_46 = arith.muli %add3A_44, %mul3A_45 : i32
      %convert_element_type3A = arith.extui %ge3A_33 : i1 to i32
      %cond3A = arith.constant 0 : i32
      %cond3A_47 = arith.cmpi ne, %convert_element_type3A, %cond3A : i32
      scf.if %cond3A_47 {
        %dma_wait3A_301 = arith.constant 0 : i32
        %dma_wait3A_302 = arith.constant 0 : i32
        %dma_wait3A_303 = tpu.memref_slice %arg38[%dma_wait3A_301, %dma_wait3A_302] : memref<10016x128xf32, #tpu.memory_space<vmem_shared>> -> memref<10016x128xf32, #tpu.memory_space<vmem_shared>>
        tpu.wait_indirect_dma semaphore(%arg32 : memref<!tpu.dma_semaphore, #tpu.memory_space<semaphore_mem>>) src(%arg14 : memref<48x128xf32, #tpu.memory_space<vmem>>) dst(%dma_wait3A_303 : memref<10016x128xf32, #tpu.memory_space<vmem_shared>>)
      } else {
      }
      %dma_start3A = tpu.memref_slice %arg4[%add3A_40] : memref<322560xi32, #tpu.memory_space<hbm>> -> memref<48xi32, #tpu.memory_space<hbm>>
      %dma_start3A_48 = tpu.memref_slice %arg4[%add3A_40] : memref<322560xi32, #tpu.memory_space<hbm>> -> memref<48xi32, #tpu.memory_space<hbm>>
      tpu.enqueue_dma source(%dma_start3A_48 : memref<48xi32, #tpu.memory_space<hbm>>) target(%arg8 : memref<48xi32, #tpu.memory_space<vmem>>) target_semaphore(%arg20 : memref<!tpu.dma_semaphore, #tpu.memory_space<semaphore_mem>>)
      %dma_start3A_49 = tpu.memref_slice %arg7[%mul3A_46] : memref<10080xi32, #tpu.memory_space<vmem>> -> memref<48xi32, #tpu.memory_space<vmem>>
      %dma_start3A_50 = arith.constant 0 : i32
      %dma_start3A_51 = arith.constant 0 : i32
      %dma_start3A_52 = tpu.memref_slice %arg2[%dma_start3A_50, %dma_start3A_51] : memref<10000x128xf32, #tpu.memory_space<hbm>> -> memref<10000x128xf32, #tpu.memory_space<hbm>>
      tpu.enqueue_indirect_dma source(%dma_start3A_52 : memref<10000x128xf32, #tpu.memory_space<hbm>>) target(%arg14 : memref<48x128xf32, #tpu.memory_space<vmem>>) offsets(%dma_start3A_49 : memref<48xi32, #tpu.memory_space<vmem>>) semaphore(%arg26 : memref<!tpu.dma_semaphore, #tpu.memory_space<semaphore_mem>>)
      %mul3A_53 = arith.constant 3 : i32
      %mul3A_54 = arith.muli %mul3A_32, %mul3A_53 : i32
      %add3A_55 = arith.constant 1 : i32
      %add3A_56 = arith.addi %mul3A_54, %add3A_55 : i32
      %mul3A_57 = arith.constant 48 : i32
      %mul3A_58 = arith.muli %add3A_56, %mul3A_57 : i32
      %add3A_59 = arith.addi %mul3A_2, %mul3A_58 : i32
      %mul3A_60 = arith.constant 3 : i32
      %mul3A_61 = arith.muli %mul3A_32, %mul3A_60 : i32
      %add3A_62 = arith.constant 1 : i32
      %add3A_63 = arith.addi %mul3A_61, %add3A_62 : i32
      %mul3A_64 = arith.constant 48 : i32
      %mul3A_65 = arith.muli %add3A_63, %mul3A_64 : i32
      %convert_element_type3A_66 = arith.extui %ge3A_33 : i1 to i32
      %cond3A_67 = arith.constant 0 : i32
      %cond3A_68 = arith.cmpi ne, %convert_element_type3A_66, %cond3A_67 : i32
      scf.if %cond3A_68 {
        %dma_wait3A_301 = arith.constant 0 : i32
        %dma_wait3A_302 = arith.constant 0 : i32
        %dma_wait3A_303 = tpu.memref_slice %arg38[%dma_wait3A_301, %dma_wait3A_302] : memref<10016x128xf32, #tpu.memory_space<vmem_shared>> -> memref<10016x128xf32, #tpu.memory_space<vmem_shared>>
        tpu.wait_indirect_dma semaphore(%arg33 : memref<!tpu.dma_semaphore, #tpu.memory_space<semaphore_mem>>) src(%arg15 : memref<48x128xf32, #tpu.memory_space<vmem>>) dst(%dma_wait3A_303 : memref<10016x128xf32, #tpu.memory_space<vmem_shared>>)
      } else {
      }
      %dma_start3A_69 = tpu.memref_slice %arg4[%add3A_59] : memref<322560xi32, #tpu.memory_space<hbm>> -> memref<48xi32, #tpu.memory_space<hbm>>
      %dma_start3A_70 = tpu.memref_slice %arg4[%add3A_59] : memref<322560xi32, #tpu.memory_space<hbm>> -> memref<48xi32, #tpu.memory_space<hbm>>
      tpu.enqueue_dma source(%dma_start3A_70 : memref<48xi32, #tpu.memory_space<hbm>>) target(%arg9 : memref<48xi32, #tpu.memory_space<vmem>>) target_semaphore(%arg21 : memref<!tpu.dma_semaphore, #tpu.memory_space<semaphore_mem>>)
      %dma_start3A_71 = tpu.memref_slice %arg7[%mul3A_65] : memref<10080xi32, #tpu.memory_space<vmem>> -> memref<48xi32, #tpu.memory_space<vmem>>
      %dma_start3A_72 = arith.constant 0 : i32
      %dma_start3A_73 = arith.constant 0 : i32
      %dma_start3A_74 = tpu.memref_slice %arg2[%dma_start3A_72, %dma_start3A_73] : memref<10000x128xf32, #tpu.memory_space<hbm>> -> memref<10000x128xf32, #tpu.memory_space<hbm>>
      tpu.enqueue_indirect_dma source(%dma_start3A_74 : memref<10000x128xf32, #tpu.memory_space<hbm>>) target(%arg15 : memref<48x128xf32, #tpu.memory_space<vmem>>) offsets(%dma_start3A_71 : memref<48xi32, #tpu.memory_space<vmem>>) semaphore(%arg27 : memref<!tpu.dma_semaphore, #tpu.memory_space<semaphore_mem>>)
      %mul3A_75 = arith.constant 3 : i32
      %mul3A_76 = arith.muli %mul3A_32, %mul3A_75 : i32
      %add3A_77 = arith.constant 2 : i32
      %add3A_78 = arith.addi %mul3A_76, %add3A_77 : i32
      %mul3A_79 = arith.constant 48 : i32
      %mul3A_80 = arith.muli %add3A_78, %mul3A_79 : i32
      %add3A_81 = arith.addi %mul3A_2, %mul3A_80 : i32
      %mul3A_82 = arith.constant 3 : i32
      %mul3A_83 = arith.muli %mul3A_32, %mul3A_82 : i32
      %add3A_84 = arith.constant 2 : i32
      %add3A_85 = arith.addi %mul3A_83, %add3A_84 : i32
      %mul3A_86 = arith.constant 48 : i32
      %mul3A_87 = arith.muli %add3A_85, %mul3A_86 : i32
      %convert_element_type3A_88 = arith.extui %ge3A_33 : i1 to i32
      %cond3A_89 = arith.constant 0 : i32
      %cond3A_90 = arith.cmpi ne, %convert_element_type3A_88, %cond3A_89 : i32
      scf.if %cond3A_90 {
        %dma_wait3A_301 = arith.constant 0 : i32
        %dma_wait3A_302 = arith.constant 0 : i32
        %dma_wait3A_303 = tpu.memref_slice %arg38[%dma_wait3A_301, %dma_wait3A_302] : memref<10016x128xf32, #tpu.memory_space<vmem_shared>> -> memref<10016x128xf32, #tpu.memory_space<vmem_shared>>
        tpu.wait_indirect_dma semaphore(%arg34 : memref<!tpu.dma_semaphore, #tpu.memory_space<semaphore_mem>>) src(%arg16 : memref<48x128xf32, #tpu.memory_space<vmem>>) dst(%dma_wait3A_303 : memref<10016x128xf32, #tpu.memory_space<vmem_shared>>)
      } else {
      }
      %dma_start3A_91 = tpu.memref_slice %arg4[%add3A_81] : memref<322560xi32, #tpu.memory_space<hbm>> -> memref<48xi32, #tpu.memory_space<hbm>>
      %dma_start3A_92 = tpu.memref_slice %arg4[%add3A_81] : memref<322560xi32, #tpu.memory_space<hbm>> -> memref<48xi32, #tpu.memory_space<hbm>>
      tpu.enqueue_dma source(%dma_start3A_92 : memref<48xi32, #tpu.memory_space<hbm>>) target(%arg10 : memref<48xi32, #tpu.memory_space<vmem>>) target_semaphore(%arg22 : memref<!tpu.dma_semaphore, #tpu.memory_space<semaphore_mem>>)
      %dma_start3A_93 = tpu.memref_slice %arg7[%mul3A_87] : memref<10080xi32, #tpu.memory_space<vmem>> -> memref<48xi32, #tpu.memory_space<vmem>>
      %dma_start3A_94 = arith.constant 0 : i32
      %dma_start3A_95 = arith.constant 0 : i32
      %dma_start3A_96 = tpu.memref_slice %arg2[%dma_start3A_94, %dma_start3A_95] : memref<10000x128xf32, #tpu.memory_space<hbm>> -> memref<10000x128xf32, #tpu.memory_space<hbm>>
      tpu.enqueue_indirect_dma source(%dma_start3A_96 : memref<10000x128xf32, #tpu.memory_space<hbm>>) target(%arg16 : memref<48x128xf32, #tpu.memory_space<vmem>>) offsets(%dma_start3A_93 : memref<48xi32, #tpu.memory_space<vmem>>) semaphore(%arg28 : memref<!tpu.dma_semaphore, #tpu.memory_space<semaphore_mem>>)
      %mul3A_97 = arith.constant 3 : i32
      %mul3A_98 = arith.muli %mul3A_32, %mul3A_97 : i32
      %add3A_99 = arith.constant 0 : i32
      %add3A_100 = arith.addi %mul3A_98, %add3A_99 : i32
      %mul3A_101 = arith.constant 48 : i32
      %mul3A_102 = arith.muli %add3A_100, %mul3A_101 : i32
      %add3A_103 = arith.addi %mul3A_2, %mul3A_102 : i32
      %mul3A_104 = arith.constant 3 : i32
      %mul3A_105 = arith.muli %mul3A_32, %mul3A_104 : i32
      %add3A_106 = arith.constant 0 : i32
      %add3A_107 = arith.addi %mul3A_105, %add3A_106 : i32
      %mul3A_108 = arith.constant 48 : i32
      %mul3A_109 = arith.muli %add3A_107, %mul3A_108 : i32
      %dma_wait3A_110 = tpu.memref_slice %arg4[%add3A_103] : memref<322560xi32, #tpu.memory_space<hbm>> -> memref<48xi32, #tpu.memory_space<hbm>>
      %dma_wait3A_111 = tpu.memref_slice %arg4[%add3A_103] : memref<322560xi32, #tpu.memory_space<hbm>> -> memref<48xi32, #tpu.memory_space<hbm>>
      tpu.wait_dma2 semaphore(%arg20 : memref<!tpu.dma_semaphore, #tpu.memory_space<semaphore_mem>>) src(%dma_wait3A_111 : memref<48xi32, #tpu.memory_space<hbm>>) dst(%arg8 : memref<48xi32, #tpu.memory_space<vmem>>)
      %dma_wait3A_112 = tpu.memref_slice %arg7[%mul3A_109] : memref<10080xi32, #tpu.memory_space<vmem>> -> memref<48xi32, #tpu.memory_space<vmem>>
      %dma_wait3A_113 = arith.constant 0 : i32
      %dma_wait3A_114 = arith.constant 0 : i32
      %dma_wait3A_115 = tpu.memref_slice %arg2[%dma_wait3A_113, %dma_wait3A_114] : memref<10000x128xf32, #tpu.memory_space<hbm>> -> memref<10000x128xf32, #tpu.memory_space<hbm>>
      tpu.wait_indirect_dma semaphore(%arg26 : memref<!tpu.dma_semaphore, #tpu.memory_space<semaphore_mem>>) src(%dma_wait3A_115 : memref<10000x128xf32, #tpu.memory_space<hbm>>) dst(%arg14 : memref<48x128xf32, #tpu.memory_space<vmem>>)
      %dma_start3A_116 = arith.constant 0 : i32
      %dma_start3A_117 = arith.constant 0 : i32
      %dma_start3A_118 = tpu.memref_slice %arg38[%dma_start3A_116, %dma_start3A_117] : memref<10016x128xf32, #tpu.memory_space<vmem_shared>> -> memref<10016x128xf32, #tpu.memory_space<vmem_shared>>
      tpu.enqueue_indirect_dma source(%arg14 : memref<48x128xf32, #tpu.memory_space<vmem>>) target(%dma_start3A_118 : memref<10016x128xf32, #tpu.memory_space<vmem_shared>>) offsets(%arg8 : memref<48xi32, #tpu.memory_space<vmem>>) semaphore(%arg32 : memref<!tpu.dma_semaphore, #tpu.memory_space<semaphore_mem>>) {add = true}
      %mul3A_119 = arith.constant 3 : i32
      %mul3A_120 = arith.muli %mul3A_32, %mul3A_119 : i32
      %add3A_121 = arith.constant 1 : i32
      %add3A_122 = arith.addi %mul3A_120, %add3A_121 : i32
      %mul3A_123 = arith.constant 48 : i32
      %mul3A_124 = arith.muli %add3A_122, %mul3A_123 : i32
      %add3A_125 = arith.addi %mul3A_2, %mul3A_124 : i32
      %mul3A_126 = arith.constant 3 : i32
      %mul3A_127 = arith.muli %mul3A_32, %mul3A_126 : i32
      %add3A_128 = arith.constant 1 : i32
      %add3A_129 = arith.addi %mul3A_127, %add3A_128 : i32
      %mul3A_130 = arith.constant 48 : i32
      %mul3A_131 = arith.muli %add3A_129, %mul3A_130 : i32
      %dma_wait3A_132 = tpu.memref_slice %arg4[%add3A_125] : memref<322560xi32, #tpu.memory_space<hbm>> -> memref<48xi32, #tpu.memory_space<hbm>>
      %dma_wait3A_133 = tpu.memref_slice %arg4[%add3A_125] : memref<322560xi32, #tpu.memory_space<hbm>> -> memref<48xi32, #tpu.memory_space<hbm>>
      tpu.wait_dma2 semaphore(%arg21 : memref<!tpu.dma_semaphore, #tpu.memory_space<semaphore_mem>>) src(%dma_wait3A_133 : memref<48xi32, #tpu.memory_space<hbm>>) dst(%arg9 : memref<48xi32, #tpu.memory_space<vmem>>)
      %dma_wait3A_134 = tpu.memref_slice %arg7[%mul3A_131] : memref<10080xi32, #tpu.memory_space<vmem>> -> memref<48xi32, #tpu.memory_space<vmem>>
      %dma_wait3A_135 = arith.constant 0 : i32
      %dma_wait3A_136 = arith.constant 0 : i32
      %dma_wait3A_137 = tpu.memref_slice %arg2[%dma_wait3A_135, %dma_wait3A_136] : memref<10000x128xf32, #tpu.memory_space<hbm>> -> memref<10000x128xf32, #tpu.memory_space<hbm>>
      tpu.wait_indirect_dma semaphore(%arg27 : memref<!tpu.dma_semaphore, #tpu.memory_space<semaphore_mem>>) src(%dma_wait3A_137 : memref<10000x128xf32, #tpu.memory_space<hbm>>) dst(%arg15 : memref<48x128xf32, #tpu.memory_space<vmem>>)
      %dma_start3A_138 = arith.constant 0 : i32
      %dma_start3A_139 = arith.constant 0 : i32
      %dma_start3A_140 = tpu.memref_slice %arg38[%dma_start3A_138, %dma_start3A_139] : memref<10016x128xf32, #tpu.memory_space<vmem_shared>> -> memref<10016x128xf32, #tpu.memory_space<vmem_shared>>
      tpu.enqueue_indirect_dma source(%arg15 : memref<48x128xf32, #tpu.memory_space<vmem>>) target(%dma_start3A_140 : memref<10016x128xf32, #tpu.memory_space<vmem_shared>>) offsets(%arg9 : memref<48xi32, #tpu.memory_space<vmem>>) semaphore(%arg33 : memref<!tpu.dma_semaphore, #tpu.memory_space<semaphore_mem>>) {add = true}
      %mul3A_141 = arith.constant 3 : i32
      %mul3A_142 = arith.muli %mul3A_32, %mul3A_141 : i32
      %add3A_143 = arith.constant 2 : i32
      %add3A_144 = arith.addi %mul3A_142, %add3A_143 : i32
      %mul3A_145 = arith.constant 48 : i32
      %mul3A_146 = arith.muli %add3A_144, %mul3A_145 : i32
      %add3A_147 = arith.addi %mul3A_2, %mul3A_146 : i32
      %mul3A_148 = arith.constant 3 : i32
      %mul3A_149 = arith.muli %mul3A_32, %mul3A_148 : i32
      %add3A_150 = arith.constant 2 : i32
      %add3A_151 = arith.addi %mul3A_149, %add3A_150 : i32
      %mul3A_152 = arith.constant 48 : i32
      %mul3A_153 = arith.muli %add3A_151, %mul3A_152 : i32
      %dma_wait3A_154 = tpu.memref_slice %arg4[%add3A_147] : memref<322560xi32, #tpu.memory_space<hbm>> -> memref<48xi32, #tpu.memory_space<hbm>>
      %dma_wait3A_155 = tpu.memref_slice %arg4[%add3A_147] : memref<322560xi32, #tpu.memory_space<hbm>> -> memref<48xi32, #tpu.memory_space<hbm>>
      tpu.wait_dma2 semaphore(%arg22 : memref<!tpu.dma_semaphore, #tpu.memory_space<semaphore_mem>>) src(%dma_wait3A_155 : memref<48xi32, #tpu.memory_space<hbm>>) dst(%arg10 : memref<48xi32, #tpu.memory_space<vmem>>)
      %dma_wait3A_156 = tpu.memref_slice %arg7[%mul3A_153] : memref<10080xi32, #tpu.memory_space<vmem>> -> memref<48xi32, #tpu.memory_space<vmem>>
      %dma_wait3A_157 = arith.constant 0 : i32
      %dma_wait3A_158 = arith.constant 0 : i32
      %dma_wait3A_159 = tpu.memref_slice %arg2[%dma_wait3A_157, %dma_wait3A_158] : memref<10000x128xf32, #tpu.memory_space<hbm>> -> memref<10000x128xf32, #tpu.memory_space<hbm>>
      tpu.wait_indirect_dma semaphore(%arg28 : memref<!tpu.dma_semaphore, #tpu.memory_space<semaphore_mem>>) src(%dma_wait3A_159 : memref<10000x128xf32, #tpu.memory_space<hbm>>) dst(%arg16 : memref<48x128xf32, #tpu.memory_space<vmem>>)
      %dma_start3A_160 = arith.constant 0 : i32
      %dma_start3A_161 = arith.constant 0 : i32
      %dma_start3A_162 = tpu.memref_slice %arg38[%dma_start3A_160, %dma_start3A_161] : memref<10016x128xf32, #tpu.memory_space<vmem_shared>> -> memref<10016x128xf32, #tpu.memory_space<vmem_shared>>
      tpu.enqueue_indirect_dma source(%arg16 : memref<48x128xf32, #tpu.memory_space<vmem>>) target(%dma_start3A_162 : memref<10016x128xf32, #tpu.memory_space<vmem_shared>>) offsets(%arg10 : memref<48xi32, #tpu.memory_space<vmem>>) semaphore(%arg34 : memref<!tpu.dma_semaphore, #tpu.memory_space<semaphore_mem>>) {add = true}
      %mul3A_163 = arith.constant 2 : i32
      %mul3A_164 = arith.muli %mul3A_163, %scan3A_30 : i32
      %add3A_165 = arith.constant 1 : i32
      %add3A_166 = arith.addi %mul3A_164, %add3A_165 : i32
      %ge3A_167 = arith.constant 1 : i32
      %ge3A_168 = arith.cmpi sge, %scan3A_30, %ge3A_167 : i32
      %mul3A_169 = arith.constant 3 : i32
      %mul3A_170 = arith.muli %add3A_166, %mul3A_169 : i32
      %add3A_171 = arith.constant 0 : i32
      %add3A_172 = arith.addi %mul3A_170, %add3A_171 : i32
      %mul3A_173 = arith.constant 48 : i32
      %mul3A_174 = arith.muli %add3A_172, %mul3A_173 : i32
      %add3A_175 = arith.addi %mul3A_2, %mul3A_174 : i32
      %mul3A_176 = arith.constant 3 : i32
      %mul3A_177 = arith.muli %add3A_166, %mul3A_176 : i32
      %add3A_178 = arith.constant 0 : i32
      %add3A_179 = arith.addi %mul3A_177, %add3A_178 : i32
      %mul3A_180 = arith.constant 48 : i32
      %mul3A_181 = arith.muli %add3A_179, %mul3A_180 : i32
      %convert_element_type3A_182 = arith.extui %ge3A_168 : i1 to i32
      %cond3A_183 = arith.constant 0 : i32
      %cond3A_184 = arith.cmpi ne, %convert_element_type3A_182, %cond3A_183 : i32
      scf.if %cond3A_184 {
        %dma_wait3A_301 = arith.constant 0 : i32
        %dma_wait3A_302 = arith.constant 0 : i32
        %dma_wait3A_303 = tpu.memref_slice %arg38[%dma_wait3A_301, %dma_wait3A_302] : memref<10016x128xf32, #tpu.memory_space<vmem_shared>> -> memref<10016x128xf32, #tpu.memory_space<vmem_shared>>
        tpu.wait_indirect_dma semaphore(%arg35 : memref<!tpu.dma_semaphore, #tpu.memory_space<semaphore_mem>>) src(%arg17 : memref<48x128xf32, #tpu.memory_space<vmem>>) dst(%dma_wait3A_303 : memref<10016x128xf32, #tpu.memory_space<vmem_shared>>)
      } else {
      }
      %dma_start3A_185 = tpu.memref_slice %arg4[%add3A_175] : memref<322560xi32, #tpu.memory_space<hbm>> -> memref<48xi32, #tpu.memory_space<hbm>>
      %dma_start3A_186 = tpu.memref_slice %arg4[%add3A_175] : memref<322560xi32, #tpu.memory_space<hbm>> -> memref<48xi32, #tpu.memory_space<hbm>>
      tpu.enqueue_dma source(%dma_start3A_186 : memref<48xi32, #tpu.memory_space<hbm>>) target(%arg11 : memref<48xi32, #tpu.memory_space<vmem>>) target_semaphore(%arg23 : memref<!tpu.dma_semaphore, #tpu.memory_space<semaphore_mem>>)
      %dma_start3A_187 = tpu.memref_slice %arg7[%mul3A_181] : memref<10080xi32, #tpu.memory_space<vmem>> -> memref<48xi32, #tpu.memory_space<vmem>>
      %dma_start3A_188 = arith.constant 0 : i32
      %dma_start3A_189 = arith.constant 0 : i32
      %dma_start3A_190 = tpu.memref_slice %arg2[%dma_start3A_188, %dma_start3A_189] : memref<10000x128xf32, #tpu.memory_space<hbm>> -> memref<10000x128xf32, #tpu.memory_space<hbm>>
      tpu.enqueue_indirect_dma source(%dma_start3A_190 : memref<10000x128xf32, #tpu.memory_space<hbm>>) target(%arg17 : memref<48x128xf32, #tpu.memory_space<vmem>>) offsets(%dma_start3A_187 : memref<48xi32, #tpu.memory_space<vmem>>) semaphore(%arg29 : memref<!tpu.dma_semaphore, #tpu.memory_space<semaphore_mem>>)
      %mul3A_191 = arith.constant 3 : i32
      %mul3A_192 = arith.muli %add3A_166, %mul3A_191 : i32
      %add3A_193 = arith.constant 1 : i32
      %add3A_194 = arith.addi %mul3A_192, %add3A_193 : i32
      %mul3A_195 = arith.constant 48 : i32
      %mul3A_196 = arith.muli %add3A_194, %mul3A_195 : i32
      %add3A_197 = arith.addi %mul3A_2, %mul3A_196 : i32
      %mul3A_198 = arith.constant 3 : i32
      %mul3A_199 = arith.muli %add3A_166, %mul3A_198 : i32
      %add3A_200 = arith.constant 1 : i32
      %add3A_201 = arith.addi %mul3A_199, %add3A_200 : i32
      %mul3A_202 = arith.constant 48 : i32
      %mul3A_203 = arith.muli %add3A_201, %mul3A_202 : i32
      %convert_element_type3A_204 = arith.extui %ge3A_168 : i1 to i32
      %cond3A_205 = arith.constant 0 : i32
      %cond3A_206 = arith.cmpi ne, %convert_element_type3A_204, %cond3A_205 : i32
      scf.if %cond3A_206 {
        %dma_wait3A_301 = arith.constant 0 : i32
        %dma_wait3A_302 = arith.constant 0 : i32
        %dma_wait3A_303 = tpu.memref_slice %arg38[%dma_wait3A_301, %dma_wait3A_302] : memref<10016x128xf32, #tpu.memory_space<vmem_shared>> -> memref<10016x128xf32, #tpu.memory_space<vmem_shared>>
        tpu.wait_indirect_dma semaphore(%arg36 : memref<!tpu.dma_semaphore, #tpu.memory_space<semaphore_mem>>) src(%arg18 : memref<48x128xf32, #tpu.memory_space<vmem>>) dst(%dma_wait3A_303 : memref<10016x128xf32, #tpu.memory_space<vmem_shared>>)
      } else {
      }
      %dma_start3A_207 = tpu.memref_slice %arg4[%add3A_197] : memref<322560xi32, #tpu.memory_space<hbm>> -> memref<48xi32, #tpu.memory_space<hbm>>
      %dma_start3A_208 = tpu.memref_slice %arg4[%add3A_197] : memref<322560xi32, #tpu.memory_space<hbm>> -> memref<48xi32, #tpu.memory_space<hbm>>
      tpu.enqueue_dma source(%dma_start3A_208 : memref<48xi32, #tpu.memory_space<hbm>>) target(%arg12 : memref<48xi32, #tpu.memory_space<vmem>>) target_semaphore(%arg24 : memref<!tpu.dma_semaphore, #tpu.memory_space<semaphore_mem>>)
      %dma_start3A_209 = tpu.memref_slice %arg7[%mul3A_203] : memref<10080xi32, #tpu.memory_space<vmem>> -> memref<48xi32, #tpu.memory_space<vmem>>
      %dma_start3A_210 = arith.constant 0 : i32
      %dma_start3A_211 = arith.constant 0 : i32
      %dma_start3A_212 = tpu.memref_slice %arg2[%dma_start3A_210, %dma_start3A_211] : memref<10000x128xf32, #tpu.memory_space<hbm>> -> memref<10000x128xf32, #tpu.memory_space<hbm>>
      tpu.enqueue_indirect_dma source(%dma_start3A_212 : memref<10000x128xf32, #tpu.memory_space<hbm>>) target(%arg18 : memref<48x128xf32, #tpu.memory_space<vmem>>) offsets(%dma_start3A_209 : memref<48xi32, #tpu.memory_space<vmem>>) semaphore(%arg30 : memref<!tpu.dma_semaphore, #tpu.memory_space<semaphore_mem>>)
      %mul3A_213 = arith.constant 3 : i32
      %mul3A_214 = arith.muli %add3A_166, %mul3A_213 : i32
      %add3A_215 = arith.constant 2 : i32
      %add3A_216 = arith.addi %mul3A_214, %add3A_215 : i32
      %mul3A_217 = arith.constant 48 : i32
      %mul3A_218 = arith.muli %add3A_216, %mul3A_217 : i32
      %add3A_219 = arith.addi %mul3A_2, %mul3A_218 : i32
      %mul3A_220 = arith.constant 3 : i32
      %mul3A_221 = arith.muli %add3A_166, %mul3A_220 : i32
      %add3A_222 = arith.constant 2 : i32
      %add3A_223 = arith.addi %mul3A_221, %add3A_222 : i32
      %mul3A_224 = arith.constant 48 : i32
      %mul3A_225 = arith.muli %add3A_223, %mul3A_224 : i32
      %convert_element_type3A_226 = arith.extui %ge3A_168 : i1 to i32
      %cond3A_227 = arith.constant 0 : i32
      %cond3A_228 = arith.cmpi ne, %convert_element_type3A_226, %cond3A_227 : i32
      scf.if %cond3A_228 {
        %dma_wait3A_301 = arith.constant 0 : i32
        %dma_wait3A_302 = arith.constant 0 : i32
        %dma_wait3A_303 = tpu.memref_slice %arg38[%dma_wait3A_301, %dma_wait3A_302] : memref<10016x128xf32, #tpu.memory_space<vmem_shared>> -> memref<10016x128xf32, #tpu.memory_space<vmem_shared>>
        tpu.wait_indirect_dma semaphore(%arg37 : memref<!tpu.dma_semaphore, #tpu.memory_space<semaphore_mem>>) src(%arg19 : memref<48x128xf32, #tpu.memory_space<vmem>>) dst(%dma_wait3A_303 : memref<10016x128xf32, #tpu.memory_space<vmem_shared>>)
      } else {
      }
      %dma_start3A_229 = tpu.memref_slice %arg4[%add3A_219] : memref<322560xi32, #tpu.memory_space<hbm>> -> memref<48xi32, #tpu.memory_space<hbm>>
      %dma_start3A_230 = tpu.memref_slice %arg4[%add3A_219] : memref<322560xi32, #tpu.memory_space<hbm>> -> memref<48xi32, #tpu.memory_space<hbm>>
      tpu.enqueue_dma source(%dma_start3A_230 : memref<48xi32, #tpu.memory_space<hbm>>) target(%arg13 : memref<48xi32, #tpu.memory_space<vmem>>) target_semaphore(%arg25 : memref<!tpu.dma_semaphore, #tpu.memory_space<semaphore_mem>>)
      %dma_start3A_231 = tpu.memref_slice %arg7[%mul3A_225] : memref<10080xi32, #tpu.memory_space<vmem>> -> memref<48xi32, #tpu.memory_space<vmem>>
      %dma_start3A_232 = arith.constant 0 : i32
      %dma_start3A_233 = arith.constant 0 : i32
      %dma_start3A_234 = tpu.memref_slice %arg2[%dma_start3A_232, %dma_start3A_233] : memref<10000x128xf32, #tpu.memory_space<hbm>> -> memref<10000x128xf32, #tpu.memory_space<hbm>>
      tpu.enqueue_indirect_dma source(%dma_start3A_234 : memref<10000x128xf32, #tpu.memory_space<hbm>>) target(%arg19 : memref<48x128xf32, #tpu.memory_space<vmem>>) offsets(%dma_start3A_231 : memref<48xi32, #tpu.memory_space<vmem>>) semaphore(%arg31 : memref<!tpu.dma_semaphore, #tpu.memory_space<semaphore_mem>>)
      %mul3A_235 = arith.constant 3 : i32
      %mul3A_236 = arith.muli %add3A_166, %mul3A_235 : i32
      %add3A_237 = arith.constant 0 : i32
      %add3A_238 = arith.addi %mul3A_236, %add3A_237 : i32
      %mul3A_239 = arith.constant 48 : i32
      %mul3A_240 = arith.muli %add3A_238, %mul3A_239 : i32
      %add3A_241 = arith.addi %mul3A_2, %mul3A_240 : i32
      %mul3A_242 = arith.constant 3 : i32
      %mul3A_243 = arith.muli %add3A_166, %mul3A_242 : i32
      %add3A_244 = arith.constant 0 : i32
      %add3A_245 = arith.addi %mul3A_243, %add3A_244 : i32
      %mul3A_246 = arith.constant 48 : i32
      %mul3A_247 = arith.muli %add3A_245, %mul3A_246 : i32
      %dma_wait3A_248 = tpu.memref_slice %arg4[%add3A_241] : memref<322560xi32, #tpu.memory_space<hbm>> -> memref<48xi32, #tpu.memory_space<hbm>>
      %dma_wait3A_249 = tpu.memref_slice %arg4[%add3A_241] : memref<322560xi32, #tpu.memory_space<hbm>> -> memref<48xi32, #tpu.memory_space<hbm>>
      tpu.wait_dma2 semaphore(%arg23 : memref<!tpu.dma_semaphore, #tpu.memory_space<semaphore_mem>>) src(%dma_wait3A_249 : memref<48xi32, #tpu.memory_space<hbm>>) dst(%arg11 : memref<48xi32, #tpu.memory_space<vmem>>)
      %dma_wait3A_250 = tpu.memref_slice %arg7[%mul3A_247] : memref<10080xi32, #tpu.memory_space<vmem>> -> memref<48xi32, #tpu.memory_space<vmem>>
      %dma_wait3A_251 = arith.constant 0 : i32
      %dma_wait3A_252 = arith.constant 0 : i32
      %dma_wait3A_253 = tpu.memref_slice %arg2[%dma_wait3A_251, %dma_wait3A_252] : memref<10000x128xf32, #tpu.memory_space<hbm>> -> memref<10000x128xf32, #tpu.memory_space<hbm>>
      tpu.wait_indirect_dma semaphore(%arg29 : memref<!tpu.dma_semaphore, #tpu.memory_space<semaphore_mem>>) src(%dma_wait3A_253 : memref<10000x128xf32, #tpu.memory_space<hbm>>) dst(%arg17 : memref<48x128xf32, #tpu.memory_space<vmem>>)
      %dma_start3A_254 = arith.constant 0 : i32
      %dma_start3A_255 = arith.constant 0 : i32
      %dma_start3A_256 = tpu.memref_slice %arg38[%dma_start3A_254, %dma_start3A_255] : memref<10016x128xf32, #tpu.memory_space<vmem_shared>> -> memref<10016x128xf32, #tpu.memory_space<vmem_shared>>
      tpu.enqueue_indirect_dma source(%arg17 : memref<48x128xf32, #tpu.memory_space<vmem>>) target(%dma_start3A_256 : memref<10016x128xf32, #tpu.memory_space<vmem_shared>>) offsets(%arg11 : memref<48xi32, #tpu.memory_space<vmem>>) semaphore(%arg35 : memref<!tpu.dma_semaphore, #tpu.memory_space<semaphore_mem>>) {add = true}
      %mul3A_257 = arith.constant 3 : i32
      %mul3A_258 = arith.muli %add3A_166, %mul3A_257 : i32
      %add3A_259 = arith.constant 1 : i32
      %add3A_260 = arith.addi %mul3A_258, %add3A_259 : i32
      %mul3A_261 = arith.constant 48 : i32
      %mul3A_262 = arith.muli %add3A_260, %mul3A_261 : i32
      %add3A_263 = arith.addi %mul3A_2, %mul3A_262 : i32
      %mul3A_264 = arith.constant 3 : i32
      %mul3A_265 = arith.muli %add3A_166, %mul3A_264 : i32
      %add3A_266 = arith.constant 1 : i32
      %add3A_267 = arith.addi %mul3A_265, %add3A_266 : i32
      %mul3A_268 = arith.constant 48 : i32
      %mul3A_269 = arith.muli %add3A_267, %mul3A_268 : i32
      %dma_wait3A_270 = tpu.memref_slice %arg4[%add3A_263] : memref<322560xi32, #tpu.memory_space<hbm>> -> memref<48xi32, #tpu.memory_space<hbm>>
      %dma_wait3A_271 = tpu.memref_slice %arg4[%add3A_263] : memref<322560xi32, #tpu.memory_space<hbm>> -> memref<48xi32, #tpu.memory_space<hbm>>
      tpu.wait_dma2 semaphore(%arg24 : memref<!tpu.dma_semaphore, #tpu.memory_space<semaphore_mem>>) src(%dma_wait3A_271 : memref<48xi32, #tpu.memory_space<hbm>>) dst(%arg12 : memref<48xi32, #tpu.memory_space<vmem>>)
      %dma_wait3A_272 = tpu.memref_slice %arg7[%mul3A_269] : memref<10080xi32, #tpu.memory_space<vmem>> -> memref<48xi32, #tpu.memory_space<vmem>>
      %dma_wait3A_273 = arith.constant 0 : i32
      %dma_wait3A_274 = arith.constant 0 : i32
      %dma_wait3A_275 = tpu.memref_slice %arg2[%dma_wait3A_273, %dma_wait3A_274] : memref<10000x128xf32, #tpu.memory_space<hbm>> -> memref<10000x128xf32, #tpu.memory_space<hbm>>
      tpu.wait_indirect_dma semaphore(%arg30 : memref<!tpu.dma_semaphore, #tpu.memory_space<semaphore_mem>>) src(%dma_wait3A_275 : memref<10000x128xf32, #tpu.memory_space<hbm>>) dst(%arg18 : memref<48x128xf32, #tpu.memory_space<vmem>>)
      %dma_start3A_276 = arith.constant 0 : i32
      %dma_start3A_277 = arith.constant 0 : i32
      %dma_start3A_278 = tpu.memref_slice %arg38[%dma_start3A_276, %dma_start3A_277] : memref<10016x128xf32, #tpu.memory_space<vmem_shared>> -> memref<10016x128xf32, #tpu.memory_space<vmem_shared>>
      tpu.enqueue_indirect_dma source(%arg18 : memref<48x128xf32, #tpu.memory_space<vmem>>) target(%dma_start3A_278 : memref<10016x128xf32, #tpu.memory_space<vmem_shared>>) offsets(%arg12 : memref<48xi32, #tpu.memory_space<vmem>>) semaphore(%arg36 : memref<!tpu.dma_semaphore, #tpu.memory_space<semaphore_mem>>) {add = true}
      %mul3A_279 = arith.constant 3 : i32
      %mul3A_280 = arith.muli %add3A_166, %mul3A_279 : i32
      %add3A_281 = arith.constant 2 : i32
      %add3A_282 = arith.addi %mul3A_280, %add3A_281 : i32
      %mul3A_283 = arith.constant 48 : i32
      %mul3A_284 = arith.muli %add3A_282, %mul3A_283 : i32
      %add3A_285 = arith.addi %mul3A_2, %mul3A_284 : i32
      %mul3A_286 = arith.constant 3 : i32
      %mul3A_287 = arith.muli %add3A_166, %mul3A_286 : i32
      %add3A_288 = arith.constant 2 : i32
      %add3A_289 = arith.addi %mul3A_287, %add3A_288 : i32
      %mul3A_290 = arith.constant 48 : i32
      %mul3A_291 = arith.muli %add3A_289, %mul3A_290 : i32
      %dma_wait3A_292 = tpu.memref_slice %arg4[%add3A_285] : memref<322560xi32, #tpu.memory_space<hbm>> -> memref<48xi32, #tpu.memory_space<hbm>>
      %dma_wait3A_293 = tpu.memref_slice %arg4[%add3A_285] : memref<322560xi32, #tpu.memory_space<hbm>> -> memref<48xi32, #tpu.memory_space<hbm>>
      tpu.wait_dma2 semaphore(%arg25 : memref<!tpu.dma_semaphore, #tpu.memory_space<semaphore_mem>>) src(%dma_wait3A_293 : memref<48xi32, #tpu.memory_space<hbm>>) dst(%arg13 : memref<48xi32, #tpu.memory_space<vmem>>)
      %dma_wait3A_294 = tpu.memref_slice %arg7[%mul3A_291] : memref<10080xi32, #tpu.memory_space<vmem>> -> memref<48xi32, #tpu.memory_space<vmem>>
      %dma_wait3A_295 = arith.constant 0 : i32
      %dma_wait3A_296 = arith.constant 0 : i32
      %dma_wait3A_297 = tpu.memref_slice %arg2[%dma_wait3A_295, %dma_wait3A_296] : memref<10000x128xf32, #tpu.memory_space<hbm>> -> memref<10000x128xf32, #tpu.memory_space<hbm>>
      tpu.wait_indirect_dma semaphore(%arg31 : memref<!tpu.dma_semaphore, #tpu.memory_space<semaphore_mem>>) src(%dma_wait3A_297 : memref<10000x128xf32, #tpu.memory_space<hbm>>) dst(%arg19 : memref<48x128xf32, #tpu.memory_space<vmem>>)
      %dma_start3A_298 = arith.constant 0 : i32
      %dma_start3A_299 = arith.constant 0 : i32
      %dma_start3A_300 = tpu.memref_slice %arg38[%dma_start3A_298, %dma_start3A_299] : memref<10016x128xf32, #tpu.memory_space<vmem_shared>> -> memref<10016x128xf32, #tpu.memory_space<vmem_shared>>
      tpu.enqueue_indirect_dma source(%arg19 : memref<48x128xf32, #tpu.memory_space<vmem>>) target(%dma_start3A_300 : memref<10016x128xf32, #tpu.memory_space<vmem_shared>>) offsets(%arg13 : memref<48xi32, #tpu.memory_space<vmem>>) semaphore(%arg37 : memref<!tpu.dma_semaphore, #tpu.memory_space<semaphore_mem>>) {add = true}
    }
    %scan3A_9 = arith.constant 35 : i32
    %dma_wait3A = arith.constant 0 : i32
    %dma_wait3A_10 = arith.constant 0 : i32
    %dma_wait3A_11 = tpu.memref_slice %arg38[%dma_wait3A, %dma_wait3A_10] : memref<10016x128xf32, #tpu.memory_space<vmem_shared>> -> memref<10016x128xf32, #tpu.memory_space<vmem_shared>>
    tpu.wait_indirect_dma semaphore(%arg32 : memref<!tpu.dma_semaphore, #tpu.memory_space<semaphore_mem>>) src(%arg14 : memref<48x128xf32, #tpu.memory_space<vmem>>) dst(%dma_wait3A_11 : memref<10016x128xf32, #tpu.memory_space<vmem_shared>>)
    %dma_wait3A_12 = arith.constant 0 : i32
    %dma_wait3A_13 = arith.constant 0 : i32
    %dma_wait3A_14 = tpu.memref_slice %arg38[%dma_wait3A_12, %dma_wait3A_13] : memref<10016x128xf32, #tpu.memory_space<vmem_shared>> -> memref<10016x128xf32, #tpu.memory_space<vmem_shared>>
    tpu.wait_indirect_dma semaphore(%arg33 : memref<!tpu.dma_semaphore, #tpu.memory_space<semaphore_mem>>) src(%arg15 : memref<48x128xf32, #tpu.memory_space<vmem>>) dst(%dma_wait3A_14 : memref<10016x128xf32, #tpu.memory_space<vmem_shared>>)
    %dma_wait3A_15 = arith.constant 0 : i32
    %dma_wait3A_16 = arith.constant 0 : i32
    %dma_wait3A_17 = tpu.memref_slice %arg38[%dma_wait3A_15, %dma_wait3A_16] : memref<10016x128xf32, #tpu.memory_space<vmem_shared>> -> memref<10016x128xf32, #tpu.memory_space<vmem_shared>>
    tpu.wait_indirect_dma semaphore(%arg34 : memref<!tpu.dma_semaphore, #tpu.memory_space<semaphore_mem>>) src(%arg16 : memref<48x128xf32, #tpu.memory_space<vmem>>) dst(%dma_wait3A_17 : memref<10016x128xf32, #tpu.memory_space<vmem_shared>>)
    %dma_wait3A_18 = arith.constant 0 : i32
    %dma_wait3A_19 = arith.constant 0 : i32
    %dma_wait3A_20 = tpu.memref_slice %arg38[%dma_wait3A_18, %dma_wait3A_19] : memref<10016x128xf32, #tpu.memory_space<vmem_shared>> -> memref<10016x128xf32, #tpu.memory_space<vmem_shared>>
    tpu.wait_indirect_dma semaphore(%arg35 : memref<!tpu.dma_semaphore, #tpu.memory_space<semaphore_mem>>) src(%arg17 : memref<48x128xf32, #tpu.memory_space<vmem>>) dst(%dma_wait3A_20 : memref<10016x128xf32, #tpu.memory_space<vmem_shared>>)
    %dma_wait3A_21 = arith.constant 0 : i32
    %dma_wait3A_22 = arith.constant 0 : i32
    %dma_wait3A_23 = tpu.memref_slice %arg38[%dma_wait3A_21, %dma_wait3A_22] : memref<10016x128xf32, #tpu.memory_space<vmem_shared>> -> memref<10016x128xf32, #tpu.memory_space<vmem_shared>>
    tpu.wait_indirect_dma semaphore(%arg36 : memref<!tpu.dma_semaphore, #tpu.memory_space<semaphore_mem>>) src(%arg18 : memref<48x128xf32, #tpu.memory_space<vmem>>) dst(%dma_wait3A_23 : memref<10016x128xf32, #tpu.memory_space<vmem_shared>>)
    %dma_wait3A_24 = arith.constant 0 : i32
    %dma_wait3A_25 = arith.constant 0 : i32
    %dma_wait3A_26 = tpu.memref_slice %arg38[%dma_wait3A_24, %dma_wait3A_25] : memref<10016x128xf32, #tpu.memory_space<vmem_shared>> -> memref<10016x128xf32, #tpu.memory_space<vmem_shared>>
    tpu.wait_indirect_dma semaphore(%arg37 : memref<!tpu.dma_semaphore, #tpu.memory_space<semaphore_mem>>) src(%arg19 : memref<48x128xf32, #tpu.memory_space<vmem>>) dst(%dma_wait3A_26 : memref<10016x128xf32, #tpu.memory_space<vmem_shared>>)
    %barrier3A_27 = arith.constant 0 : index
    tpu.barrier barrier_id(%barrier3A_27)
    %mul3A_28 = arith.constant 625 : i32
    %mul3A_29 = arith.muli %arg1, %mul3A_28 : i32
    "tpu.region"() ({
      %run_scoped3A = tpu.sem_alloc : memref<!tpu.dma_semaphore, #tpu.memory_space<semaphore_mem>>
      %dma_start3A = arith.constant 0 : i32
      %dma_start3A_30 = arith.constant 0 : i32
      %dma_start3A_31 = tpu.memref_slice %arg6[%add3A, %dma_start3A, %dma_start3A_30] : memref<32x625x128xf32, #tpu.memory_space<hbm>> -> memref<1x625x128xf32, #tpu.memory_space<hbm>>
      %dma_start3A_32 = tpu.memref_squeeze %dma_start3A_31 : memref<1x625x128xf32, #tpu.memory_space<hbm>> -> memref<625x128xf32, #tpu.memory_space<hbm>>
      %dma_start3A_33 = arith.constant 0 : i32
      %dma_start3A_34 = tpu.memref_slice %arg38[%mul3A_29, %dma_start3A_33] : memref<10016x128xf32, #tpu.memory_space<vmem_shared>> -> memref<625x128xf32, #tpu.memory_space<vmem_shared>>
      tpu.enqueue_dma source(%dma_start3A_34 : memref<625x128xf32, #tpu.memory_space<vmem_shared>>) target(%dma_start3A_32 : memref<625x128xf32, #tpu.memory_space<hbm>>) target_semaphore(%run_scoped3A : memref<!tpu.dma_semaphore, #tpu.memory_space<semaphore_mem>>)
      %dma_wait3A_35 = arith.constant 0 : i32
      %dma_wait3A_36 = arith.constant 0 : i32
      %dma_wait3A_37 = tpu.memref_slice %arg6[%add3A, %dma_wait3A_35, %dma_wait3A_36] : memref<32x625x128xf32, #tpu.memory_space<hbm>> -> memref<1x625x128xf32, #tpu.memory_space<hbm>>
      %dma_wait3A_38 = tpu.memref_squeeze %dma_wait3A_37 : memref<1x625x128xf32, #tpu.memory_space<hbm>> -> memref<625x128xf32, #tpu.memory_space<hbm>>
      %dma_wait3A_39 = arith.constant 0 : i32
      %dma_wait3A_40 = tpu.memref_slice %arg38[%mul3A_29, %dma_wait3A_39] : memref<10016x128xf32, #tpu.memory_space<vmem_shared>> -> memref<625x128xf32, #tpu.memory_space<vmem_shared>>
      tpu.wait_dma2 semaphore(%run_scoped3A : memref<!tpu.dma_semaphore, #tpu.memory_space<semaphore_mem>>) src(%dma_wait3A_40 : memref<625x128xf32, #tpu.memory_space<vmem_shared>>) dst(%dma_wait3A_38 : memref<625x128xf32, #tpu.memory_space<hbm>>)
      tpu.yield
    }) : () -> ()
    return
  }
}

module attributes {stable_mosaic.version = 14 : i64} {
  func.func @_tc_dense1(%arg0: memref<10000x128xf32, #tpu.memory_space<vmem>>, %arg1: memref<128x128xf32, #tpu.memory_space<vmem>>, %arg2: memref<2x10000x1xf32, #tpu.memory_space<vmem>>, %arg3: memref<10000x128xf32, #tpu.memory_space<vmem>>) attributes {dimension_semantics = [], scalar_prefetch = 0 : i64, scratch_operands = 0 : i64, tpu.core_type = #tpu.core_type<tc>} {
    %get3A = arith.constant 0 : index
    %get3A_0 = arith.constant 0 : index
    %get3A_1 = arith.constant 0 : index
    %get3A_2 = vector.load %arg2[%get3A, %get3A_0, %get3A_1] : memref<2x10000x1xf32, #tpu.memory_space<vmem>>, vector<1x10000x1xf32>
    %get3A_3 = vector.shape_cast %get3A_2 : vector<1x10000x1xf32> to vector<10000x1xf32>
    %get3A_4 = arith.constant 1 : index
    %get3A_5 = arith.constant 0 : index
    %get3A_6 = arith.constant 0 : index
    %get3A_7 = vector.load %arg2[%get3A_4, %get3A_5, %get3A_6] : memref<2x10000x1xf32, #tpu.memory_space<vmem>>, vector<1x10000x1xf32>
    %get3A_8 = vector.shape_cast %get3A_7 : vector<1x10000x1xf32> to vector<10000x1xf32>
    %add3A = arith.addf %get3A_3, %get3A_8 : vector<10000x1xf32>
    %gt3A = arith.constant 0.000000e+00 : f32
    %gt3A_9 = vector.broadcast %gt3A : f32 to vector<10000x1xf32>
    %gt3A_10 = arith.cmpf ogt, %add3A, %gt3A_9 : vector<10000x1xf32>
    %max3A = arith.constant 9.99999996E-13 : f32
    %max3A_11 = vector.broadcast %max3A : f32 to vector<10000x1xf32>
    %max3A_12 = arith.maximumf %add3A, %max3A_11 : vector<10000x1xf32>
    %rsqrt3A = math.rsqrt %max3A_12 : vector<10000x1xf32>
    %jit3A = arith.constant 0.000000e+00 : f32
    %broadcast_in_dim3A = vector.broadcast %jit3A : f32 to vector<10000x1xf32>
    %select_n3A = arith.select %gt3A_10, %rsqrt3A, %broadcast_in_dim3A : vector<10000x1xi1>, vector<10000x1xf32>
    %get3A_13 = arith.constant 0 : index
    %get3A_14 = arith.constant 0 : index
    %get3A_15 = vector.load %arg0[%get3A_13, %get3A_14] : memref<10000x128xf32, #tpu.memory_space<vmem>>, vector<10000x128xf32>
    %get3A_16 = arith.constant 0 : index
    %get3A_17 = arith.constant 0 : index
    %get3A_18 = vector.load %arg1[%get3A_16, %get3A_17] : memref<128x128xf32, #tpu.memory_space<vmem>>, vector<128x128xf32>
    %dot_general3A = arith.constant dense<0.000000e+00> : vector<10000x128xf32>
    %dot_general3A_19 = tpu.matmul %get3A_15, %get3A_18, %dot_general3A {dimension_numbers = #tpu.dot_dimension_numbers<[1], [0], [0], [1], [0, 0, 1, 1], [], []>, transpose_lhs_hint = false} : vector<10000x128xf32>, vector<128x128xf32>, vector<10000x128xf32> -> vector<10000x128xf32>
    %mul3A = vector.broadcast %select_n3A : vector<10000x1xf32> to vector<10000x128xf32>
    %mul3A_20 = arith.mulf %mul3A, %dot_general3A_19 : vector<10000x128xf32>
    %swap3A = arith.constant 0 : index
    %swap3A_21 = arith.constant 0 : index
    %swap3A_22 = vector.load %arg3[%swap3A, %swap3A_21] : memref<10000x128xf32, #tpu.memory_space<vmem>>, vector<10000x128xf32>
    tpu.vector_store %arg3[%swap3A, %swap3A_21], %mul3A_20 {strides = array<i32>} : memref<10000x128xf32, #tpu.memory_space<vmem>>, vector<10000x128xf32>,
    return
  }
}

module attributes {stable_mosaic.version = 14 : i64} {
  func.func @_tc_dense2(%arg0: memref<2x10000x128xf32, #tpu.memory_space<vmem>>, %arg1: memref<2x10000x1xf32, #tpu.memory_space<vmem>>, %arg2: memref<1x128xf32, #tpu.memory_space<vmem>>, %arg3: memref<128x128xf32, #tpu.memory_space<vmem>>, %arg4: memref<10000x128xf32, #tpu.memory_space<vmem>>) attributes {dimension_semantics = [], scalar_prefetch = 0 : i64, scratch_operands = 0 : i64, tpu.core_type = #tpu.core_type<tc>} {
    %get3A = arith.constant 0 : index
    %get3A_0 = arith.constant 0 : index
    %get3A_1 = arith.constant 0 : index
    %get3A_2 = vector.load %arg1[%get3A, %get3A_0, %get3A_1] : memref<2x10000x1xf32, #tpu.memory_space<vmem>>, vector<1x10000x1xf32>
    %get3A_3 = vector.shape_cast %get3A_2 : vector<1x10000x1xf32> to vector<10000x1xf32>
    %get3A_4 = arith.constant 1 : index
    %get3A_5 = arith.constant 0 : index
    %get3A_6 = arith.constant 0 : index
    %get3A_7 = vector.load %arg1[%get3A_4, %get3A_5, %get3A_6] : memref<2x10000x1xf32, #tpu.memory_space<vmem>>, vector<1x10000x1xf32>
    %get3A_8 = vector.shape_cast %get3A_7 : vector<1x10000x1xf32> to vector<10000x1xf32>
    %add3A = arith.addf %get3A_3, %get3A_8 : vector<10000x1xf32>
    %gt3A = arith.constant 0.000000e+00 : f32
    %gt3A_9 = vector.broadcast %gt3A : f32 to vector<10000x1xf32>
    %gt3A_10 = arith.cmpf ogt, %add3A, %gt3A_9 : vector<10000x1xf32>
    %max3A = arith.constant 9.99999996E-13 : f32
    %max3A_11 = vector.broadcast %max3A : f32 to vector<10000x1xf32>
    %max3A_12 = arith.maximumf %add3A, %max3A_11 : vector<10000x1xf32>
    %rsqrt3A = math.rsqrt %max3A_12 : vector<10000x1xf32>
    %jit3A = arith.constant 0.000000e+00 : f32
    %broadcast_in_dim3A = vector.broadcast %jit3A : f32 to vector<10000x1xf32>
    %select_n3A = arith.select %gt3A_10, %rsqrt3A, %broadcast_in_dim3A : vector<10000x1xi1>, vector<10000x1xf32>
    %get3A_13 = arith.constant 0 : index
    %get3A_14 = arith.constant 0 : index
    %get3A_15 = arith.constant 0 : index
    %get3A_16 = vector.load %arg0[%get3A_13, %get3A_14, %get3A_15] : memref<2x10000x128xf32, #tpu.memory_space<vmem>>, vector<1x10000x128xf32>
    %get3A_17 = vector.shape_cast %get3A_16 : vector<1x10000x128xf32> to vector<10000x128xf32>
    %get3A_18 = arith.constant 1 : index
    %get3A_19 = arith.constant 0 : index
    %get3A_20 = arith.constant 0 : index
    %get3A_21 = vector.load %arg0[%get3A_18, %get3A_19, %get3A_20] : memref<2x10000x128xf32, #tpu.memory_space<vmem>>, vector<1x10000x128xf32>
    %get3A_22 = vector.shape_cast %get3A_21 : vector<1x10000x128xf32> to vector<10000x128xf32>
    %add3A_23 = arith.addf %get3A_17, %get3A_22 : vector<10000x128xf32>
    %mul3A = vector.broadcast %select_n3A : vector<10000x1xf32> to vector<10000x128xf32>
    %mul3A_24 = arith.mulf %mul3A, %add3A_23 : vector<10000x128xf32>
    %get3A_25 = arith.constant 0 : index
    %get3A_26 = arith.constant 0 : index
    %get3A_27 = vector.load %arg2[%get3A_25, %get3A_26] : memref<1x128xf32, #tpu.memory_space<vmem>>, vector<1x128xf32>
    %add3A_28 = vector.broadcast %get3A_27 : vector<1x128xf32> to vector<10000x128xf32>
    %add3A_29 = arith.addf %mul3A_24, %add3A_28 : vector<10000x128xf32>
    %max3A_30 = arith.constant 0.000000e+00 : f32
    %max3A_31 = vector.broadcast %max3A_30 : f32 to vector<10000x128xf32>
    %max3A_32 = arith.maximumf %add3A_29, %max3A_31 : vector<10000x128xf32>
    %get3A_33 = arith.constant 0 : index
    %get3A_34 = arith.constant 0 : index
    %get3A_35 = vector.load %arg3[%get3A_33, %get3A_34] : memref<128x128xf32, #tpu.memory_space<vmem>>, vector<128x128xf32>
    %dot_general3A = arith.constant dense<0.000000e+00> : vector<10000x128xf32>
    %dot_general3A_36 = tpu.matmul %max3A_32, %get3A_35, %dot_general3A {dimension_numbers = #tpu.dot_dimension_numbers<[1], [0], [0], [1], [0, 0, 1, 1], [], []>, transpose_lhs_hint = false} : vector<10000x128xf32>, vector<128x128xf32>, vector<10000x128xf32> -> vector<10000x128xf32>
    %mul3A_37 = vector.broadcast %select_n3A : vector<10000x1xf32> to vector<10000x128xf32>
    %mul3A_38 = arith.mulf %mul3A_37, %dot_general3A_36 : vector<10000x128xf32>
    %swap3A = arith.constant 0 : index
    %swap3A_39 = arith.constant 0 : index
    %swap3A_40 = vector.load %arg4[%swap3A, %swap3A_39] : memref<10000x128xf32, #tpu.memory_space<vmem>>, vector<10000x128xf32>
    tpu.vector_store %arg4[%swap3A, %swap3A_39], %mul3A_38 {strides = array<i32>} : memref<10000x128xf32, #tpu.memory_space<vmem>>, vector<10000x128xf32>,
    return
  }
}

module attributes {stable_mosaic.version = 14 : i64} {
  func.func @_tc_dense3(%arg0: memref<2x10000x128xf32, #tpu.memory_space<vmem>>, %arg1: memref<2x10000x1xf32, #tpu.memory_space<vmem>>, %arg2: memref<1x128xf32, #tpu.memory_space<vmem>>, %arg3: memref<128x128xf32, #tpu.memory_space<vmem>>, %arg4: memref<1x1xf32, #tpu.memory_space<vmem>>) attributes {dimension_semantics = [], scalar_prefetch = 0 : i64, scratch_operands = 0 : i64, tpu.core_type = #tpu.core_type<tc>} {
    %get3A = arith.constant 0 : index
    %get3A_0 = arith.constant 0 : index
    %get3A_1 = arith.constant 0 : index
    %get3A_2 = vector.load %arg1[%get3A, %get3A_0, %get3A_1] : memref<2x10000x1xf32, #tpu.memory_space<vmem>>, vector<1x10000x1xf32>
    %get3A_3 = vector.shape_cast %get3A_2 : vector<1x10000x1xf32> to vector<10000x1xf32>
    %get3A_4 = arith.constant 1 : index
    %get3A_5 = arith.constant 0 : index
    %get3A_6 = arith.constant 0 : index
    %get3A_7 = vector.load %arg1[%get3A_4, %get3A_5, %get3A_6] : memref<2x10000x1xf32, #tpu.memory_space<vmem>>, vector<1x10000x1xf32>
    %get3A_8 = vector.shape_cast %get3A_7 : vector<1x10000x1xf32> to vector<10000x1xf32>
    %add3A = arith.addf %get3A_3, %get3A_8 : vector<10000x1xf32>
    %gt3A = arith.constant 0.000000e+00 : f32
    %gt3A_9 = vector.broadcast %gt3A : f32 to vector<10000x1xf32>
    %gt3A_10 = arith.cmpf ogt, %add3A, %gt3A_9 : vector<10000x1xf32>
    %max3A = arith.constant 9.99999996E-13 : f32
    %max3A_11 = vector.broadcast %max3A : f32 to vector<10000x1xf32>
    %max3A_12 = arith.maximumf %add3A, %max3A_11 : vector<10000x1xf32>
    %rsqrt3A = math.rsqrt %max3A_12 : vector<10000x1xf32>
    %jit3A = arith.constant 0.000000e+00 : f32
    %broadcast_in_dim3A = vector.broadcast %jit3A : f32 to vector<10000x1xf32>
    %select_n3A = arith.select %gt3A_10, %rsqrt3A, %broadcast_in_dim3A : vector<10000x1xi1>, vector<10000x1xf32>
    %get3A_13 = arith.constant 0 : index
    %get3A_14 = arith.constant 0 : index
    %get3A_15 = arith.constant 0 : index
    %get3A_16 = vector.load %arg0[%get3A_13, %get3A_14, %get3A_15] : memref<2x10000x128xf32, #tpu.memory_space<vmem>>, vector<1x10000x128xf32>
    %get3A_17 = vector.shape_cast %get3A_16 : vector<1x10000x128xf32> to vector<10000x128xf32>
    %get3A_18 = arith.constant 1 : index
    %get3A_19 = arith.constant 0 : index
    %get3A_20 = arith.constant 0 : index
    %get3A_21 = vector.load %arg0[%get3A_18, %get3A_19, %get3A_20] : memref<2x10000x128xf32, #tpu.memory_space<vmem>>, vector<1x10000x128xf32>
    %get3A_22 = vector.shape_cast %get3A_21 : vector<1x10000x128xf32> to vector<10000x128xf32>
    %add3A_23 = arith.addf %get3A_17, %get3A_22 : vector<10000x128xf32>
    %mul3A = vector.broadcast %select_n3A : vector<10000x1xf32> to vector<10000x128xf32>
    %mul3A_24 = arith.mulf %mul3A, %add3A_23 : vector<10000x128xf32>
    %get3A_25 = arith.constant 0 : index
    %get3A_26 = arith.constant 0 : index
    %get3A_27 = vector.load %arg2[%get3A_25, %get3A_26] : memref<1x128xf32, #tpu.memory_space<vmem>>, vector<1x128xf32>
    %add3A_28 = vector.broadcast %get3A_27 : vector<1x128xf32> to vector<10000x128xf32>
    %add3A_29 = arith.addf %mul3A_24, %add3A_28 : vector<10000x128xf32>
    %max3A_30 = arith.constant 0.000000e+00 : f32
    %max3A_31 = vector.broadcast %max3A_30 : f32 to vector<10000x128xf32>
    %max3A_32 = arith.maximumf %add3A_29, %max3A_31 : vector<10000x128xf32>
    %reduce_sum3A = arith.constant dense<0.000000e+00> : vector<128xf32>
    %reduce_sum3A_33 = vector.multi_reduction <add>, %max3A_32, %reduce_sum3A [0] : vector<10000x128xf32> to vector<128xf32>
    %broadcast_in_dim3A_34 = vector.shape_cast %reduce_sum3A_33 : vector<128xf32> to vector<1x128xf32>
    %div3A = arith.constant 1.000000e+04 : f32
    %div3A_35 = vector.broadcast %div3A : f32 to vector<1x128xf32>
    %div3A_36 = arith.divf %broadcast_in_dim3A_34, %div3A_35 : vector<1x128xf32>
    %logistic3A = arith.negf %div3A_36 : vector<1x128xf32>
    %logistic3A_37 = math.exp %logistic3A : vector<1x128xf32>
    %logistic3A_38 = arith.constant 1.000000e+00 : f32
    %logistic3A_39 = vector.broadcast %logistic3A_38 : f32 to vector<1x128xf32>
    %logistic3A_40 = arith.addf %logistic3A_39, %logistic3A_37 : vector<1x128xf32>
    %logistic3A_41 = arith.divf %logistic3A_39, %logistic3A_40 : vector<1x128xf32>
    %get3A_42 = arith.constant 0 : index
    %get3A_43 = arith.constant 0 : index
    %get3A_44 = vector.load %arg3[%get3A_42, %get3A_43] : memref<128x128xf32, #tpu.memory_space<vmem>>, vector<128x128xf32>
    %dot_general3A = arith.constant dense<0.000000e+00> : vector<1x128xf32>
    %dot_general3A_45 = tpu.matmul %logistic3A_41, %get3A_44, %dot_general3A {dimension_numbers = #tpu.dot_dimension_numbers<[1], [0], [0], [1], [0, 0, 1, 1], [], []>, transpose_lhs_hint = false} : vector<1x128xf32>, vector<128x128xf32>, vector<1x128xf32> -> vector<1x128xf32>
    %mul3A_46 = vector.broadcast %dot_general3A_45 : vector<1x128xf32> to vector<10000x128xf32>
    %mul3A_47 = arith.mulf %max3A_32, %mul3A_46 : vector<10000x128xf32>
    %reduce_sum3A_48 = arith.constant dense<0.000000e+00> : vector<10000xf32>
    %reduce_sum3A_49 = vector.multi_reduction <add>, %mul3A_47, %reduce_sum3A_48 [1] : vector<10000x128xf32> to vector<10000xf32>
    %broadcast_in_dim3A_50 = vector.shape_cast %reduce_sum3A_49 : vector<10000xf32> to vector<10000x1xf32>
    %abs3A = math.absf %broadcast_in_dim3A_50 : vector<10000x1xf32>
    %neg3A = arith.constant 0.000000e+00 : f32
    %neg3A_51 = vector.broadcast %neg3A : f32 to vector<10000x1xf32>
    %neg3A_52 = arith.subf %neg3A_51, %abs3A : vector<10000x1xf32>
    %exp3A = math.exp %neg3A_52 : vector<10000x1xf32>
    %log1p3A = math.log1p %exp3A : vector<10000x1xf32>
    %mul3A_53 = arith.constant 2.000000e+00 : f32
    %mul3A_54 = vector.broadcast %mul3A_53 : f32 to vector<10000x1xf32>
    %mul3A_55 = arith.mulf %mul3A_54, %log1p3A : vector<10000x1xf32>
    %add3A_56 = arith.addf %abs3A, %mul3A_55 : vector<10000x1xf32>
    %reduce_sum3A_57 = vector.shape_cast %add3A_56 : vector<10000x1xf32> to vector<1x10000x1xf32>
    %reduce_sum3A_58 = arith.constant dense<0.000000e+00> : vector<1xf32>
    %reduce_sum3A_59 = vector.multi_reduction <add>, %reduce_sum3A_57, %reduce_sum3A_58 [1, 2] : vector<1x10000x1xf32> to vector<1xf32>
    %reduce_sum3A_60 = vector.shape_cast %reduce_sum3A_59 : vector<1xf32> to vector<1x1x1xf32>
    %reduce_sum3A_61 = vector.extract %reduce_sum3A_60[0, 0, 0] : f32 from vector<1x1x1xf32>
    %broadcast_in_dim3A_62 = vector.broadcast %reduce_sum3A_61 : f32 to vector<1x1xf32>
    %div3A_63 = arith.constant 1.000000e+04 : f32
    %div3A_64 = vector.broadcast %div3A_63 : f32 to vector<1x1xf32>
    %div3A_65 = arith.divf %broadcast_in_dim3A_62, %div3A_64 : vector<1x1xf32>
    %swap3A = arith.constant 0 : index
    %swap3A_66 = arith.constant 0 : index
    %swap3A_67 = vector.load %arg4[%swap3A, %swap3A_66] : memref<1x1xf32, #tpu.memory_space<vmem>>, vector<1x1xf32>
    tpu.vector_store %arg4[%swap3A, %swap3A_66], %div3A_65 {strides = array<i32>} : memref<1x1xf32, #tpu.memory_space<vmem>>, vector<1x1xf32>,
    return
  }
}

</mosaic_0001>

<sc_bundles>
// kernel: kernel.11.cloned.1.call-start
scs
__scs_entry_jumppad:
0x0: {  	(pc) =	sbr.rel $0x88, $3  }
0x1: {  	(tag) =	ssettag $0x0;
	lr =	simm.s32 $0x1  }
0x2: {  	[smem:$0x3F9A] =	sst lr;
	_ =	strace $0xD0000000  }
0x3: {  	_ = 	snop  }
0x4: {  	_ = 	snop  }
0x5: {  	_ = 	snop  }
0x6: {  	_ = 	snop  }
0x7: {  	_ = 	snop  }
__scs_overlays_trampoline_lowered:
0x8: {  	[smem:$0x3FA9] =	sst s0  }
0x9: {  	[smem:$0x3FAA] =	sst s1  }
0xa: {  	[smem:$0x3FAB] =	sst s2  }
0xb: {  	[smem:$0x3FAC] =	sst s3  }
0xc: {  	[smem:$0x3FAD] =	sst s4  }
0xd: {  	[smem:$0x3FAE] =	sst s5  }
0xe: {  	[smem:$0x3FAF] =	sst s6  }
0xf: {  	[smem:$0x3FB0] =	sst s7  }
0x10: {  	[smem:$0x3FB1] =	sst s8  }
0x11: {  	[smem:$0x3FB2] =	sst s9;
	s0 =	simm.s32 @!p0 $0x0  }
0x12: {  	s1 =	sld [smem:$0x3F98];
	s0 =	simm.s32 @p0 $0x1  }
0x13: {  	[smem:$0x3FB3] =	sst s0;
	s0 =	simm.s32 @!p1 $0x0  }
0x14: {  	s2 =	sld [smem:$0x3F97];
	s0 =	simm.s32 @p1 $0x1  }
0x15: {  	[smem:$0x3FB4] =	sst s0;
	s0 =	simm.s32 @!p2 $0x0  }
0x16: {  	s3 =	sld [smem:$0x3FDB];
	s0 =	simm.s32 @p2 $0x1  }
0x17: {  	s4 =	simm.s32 $0x1BF5;
	[smem:$0x3FB6] =	sst s0  }
0x18: {  	s0 =	sld [smem:$0x3F99];
	_ =	swait.ge [sflag:s4], $0x0  }
0x19: {  	s7 =	sld [smem:$0x3F9A]  }
0x1a: {  	s8 =	sadd.s32 $0xFFFFE003, lr  }
0x1b: {  	s9 =	sadd.s32 $0xFFFFFEF7, lr;
	s5 =	simm.s32 $0xFFFFFFFF;
	p2 =	slt.u32 s8, $0xFFFFF086  }
0x1c: {  	p1 =	slt.u32 s9, $0xF7A;
	s5 =	simm.s32 @!p2 $0x0  }
0x1d: {  	s5 =	simm.s32 @p1 $0x1;
	p0 =	seq.s32 s7, s2  }
0x1e: {  	s7 =	smul.u32 @!p0 $0xF7A, s2;
	p2 =	seq.s32 @!p0 s5, $0x0  }
0x1f: {  	s9 =	smul.u32 $0xF7A, s1;
	s8 =	simm.s32 @!p0 $0x1BF5;
	p2 =	por !p2, p0  }
0x20: {  	[sflag:s8] =	ssyncset.s32 @!p0 $0xFFFFF086;
	s6 =	sadd.s32 @!p0 s3, s7;
	s7 =	simm.s32 @!p0 $0x108  }
0x21: {  	s3 =	sadd.s32 s3, s9;
	s6 =	sadd.s32 @!p0 $0x88, s6;
	s7 =	simm.s32 @p2 $0x1082  }
0x22: {  	[simem:s7], [sflag:s8] =	dma.local @!p0 [hbm:s6], $0xF7A  }
0x23: {  	s9 =	sor.u32 $0xD0000000, s2;
	s6 =	simm.s32 $0x108;
	_ =	swait.ge @!p0 [sflag:s8], $0x0  }
0x24: {  	s3 =	sadd.s32 $0x88, s3;
	s6 =	simm.s32 @!p1 $0x1082;
	[sflag:s4] =	ssyncset.s32 $0xFFFFF086  }
0x25: {  	[simem:s6], [sflag:s4] =	dma.local [hbm:s3], $0xF7A  }
0x26: {  	[smem:$0x3F9A] =	sst s1;
	(tag) =	ssettag s2;
	_ =	strace s9  }
0x27: {  	s1 =	sld [smem:$0x3FAA]  }
0x28: {  	s2 =	sld [smem:$0x3FAB]  }
0x29: {  	s4 =	sld [smem:$0x3FAD]  }
0x2a: {  	p0 =	seq.s32 s5, $0x0;
	s5 =	sld [smem:$0x3FAE]  }
0x2b: {  	s6 =	sld [smem:$0x3FAF]  }
0x2c: {  	s7 =	sld [smem:$0x3FB0]  }
0x2d: {  	s3 =	simm.s32 $0x108;
	s8 =	sld [smem:$0x3FB1]  }
0x2e: {  	s3 =	simm.s32 @!p0 $0x1082;
	s9 =	sld [smem:$0x3FB2]  }
0x2f: {  	lr =	sadd.s32 s0, s3;
	s0 =	sld [smem:$0x3FA9]  }
0x30: {  	s3 =	sld [smem:$0x3FAC]  }
0x31: {  	[smem:$0x3FB5] =	sst s10  }
0x32: {  	s10 =	sld [smem:$0x3FB3];
	_ =	sdelay $0x3  }
0x33: {  	p0 =	seq.s32 s10, $0x1;
	s10 =	sld [smem:$0x3FB5];
	_ =	sdelay $0x3  }
0x34: {  	[smem:$0x3FB5] =	sst s10  }
0x35: {  	s10 =	sld [smem:$0x3FB4];
	_ =	sdelay $0x3  }
0x36: {  	p1 =	seq.s32 s10, $0x1;
	s10 =	sld [smem:$0x3FB5];
	_ =	sdelay $0x3  }
0x37: {  	[smem:$0x3FB5] =	sst s10  }
0x38: {  	s10 =	sld [smem:$0x3FB6]  }
0x39: {  	_ = 	snop;
	(pc) =	sbr.ind lr, $3  }
0x3a: {  	_ = 	snop  }
0x3b: {  	_ = 	snop  }
0x3c: {  	p2 =	seq.s32 s10, $0x1;
	s10 =	sld [smem:$0x3FB5]  }
0x3d: {  	_ =	shalt  }
0x3e: {  	_ =	shalt  }
0x3f: {  	_ =	shalt  }
0x40: {  	_ =	shalt  }
0x41: {  	_ =	shalt  }
0x42: {  	_ =	shalt  }
0x43: {  	_ =	shalt  }
0x44: {  	_ =	shalt  }
0x45: {  	_ =	shalt  }
0x46: {  	_ =	shalt  }
0x47: {  	_ =	shalt  }
0x48: {  	_ =	shalt  }
0x49: {  	_ =	shalt  }
0x4a: {  	_ =	shalt  }
0x4b: {  	_ =	shalt  }
0x4c: {  	_ =	shalt  }
0x4d: {  	_ =	shalt  }
0x4e: {  	_ =	shalt  }
0x4f: {  	_ =	shalt  }
0x50: {  	_ =	shalt  }
0x51: {  	_ =	shalt  }
0x52: {  	_ =	shalt  }
0x53: {  	_ =	shalt  }
0x54: {  	_ =	shalt  }
0x55: {  	_ =	shalt  }
0x56: {  	_ =	shalt  }
0x57: {  	_ =	shalt  }
0x58: {  	_ =	shalt  }
0x59: {  	_ =	shalt  }
0x5a: {  	_ =	shalt  }
0x5b: {  	_ =	shalt  }
0x5c: {  	_ =	shalt  }
0x5d: {  	_ =	shalt  }
0x5e: {  	_ =	shalt  }
0x5f: {  	_ =	shalt  }
0x60: {  	_ =	shalt  }
0x61: {  	_ =	shalt  }
0x62: {  	_ =	shalt  }
0x63: {  	_ =	shalt  }
0x64: {  	_ =	shalt  }
0x65: {  	_ =	shalt  }
0x66: {  	_ =	shalt  }
0x67: {  	_ =	shalt  }
0x68: {  	_ =	shalt  }
0x69: {  	_ =	shalt  }
0x6a: {  	_ =	shalt  }
0x6b: {  	_ =	shalt  }
0x6c: {  	_ =	shalt  }
0x6d: {  	_ =	shalt  }
0x6e: {  	_ =	shalt  }
0x6f: {  	_ =	shalt  }
0x70: {  	_ =	shalt  }
0x71: {  	_ =	shalt  }
0x72: {  	_ =	shalt  }
0x73: {  	_ =	shalt  }
0x74: {  	_ =	shalt  }
0x75: {  	_ =	shalt  }
0x76: {  	_ =	shalt  }
0x77: {  	_ =	shalt  }
0x78: {  	_ =	shalt  }
0x79: {  	_ =	shalt  }
0x7a: {  	_ =	shalt  }
0x7b: {  	_ =	shalt  }
0x7c: {  	_ =	shalt  }
0x7d: {  	_ =	shalt  }
0x7e: {  	_ =	shalt  }
0x7f: {  	_ =	shalt  }
0x80: {  	_ =	shalt  }
0x81: {  	_ =	shalt  }
0x82: {  	_ =	shalt  }
0x83: {  	_ =	shalt  }
0x84: {  	_ =	shalt  }
0x85: {  	_ =	shalt  }
0x86: {  	_ =	shalt  }
0x87: {  	_ =	shalt  }
.Lfunc_end0:
.L_simem_size_0:
called_computation.1_lowered:
.L_overlay_start_0:
0x88: {  	s2 =	sld [smem:$0x3FD9]  }
0x89: {  	s3 =	sld [smem:$0x3FFE];
	_ =	sdelay $0x1  }
0x8a: {  	s1 =	srdreg.scid  }
0x8b: {  	s0 =	sand.u32 $0x1, s1  }
0x8c: {  	s16 =	sshll.u32 s0, $0xA;
	s2 =	sadd.s32 s3, s2  }
0x8d: {  	s2 =	sadd.s32 s2, s16  }
0x8e: {  	[smem:$0x3FC1] =	sst s2  }
0x8f: {  	_ = 	snop  }
0x90: {  	(tm) =	ssettm $0x1  }
0x91: {  	s17 =	sld [smem:$0x3FFB];
	_ =	sdelay $0x3  }
0x92: {  	_ =	strace s17  }
0x93: {  	s2 =	sld [smem:$0x3FFC];
	_ =	sdelay $0x3  }
0x94: {  	_ =	strace s2  }
0x95: {  	s2 =	sld [smem:$0x3FFD];
	_ =	sdelay $0x3  }
0x96: {  	_ =	strace s2  }
0x97: {  	_ =	strace $0x8FFFFFFF  }
0x98: {  	s18 =	sld [smem:$0x3FDB];
	_ =	sdelay $0x1  }
0x99: {  	s19 =	simm.s32 $_scs_section_size  }
0x9a: {  	s4 =	simm.s32 $_size__tile_overlayer_lowered;
	s5 =	simm.s32 $_tile_overlayer_lowered  }
0x9b: {  	s22 =	simm.s32 $0x1BFF;
	s21 =	sshll.u32 s5, $0x1;
	s2 =	sadd.s32 s19, s18  }
0x9c: {  	s6 =	simm.s32 $0x0;
	s20 =	sshll.u32 s4, $0x1;
	s4 =	sadd.s32 s21, s2  }
0x9d: {  	[timem:s6], [sflag:s22] =	dma.local [hbm:s4], s20  }
0x9e: {  	_ =	swait.ge [sflag:s22], s20  }
0x9f: {  	s3 =	ssub.s32 $0x0, s20;
	[sflag:s22] =	ssyncset.done $0x0  }
0xa0: {  	[sflag:s22] =	ssyncadd.s32 s3;
	_ =	sdelay $0x1  }
0xa1: {  	s23 =	simm.s32 $0x1B8B  }
0xa2: {  	_ =	swait.ge [sflag:s23], $0x1  }
0xa3: {  	[sflag:s23] =	ssyncset.done $0x0  }
0xa4: {  	s25 =	simm.s32 $0x1B8E;
	s24 =	sld [smem:$0x3FFE];
	[sflag:s23] =	ssyncadd.s32 $0xFFFFFFFF  }
0xa5: {  	s26 =	simm.s32 $execute0_lowered;
	[smem:$0x3FD2] =	sst s25  }
0xa6: {  	s4 =	sshll.u32 s26, $0x1;
	_ =	strace $0x80000049;
	[dreg:$0x1] =	wrdreg $0xFFFFFFFF  }
0xa7: {  	s28 =	simm.s32 $_size_execute0_lowered;
	s2 =	sadd.s32 s2, s4;
	[dreg:$0x0] =	wrdreg $0x0  }
0xa8: {  	s4 =	sshll.u32 s28, $0x1;
	[dreg:$0x2] =	wrdreg s2  }
0xa9: {  	[dreg:$0x3] =	wrdreg s4  }
0xaa: {  	[dreg:$0x4] =	wrdreg $0xC0  }
0xab: {  	_ =	task [dreg:s6], $0x5FFFF  }
0xac: {  	[dreg:$0x1] =	wrdreg $0xFFFFFFFF  }
0xad: {  	[dreg:$0x0] =	wrdreg $0x60  }
0xae: {  	[dreg:$0x2] =	wrdreg s24  }
0xaf: {  	[dreg:$0x3] =	wrdreg $0xBA800  }
0xb0: {  	[dreg:$0x4] =	wrdreg $0x9  }
0xb1: {  	_ =	task.clear_ibuf [dreg:s6], $0x5FFFF;
	_ =	strace $0x90000049  }
0xb2: {  	s29 =	simm.s32 $0x9;
	_ =	strace $0x8000004B  }
0xb3: {  	_ =	swait.ge [sflag:s29], $0x1  }
0xb4: {  	[sflag:s29] =	ssyncadd.s32 $0xFFFFFFFF  }
0xb5: {  	_ =	strace $0x9000004B  }
0xb6: {  	_ =	sfence  }
0xb7: {  	s30 =	sld [smem:$0x0];
	_ =	sdelay $0x2  }
0xb8: {  	s31 =	sshll.u32 s1, $0xD;
	s1 =	sshrl.u32 s1, $0x2  }
0xb9: {  	s3 =	sand.u32 $0x4000, s31;
	s1 =	sadd.s32 s1, s30  }
0xba: {  	s0 =	sor.u32 s3, s0;
	s1 =	sshll.u32 s1, $0x11  }
0xbb: {  	s0 =	sor.u32 s1, s0  }
0xbc: {  	s0 =	sadd.s32 $0x8F2B, s0  }
0xbd: {  	[sflag:s0] =	ssyncadd.remote.s32 $0x1  }
0xbe: {  	_ =	sfence.sel $0xFFFF  }
0xbf: {  	[dreg:$0x0] =	wrdreg $0xFFFFFFFF;
	(pc) =	sbr.abs _section_cstart, $3  }
0xc0: {  	[dreg:$0x1] =	wrdreg $0xFFFFFFFF  }
0xc1: {  	_ =	task.clear_ibuf [dreg:s6], $0x2FFFF;
	_ =	strace $0x9FFFFFFF  }
0xc2: {  	(tm) =	ssettm $0x7FFFFFFF  }
0xc3: {  	_ =	shalt  }
tec
execute0_lowered:
.L_overlay_start_1:
0x0: {  	(tag) =	ssettag $0x1  }
0x1: {  	s0 =	srdreg.scid;
	s1 =	rddreg [dreg:$0x0]  }
0x2: {  	s11 =	stileid.u32;
	s2 =	rddreg [dreg:$0x1];
	s28 =	simm.s32 $0x2980  }
0x3: {  	s29 =	simm.s32 $0x8A80;
	s30 =	simm.s32 $0x2A00;
	s31 =	simm.s32 $0xA280  }
0x4: {  	s0 =	sand.u32 $0x1, s0;
	s7 =	smul.u32 $0x4E200, s11;
	s9 =	sadd.s32 $0xD200, s1  }
0x5: {  	s10 =	smul.u32 $0x2760, s11;
	s12 =	sadd.s32 $0x2A00, s1;
	s3 =	sshll.u32 s0, $0x4  }
0x6: {  	s8 =	smul.u32 $0x27600, s0;
	s0 =	ssub.s32 $0x2, s0;
	s4 =	sor.u32 s11, s3  }
0x7: {  	s3 =	simm.s32 $0x0;
	s24 =	sshrl.u32 s0, $0x1;
	s25 =	sshrl.u32 s7, $0x2  }
0x8: {  	s7 =	simm.s32 $0x6;
	s5 =	smul.u32 $0x2760, s4;
	[smem:$0x7FF] =	sst s3  }
0x9: {  	s6 =	smul.u32 $0x2780, s4;
	s4 =	sadd.s32 $0x6F000, s1;
	s0 =	ssub.s32 s0, s24  }
0xa: {  	s26 =	sadd.s32 s10, s8;
	s8 =	sadd.s32 s25, s2;
	_ =	strace $0x8000004A  }
0xb: {  	[dreg:$0x9] =	wrdreg s12;
	s10 =	sadd.s32 $0x90, s26;
	s13 =	sadd.s32 $0xC0, s26  }
0xc: {  	s0 =	smax.u32 s0, $0x1;
	s17 =	sadd.s32 $0xF0, s26;
	s19 =	sadd.s32 $0x60, s26  }
0xd: {  	s20 =	sadd.s32 $0x30, s26;
	s24 =	sshrl.u32 s26, $0x3;
	s26 =	sshll.u32 s11, $0x6  }
0xe: {  	s5 =	sshrl.u32 s5, $0x3;
	s12 =	sshrl.u32 s10, $0x3;
	[dreg:$0xc] =	wrdreg s0  }
0xf: {  	s15 =	sshrl.u32 s13, $0x3;
	s18 =	sshrl.u32 s17, $0x3;
	s22 =	sshrl.u32 s20, $0x3  }
0x10: {  	s25 =	sadd.s32 s24, s9;
	s10 =	simm.s32 $0x13;
	s11 =	sor.u32 $0x1C13, s26  }
0x11: {  	s13 =	simm.s32 $0x30;
	s20 =	simm.s32 $0x7;
	s24 =	simm.s32 $0x9  }
0x12: {  	s26 =	simm.s32 $0x5A80;
	s5 =	sadd.s32 s5, s1;
	[dreg:$0x8] =	wrdreg s25  }
0x13: {  	s1 =	sadd.s32 s6, s1;
	s14 =	sadd.s32 s12, s9;
	[dreg:$0xd] =	wrdreg s11  }
0x14: {  	s16 =	sadd.s32 s15, s9;
	s0 =	sadd.s32 s18, s9;
	[dreg:$0x3] =	wrdreg s14  }
0x15: {  	s23 =	sadd.s32 s22, s9;
	s12 =	sshrl.u32 s8, $0x3;
	[dreg:$0x4] =	wrdreg s16  }
0x16: {  	s22 =	simm.s32 $0x8;
	s6 =	simm.s32 $0xB;
	[dreg:$0x5] =	wrdreg s0  }
0x17: {  	s8 =	simm.s32 $0xC;
	s25 =	simm.s32 $0x4280;
	[dreg:$0x7] =	wrdreg s23  }
0x18: {  	s5 =	sadd.s32 $0x17000, s5;
	s1 =	sadd.s32 $0x96200, s1;
	[dreg:$0xe] =	wrdreg s12  }
0x19: {  	s23 =	simm.s32 $0x3;
	s0 =	simm.s32 $0xA;
	[dreg:$0xa] =	wrdreg s5  }
0x1a: {  	s14 =	simm.s32 $0x0;
	[dreg:$0xb] =	wrdreg s1;
	s1 =	sshrl.u32 s19, $0x3  }
0x1b: {  	s19 =	simm.s32 $0x1;
	s5 =	simm.s32 $0x5;
	s21 =	sadd.s32 s1, s9  }
0x1c: {  	s1 =	simm.s32 $0x4;
	[dreg:$0x6] =	wrdreg s21;
	s21 =	simm.s32 $0x2  }
.LBB2_1:
0x1d: {  	[dreg:$0xf] =	wrdreg s14  }
0x1e: {  	s9 =	rddreg [dreg:$0xa]  }
0x1f: {  	[tilespmem:s3], [sflag:$0x13] =	stream.linear.gather [hbm4b:s9+s3], $0x2760, $0x38;
	[tilespmem:$0x1F380] =	vst v63  }
0x20: {  	_ =	swait.ge [sflag:s10], $0x2760  }
0x21: {  	[sflag:s10] =	ssyncset.done $0x0  }
0x22: {  	s18 =	rddreg [dreg:$0x9];
	[sflag:s10] =	ssyncadd.s32 $0xFFFFD8A0  }
0x23: {  	[spmem:s12], [sflag:s11] =	dma.local [hbm:s18], $0x2710  }
0x24: {  	_ =	swait.ge [sflag:s10], $0x2710  }
0x25: {  	[sflag:s10] =	ssyncset.done $0x0  }
0x26: {  	p0 =	por $0x1, $0x1;
	[sflag:s10] =	ssyncadd.s32 $0xFFFFD8F0  }
0x27: {  	s9 =	simm.s32 @!p0 $0xD;
	[bflag:$0x0] =	sbarrier.arrive $0xFFFF  }
0x28: {  	_ =	swait.ge @!p0 [sflag:s9], $0x1800  }
0x29: {  	s11 =	rddreg [dreg:$0x8];
	[sflag:s9] =	ssyncset.done @!p0 $0x0  }
0x2a: {  	[sflag:s9] =	ssyncadd.s32 @!p0 $0xFFFFE800;
	s12 =	sadd.s32 $0x0, s11;
	s11 =	simm.s32 $0x2780  }
0x2b: {  	[tilespmem:s11], [sflag:$0x1] =	stream.linear.gather [hbm4b:s12+s3], $0x30, $0x38;
	[tilespmem:$0x1F380] =	vst v63  }
0x2c: {  	s14 =	simm.s32 $0x0;
	s10 =	simm.s32 @!p0 $0xE;
	s12 =	simm.s32 $0x2A80  }
0x2d: {  	[tilespmem:s12], [sflag:$0x7] =	stream.indirect.gather [hbm4b:s4+s13], $0x80, s14, s13, $0xb8;
	[tilespmem:$0x1F380] =	vst v63  }
0x2e: {  	_ =	swait.ge @!p0 [sflag:s10], $0x1800  }
0x2f: {  	s15 =	rddreg [dreg:$0x7];
	[sflag:s10] =	ssyncset.done @!p0 $0x0  }
0x30: {  	s14 =	simm.s32 $0x2800;
	[sflag:s10] =	ssyncadd.s32 @!p0 $0xFFFFE800;
	s9 =	sadd.s32 $0x0, s15  }
0x31: {  	[tilespmem:s14], [sflag:$0x2] =	stream.linear.gather [hbm4b:s9+s3], $0x30, $0x38;
	[tilespmem:$0x1F380] =	vst v63  }
0x32: {  	s16 =	simm.s32 $0x30;
	s10 =	simm.s32 @!p0 $0xF;
	s15 =	simm.s32 $0x4280  }
0x33: {  	[tilespmem:s15], [sflag:$0x8] =	stream.indirect.gather [hbm4b:s4+s13], $0x80, s16, s13, $0xb8;
	[tilespmem:$0x1F380] =	vst v63  }
0x34: {  	_ =	swait.ge @!p0 [sflag:s10], $0x1800  }
0x35: {  	s17 =	rddreg [dreg:$0x6];
	[sflag:s10] =	ssyncset.done @!p0 $0x0  }
0x36: {  	s18 =	simm.s32 $0x2880;
	[sflag:s10] =	ssyncadd.s32 @!p0 $0xFFFFE800;
	s9 =	sadd.s32 $0x0, s17  }
0x37: {  	[tilespmem:s18], [sflag:$0x3] =	stream.linear.gather [hbm4b:s9+s3], $0x30, $0x38;
	[tilespmem:$0x1F380] =	vst v63  }
0x38: {  	s16 =	simm.s32 $0x5A80;
	s17 =	simm.s32 $0x60  }
0x39: {  	[tilespmem:s16], [sflag:$0x9] =	stream.indirect.gather [hbm4b:s4+s13], $0x80, s17, s13, $0xb8;
	[tilespmem:$0x1F380] =	vst v63  }
0x3a: {  	_ =	swait.ge [sflag:s19], $0x30  }
0x3b: {  	[sflag:s19] =	ssyncset.done $0x0  }
0x3c: {  	[sflag:s19] =	ssyncadd.s32 $0xFFFFFFD0  }
0x3d: {  	_ =	swait.ge [sflag:s20], $0x1800  }
0x3e: {  	[sflag:s20] =	ssyncset.done $0x0  }
0x3f: {  	[sflag:s20] =	ssyncadd.s32 $0xFFFFE800  }
0x40: {  	[spmem:s2] =	stream.indirect.scatter.add.f32 [tilespmem:s12], [sflag:$0xD], $0x80, s11, s13, $0xb8;
	[tilespmem:$0x1F380] =	vst v63  }
0x41: {  	_ =	swait.ge [sflag:s21], $0x30  }
0x42: {  	[sflag:s21] =	ssyncset.done $0x0  }
0x43: {  	[sflag:s21] =	ssyncadd.s32 $0xFFFFFFD0  }
0x44: {  	_ =	swait.ge [sflag:s22], $0x1800  }
0x45: {  	[sflag:s22] =	ssyncset.done $0x0  }
0x46: {  	[sflag:s22] =	ssyncadd.s32 $0xFFFFE800  }
0x47: {  	[spmem:s2] =	stream.indirect.scatter.add.f32 [tilespmem:s15], [sflag:$0xE], $0x80, s14, s13, $0xb8;
	[tilespmem:$0x1F380] =	vst v63  }
0x48: {  	_ =	swait.ge [sflag:s23], $0x30  }
0x49: {  	[sflag:s23] =	ssyncset.done $0x0  }
0x4a: {  	[sflag:s23] =	ssyncadd.s32 $0xFFFFFFD0  }
0x4b: {  	_ =	swait.ge [sflag:s24], $0x1800  }
0x4c: {  	[sflag:s24] =	ssyncset.done $0x0  }
0x4d: {  	s9 =	simm.s32 @!p0 $0x10;
	[sflag:s24] =	ssyncadd.s32 $0xFFFFE800  }
0x4e: {  	[spmem:s2] =	stream.indirect.scatter.add.f32 [tilespmem:s16], [sflag:$0xF], $0x80, s18, s13, $0xb8;
	[tilespmem:$0x1F380] =	vst v63  }
0x4f: {  	_ =	swait.ge @!p0 [sflag:s9], $0x1800  }
0x50: {  	s18 =	rddreg [dreg:$0x3];
	[sflag:s9] =	ssyncset.done @!p0 $0x0  }
0x51: {  	s11 =	simm.s32 $0x2900;
	[sflag:s9] =	ssyncadd.s32 @!p0 $0xFFFFE800;
	s10 =	sadd.s32 $0x0, s18  }
0x52: {  	[tilespmem:s11], [sflag:$0x4] =	stream.linear.gather [hbm4b:s10+s3], $0x30, $0x38;
	[tilespmem:$0x1F380] =	vst v63  }
0x53: {  	s12 =	simm.s32 $0x90;
	s14 =	simm.s32 $0x7280;
	s10 =	simm.s32 @!p0 $0x11  }
0x54: {  	[tilespmem:s14], [sflag:$0xA] =	stream.indirect.gather [hbm4b:s4+s13], $0x80, s12, s13, $0xb8;
	[tilespmem:$0x1F380] =	vst v63  }
0x55: {  	_ =	swait.ge @!p0 [sflag:s10], $0x1800  }
0x56: {  	s15 =	rddreg [dreg:$0x4];
	[sflag:s10] =	ssyncset.done @!p0 $0x0  }
0x57: {  	[sflag:s10] =	ssyncadd.s32 @!p0 $0xFFFFE800;
	s9 =	sadd.s32 $0x0, s15  }
0x58: {  	[tilespmem:s28], [sflag:$0x5] =	stream.linear.gather [hbm4b:s9+s3], $0x30, $0x38;
	[tilespmem:$0x1F380] =	vst v63  }
0x59: {  	s16 =	simm.s32 $0xC0;
	s10 =	simm.s32 @!p0 $0x12  }
0x5a: {  	[tilespmem:s29], [sflag:$0xB] =	stream.indirect.gather [hbm4b:s4+s13], $0x80, s16, s13, $0xb8;
	[tilespmem:$0x1F380] =	vst v63  }
0x5b: {  	_ =	swait.ge @!p0 [sflag:s10], $0x1800  }
0x5c: {  	s17 =	rddreg [dreg:$0x5];
	[sflag:s10] =	ssyncset.done @!p0 $0x0  }
0x5d: {  	[sflag:s10] =	ssyncadd.s32 @!p0 $0xFFFFE800;
	s9 =	sadd.s32 $0x0, s17  }
0x5e: {  	[tilespmem:s30], [sflag:$0x6] =	stream.linear.gather [hbm4b:s9+s3], $0x30, $0x38;
	[tilespmem:$0x1F380] =	vst v63  }
0x5f: {  	s18 =	simm.s32 $0xF0  }
0x60: {  	[tilespmem:s31], [sflag:$0xC] =	stream.indirect.gather [hbm4b:s4+s13], $0x80, s18, s13, $0xb8;
	[tilespmem:$0x1F380] =	vst v63  }
0x61: {  	_ =	swait.ge [sflag:s1], $0x30  }
0x62: {  	[sflag:s1] =	ssyncset.done $0x0  }
0x63: {  	[sflag:s1] =	ssyncadd.s32 $0xFFFFFFD0  }
0x64: {  	_ =	swait.ge [sflag:s0], $0x1800  }
0x65: {  	[sflag:s0] =	ssyncset.done $0x0  }
0x66: {  	[sflag:s0] =	ssyncadd.s32 $0xFFFFE800  }
0x67: {  	[spmem:s2] =	stream.indirect.scatter.add.f32 [tilespmem:s14], [sflag:$0x10], $0x80, s11, s13, $0xb8;
	[tilespmem:$0x1F380] =	vst v63  }
0x68: {  	_ =	swait.ge [sflag:s5], $0x30  }
0x69: {  	[sflag:s5] =	ssyncset.done $0x0  }
0x6a: {  	[sflag:s5] =	ssyncadd.s32 $0xFFFFFFD0  }
0x6b: {  	_ =	swait.ge [sflag:s6], $0x1800  }
0x6c: {  	[sflag:s6] =	ssyncset.done $0x0  }
0x6d: {  	[sflag:s6] =	ssyncadd.s32 $0xFFFFE800  }
0x6e: {  	[spmem:s2] =	stream.indirect.scatter.add.f32 [tilespmem:s29], [sflag:$0x11], $0x80, s28, s13, $0xb8;
	[tilespmem:$0x1F380] =	vst v63  }
0x6f: {  	_ =	swait.ge [sflag:s7], $0x30  }
0x70: {  	[sflag:s7] =	ssyncset.done $0x0  }
0x71: {  	[sflag:s7] =	ssyncadd.s32 $0xFFFFFFD0  }
0x72: {  	s10 =	simm.s32 $0x48;
	p0 =	por $0x0, $0x0;
	_ =	swait.ge [sflag:s8], $0x1800  }
0x73: {  	s9 =	simm.s32 $0x1B0;
	s11 =	simm.s32 $0x24;
	[sflag:s8] =	ssyncset.done $0x0  }
.LBB2_2:
0x74: {  	s14 =	simm.s32 @!p0 $0xD;
	[sflag:s8] =	ssyncadd.s32 $0xFFFFE800  }
0x75: {  	[spmem:s2] =	stream.indirect.scatter.add.f32 [tilespmem:s31], [sflag:$0x12], $0x80, s30, s13, $0xb8;
	[tilespmem:$0x1F380] =	vst v63  }
0x76: {  	_ =	swait.ge @!p0 [sflag:s14], $0x1800  }
0x77: {  	[sflag:s14] =	ssyncset.done @!p0 $0x0;
	s15 =	rddreg [dreg:$0x8]  }
0x78: {  	s16 =	simm.s32 $0x2780;
	[sflag:s14] =	ssyncadd.s32 @!p0 $0xFFFFE800;
	s17 =	sadd.s32 s11, s15  }
0x79: {  	[tilespmem:s16], [sflag:$0x1] =	stream.linear.gather [hbm4b:s17+s3], $0x30, $0x38;
	[tilespmem:$0x1F380] =	vst v63  }
0x7a: {  	s18 =	sadd.s32 $0xFFFFFF70, s9;
	s15 =	simm.s32 @!p0 $0xE;
	s17 =	simm.s32 $0x2A80  }
0x7b: {  	[tilespmem:s17], [sflag:$0x7] =	stream.indirect.gather [hbm4b:s4+s13], $0x80, s18, s13, $0xb8;
	[tilespmem:$0x1F380] =	vst v63  }
0x7c: {  	_ =	swait.ge @!p0 [sflag:s15], $0x1800  }
0x7d: {  	s18 =	rddreg [dreg:$0x7];
	[sflag:s15] =	ssyncset.done @!p0 $0x0  }
0x7e: {  	[sflag:s15] =	ssyncadd.s32 @!p0 $0xFFFFE800;
	s14 =	sadd.s32 s11, s18;
	s18 =	simm.s32 $0x2800  }
0x7f: {  	[tilespmem:s18], [sflag:$0x2] =	stream.linear.gather [hbm4b:s14+s3], $0x30, $0x38;
	[tilespmem:$0x1F380] =	vst v63  }
0x80: {  	s15 =	simm.s32 @!p0 $0xF;
	s14 =	sadd.s32 $0xFFFFFFA0, s9  }
0x81: {  	[tilespmem:s25], [sflag:$0x8] =	stream.indirect.gather [hbm4b:s4+s13], $0x80, s14, s13, $0xb8;
	[tilespmem:$0x1F380] =	vst v63  }
0x82: {  	_ =	swait.ge @!p0 [sflag:s15], $0x1800  }
0x83: {  	s14 =	rddreg [dreg:$0x6];
	[sflag:s15] =	ssyncset.done @!p0 $0x0  }
0x84: {  	[sflag:s15] =	ssyncadd.s32 @!p0 $0xFFFFE800;
	s14 =	sadd.s32 s11, s14;
	s15 =	simm.s32 $0x2880  }
0x85: {  	[tilespmem:s15], [sflag:$0x3] =	stream.linear.gather [hbm4b:s14+s3], $0x30, $0x38;
	[tilespmem:$0x1F380] =	vst v63  }
0x86: {  	s14 =	sadd.s32 $0xFFFFFFD0, s9  }
0x87: {  	[tilespmem:s26], [sflag:$0x9] =	stream.indirect.gather [hbm4b:s4+s13], $0x80, s14, s13, $0xb8;
	[tilespmem:$0x1F380] =	vst v63  }
0x88: {  	_ =	swait.ge [sflag:s19], $0x30  }
0x89: {  	[sflag:s19] =	ssyncset.done $0x0  }
0x8a: {  	[sflag:s19] =	ssyncadd.s32 $0xFFFFFFD0  }
0x8b: {  	_ =	swait.ge [sflag:s20], $0x1800  }
0x8c: {  	[sflag:s20] =	ssyncset.done $0x0  }
0x8d: {  	[sflag:s20] =	ssyncadd.s32 $0xFFFFE800  }
0x8e: {  	[spmem:s2] =	stream.indirect.scatter.add.f32 [tilespmem:s17], [sflag:$0xD], $0x80, s16, s13, $0xb8;
	[tilespmem:$0x1F380] =	vst v63  }
0x8f: {  	_ =	swait.ge [sflag:s21], $0x30  }
0x90: {  	[sflag:s21] =	ssyncset.done $0x0  }
0x91: {  	[sflag:s21] =	ssyncadd.s32 $0xFFFFFFD0  }
0x92: {  	_ =	swait.ge [sflag:s22], $0x1800  }
0x93: {  	[sflag:s22] =	ssyncset.done $0x0  }
0x94: {  	[sflag:s22] =	ssyncadd.s32 $0xFFFFE800  }
0x95: {  	[spmem:s2] =	stream.indirect.scatter.add.f32 [tilespmem:s25], [sflag:$0xE], $0x80, s18, s13, $0xb8;
	[tilespmem:$0x1F380] =	vst v63  }
0x96: {  	_ =	swait.ge [sflag:s23], $0x30  }
0x97: {  	[sflag:s23] =	ssyncset.done $0x0  }
0x98: {  	[sflag:s23] =	ssyncadd.s32 $0xFFFFFFD0  }
0x99: {  	_ =	swait.ge [sflag:s24], $0x1800  }
0x9a: {  	[sflag:s24] =	ssyncset.done $0x0  }
0x9b: {  	s14 =	simm.s32 @!p0 $0x10;
	[sflag:s24] =	ssyncadd.s32 $0xFFFFE800  }
0x9c: {  	[spmem:s2] =	stream.indirect.scatter.add.f32 [tilespmem:s26], [sflag:$0xF], $0x80, s15, s13, $0xb8;
	[tilespmem:$0x1F380] =	vst v63  }
0x9d: {  	_ =	swait.ge @!p0 [sflag:s14], $0x1800  }
0x9e: {  	s16 =	rddreg [dreg:$0x3];
	[sflag:s14] =	ssyncset.done @!p0 $0x0  }
0x9f: {  	[sflag:s14] =	ssyncadd.s32 @!p0 $0xFFFFE800;
	s17 =	sadd.s32 s11, s16;
	s16 =	simm.s32 $0x2900  }
0xa0: {  	[tilespmem:s16], [sflag:$0x4] =	stream.linear.gather [hbm4b:s17+s3], $0x30, $0x38;
	[tilespmem:$0x1F380] =	vst v63  }
0xa1: {  	s14 =	simm.s32 @!p0 $0x11;
	s17 =	simm.s32 $0x7280  }
0xa2: {  	[tilespmem:s17], [sflag:$0xA] =	stream.indirect.gather [hbm4b:s4+s13], $0x80, s9, s13, $0xb8;
	[tilespmem:$0x1F380] =	vst v63  }
0xa3: {  	_ =	swait.ge @!p0 [sflag:s14], $0x1800  }
0xa4: {  	s18 =	rddreg [dreg:$0x4];
	[sflag:s14] =	ssyncset.done @!p0 $0x0  }
0xa5: {  	[sflag:s14] =	ssyncadd.s32 @!p0 $0xFFFFE800;
	s15 =	sadd.s32 s11, s18  }
0xa6: {  	[tilespmem:s28], [sflag:$0x5] =	stream.linear.gather [hbm4b:s15+s3], $0x30, $0x38;
	[tilespmem:$0x1F380] =	vst v63  }
0xa7: {  	s18 =	sadd.s32 $0x30, s9;
	s15 =	simm.s32 @!p0 $0x12  }
0xa8: {  	[tilespmem:s29], [sflag:$0xB] =	stream.indirect.gather [hbm4b:s4+s13], $0x80, s18, s13, $0xb8;
	[tilespmem:$0x1F380] =	vst v63  }
0xa9: {  	_ =	swait.ge @!p0 [sflag:s15], $0x1800  }
0xaa: {  	s18 =	rddreg [dreg:$0x5];
	[sflag:s15] =	ssyncset.done @!p0 $0x0  }
0xab: {  	[sflag:s15] =	ssyncadd.s32 @!p0 $0xFFFFE800;
	s14 =	sadd.s32 s11, s18  }
0xac: {  	[tilespmem:s30], [sflag:$0x6] =	stream.linear.gather [hbm4b:s14+s3], $0x30, $0x38;
	[tilespmem:$0x1F380] =	vst v63  }
0xad: {  	s18 =	sadd.s32 $0x60, s9  }
0xae: {  	[tilespmem:s31], [sflag:$0xC] =	stream.indirect.gather [hbm4b:s4+s13], $0x80, s18, s13, $0xb8;
	[tilespmem:$0x1F380] =	vst v63  }
0xaf: {  	_ =	swait.ge [sflag:s1], $0x30  }
0xb0: {  	[sflag:s1] =	ssyncset.done $0x0  }
0xb1: {  	[sflag:s1] =	ssyncadd.s32 $0xFFFFFFD0  }
0xb2: {  	_ =	swait.ge [sflag:s0], $0x1800  }
0xb3: {  	[sflag:s0] =	ssyncset.done $0x0  }
0xb4: {  	[sflag:s0] =	ssyncadd.s32 $0xFFFFE800  }
0xb5: {  	[spmem:s2] =	stream.indirect.scatter.add.f32 [tilespmem:s17], [sflag:$0x10], $0x80, s16, s13, $0xb8;
	[tilespmem:$0x1F380] =	vst v63  }
0xb6: {  	_ =	swait.ge [sflag:s5], $0x30  }
0xb7: {  	[sflag:s5] =	ssyncset.done $0x0  }
0xb8: {  	[sflag:s5] =	ssyncadd.s32 $0xFFFFFFD0  }
0xb9: {  	_ =	swait.ge [sflag:s6], $0x1800  }
0xba: {  	s12 =	smov.u32 s10;
	s10 =	sadd.s32 $0x24, s10;
	[sflag:s6] =	ssyncset.done $0x0  }
0xbb: {  	p1 =	sne.s32 s10, $0x4EC;
	[sflag:s6] =	ssyncadd.s32 $0xFFFFE800  }
0xbc: {  	[spmem:s2] =	stream.indirect.scatter.add.f32 [tilespmem:s29], [sflag:$0x11], $0x80, s28, s13, $0xb8;
	[tilespmem:$0x1F380] =	vst v63  }
.Ltmp0:
0xbd: {  	_ =	swait.ge [sflag:s7], $0x30;
	(pc) =	sbr.rel @p1 .LBB2_2-.Ltmp0, $4  }
0xbe: {  	[sflag:s7] =	ssyncset.done $0x0  }
0xbf: {  	[sflag:s7] =	ssyncadd.s32 $0xFFFFFFD0  }
0xc0: {  	s11 =	smov.u32 s12;
	_ =	swait.ge [sflag:s8], $0x1800  }
0xc1: {  	s9 =	sadd.s32 $0x120, s9;
	p0 =	seq.s32 s11, $0x0;
	[sflag:s8] =	ssyncset.done $0x0  }
0xc2: {  	s10 =	simm.s32 @!p0 $0xD;
	[sflag:s8] =	ssyncadd.s32 $0xFFFFE800  }
0xc3: {  	[spmem:s2] =	stream.indirect.scatter.add.f32 [tilespmem:s31], [sflag:$0x12], $0x80, s30, s13, $0xb8;
	[tilespmem:$0x1F380] =	vst v63  }
0xc4: {  	_ =	swait.ge @!p0 [sflag:s10], $0x1800  }
0xc5: {  	s12 =	rddreg [dreg:$0x8];
	[sflag:s10] =	ssyncset.done @!p0 $0x0  }
0xc6: {  	s14 =	simm.s32 $0x2780;
	[sflag:s10] =	ssyncadd.s32 @!p0 $0xFFFFE800;
	s15 =	sadd.s32 s11, s12  }
0xc7: {  	[tilespmem:s14], [sflag:$0x1] =	stream.linear.gather [hbm4b:s15+s3], $0x30, $0x38;
	[tilespmem:$0x1F380] =	vst v63  }
0xc8: {  	s16 =	sadd.s32 $0xFFFFFF70, s9;
	s12 =	simm.s32 @!p0 $0xE;
	s15 =	simm.s32 $0x2A80  }
0xc9: {  	[tilespmem:s15], [sflag:$0x7] =	stream.indirect.gather [hbm4b:s4+s13], $0x80, s16, s13, $0xb8;
	[tilespmem:$0x1F380] =	vst v63  }
0xca: {  	_ =	swait.ge @!p0 [sflag:s12], $0x1800  }
0xcb: {  	s17 =	rddreg [dreg:$0x7];
	[sflag:s12] =	ssyncset.done @!p0 $0x0  }
0xcc: {  	s16 =	simm.s32 $0x2800;
	[sflag:s12] =	ssyncadd.s32 @!p0 $0xFFFFE800;
	s10 =	sadd.s32 s11, s17  }
0xcd: {  	[tilespmem:s16], [sflag:$0x2] =	stream.linear.gather [hbm4b:s10+s3], $0x30, $0x38;
	[tilespmem:$0x1F380] =	vst v63  }
0xce: {  	s18 =	sadd.s32 $0xFFFFFFA0, s9;
	s12 =	simm.s32 @!p0 $0xF;
	s17 =	simm.s32 $0x4280  }
0xcf: {  	[tilespmem:s17], [sflag:$0x8] =	stream.indirect.gather [hbm4b:s4+s13], $0x80, s18, s13, $0xb8;
	[tilespmem:$0x1F380] =	vst v63  }
0xd0: {  	_ =	swait.ge @!p0 [sflag:s12], $0x1800  }
0xd1: {  	s18 =	rddreg [dreg:$0x6];
	[sflag:s12] =	ssyncset.done @!p0 $0x0  }
0xd2: {  	[sflag:s12] =	ssyncadd.s32 @!p0 $0xFFFFE800;
	s10 =	sadd.s32 s11, s18;
	s12 =	simm.s32 $0x2880  }
0xd3: {  	[tilespmem:s12], [sflag:$0x3] =	stream.linear.gather [hbm4b:s10+s3], $0x30, $0x38;
	[tilespmem:$0x1F380] =	vst v63  }
0xd4: {  	s18 =	simm.s32 $0x5A80;
	s10 =	sadd.s32 $0xFFFFFFD0, s9  }
0xd5: {  	[tilespmem:s18], [sflag:$0x9] =	stream.indirect.gather [hbm4b:s4+s13], $0x80, s10, s13, $0xb8;
	[tilespmem:$0x1F380] =	vst v63  }
0xd6: {  	_ =	swait.ge [sflag:s19], $0x30  }
0xd7: {  	[sflag:s19] =	ssyncset.done $0x0  }
0xd8: {  	[sflag:s19] =	ssyncadd.s32 $0xFFFFFFD0  }
0xd9: {  	_ =	swait.ge [sflag:s20], $0x1800  }
0xda: {  	[sflag:s20] =	ssyncset.done $0x0  }
0xdb: {  	[sflag:s20] =	ssyncadd.s32 $0xFFFFE800  }
0xdc: {  	[spmem:s2] =	stream.indirect.scatter.add.f32 [tilespmem:s15], [sflag:$0xD], $0x80, s14, s13, $0xb8;
	[tilespmem:$0x1F380] =	vst v63  }
0xdd: {  	_ =	swait.ge [sflag:s21], $0x30  }
0xde: {  	[sflag:s21] =	ssyncset.done $0x0  }
0xdf: {  	[sflag:s21] =	ssyncadd.s32 $0xFFFFFFD0  }
0xe0: {  	_ =	swait.ge [sflag:s22], $0x1800  }
0xe1: {  	[sflag:s22] =	ssyncset.done $0x0  }
0xe2: {  	[sflag:s22] =	ssyncadd.s32 $0xFFFFE800  }
0xe3: {  	[spmem:s2] =	stream.indirect.scatter.add.f32 [tilespmem:s17], [sflag:$0xE], $0x80, s16, s13, $0xb8;
	[tilespmem:$0x1F380] =	vst v63  }
0xe4: {  	_ =	swait.ge [sflag:s23], $0x30  }
0xe5: {  	[sflag:s23] =	ssyncset.done $0x0  }
0xe6: {  	[sflag:s23] =	ssyncadd.s32 $0xFFFFFFD0  }
0xe7: {  	_ =	swait.ge [sflag:s24], $0x1800  }
0xe8: {  	[sflag:s24] =	ssyncset.done $0x0  }
0xe9: {  	s10 =	simm.s32 @!p0 $0x10;
	[sflag:s24] =	ssyncadd.s32 $0xFFFFE800  }
0xea: {  	[spmem:s2] =	stream.indirect.scatter.add.f32 [tilespmem:s18], [sflag:$0xF], $0x80, s12, s13, $0xb8;
	[tilespmem:$0x1F380] =	vst v63  }
0xeb: {  	_ =	swait.ge @!p0 [sflag:s10], $0x1800  }
0xec: {  	s14 =	rddreg [dreg:$0x3];
	[sflag:s10] =	ssyncset.done @!p0 $0x0  }
0xed: {  	[sflag:s10] =	ssyncadd.s32 @!p0 $0xFFFFE800;
	s15 =	sadd.s32 s11, s14;
	s14 =	simm.s32 $0x2900  }
0xee: {  	[tilespmem:s14], [sflag:$0x4] =	stream.linear.gather [hbm4b:s15+s3], $0x30, $0x38;
	[tilespmem:$0x1F380] =	vst v63  }
0xef: {  	s10 =	simm.s32 @!p0 $0x11;
	s15 =	simm.s32 $0x7280  }
0xf0: {  	[tilespmem:s15], [sflag:$0xA] =	stream.indirect.gather [hbm4b:s4+s13], $0x80, s9, s13, $0xb8;
	[tilespmem:$0x1F380] =	vst v63  }
0xf1: {  	_ =	swait.ge @!p0 [sflag:s10], $0x1800  }
0xf2: {  	s16 =	rddreg [dreg:$0x4];
	[sflag:s10] =	ssyncset.done @!p0 $0x0  }
0xf3: {  	[sflag:s10] =	ssyncadd.s32 @!p0 $0xFFFFE800;
	s17 =	sadd.s32 s11, s16  }
0xf4: {  	[tilespmem:s28], [sflag:$0x5] =	stream.linear.gather [hbm4b:s17+s3], $0x30, $0x38;
	[tilespmem:$0x1F380] =	vst v63  }
0xf5: {  	s18 =	sadd.s32 $0x30, s9;
	s12 =	simm.s32 @!p0 $0x12  }
0xf6: {  	[tilespmem:s29], [sflag:$0xB] =	stream.indirect.gather [hbm4b:s4+s13], $0x80, s18, s13, $0xb8;
	[tilespmem:$0x1F380] =	vst v63  }
0xf7: {  	_ =	swait.ge @!p0 [sflag:s12], $0x1800  }
0xf8: {  	s16 =	rddreg [dreg:$0x5];
	[sflag:s12] =	ssyncset.done @!p0 $0x0  }
0xf9: {  	[sflag:s12] =	ssyncadd.s32 @!p0 $0xFFFFE800;
	s10 =	sadd.s32 s11, s16  }
0xfa: {  	[tilespmem:s30], [sflag:$0x6] =	stream.linear.gather [hbm4b:s10+s3], $0x30, $0x38;
	[tilespmem:$0x1F380] =	vst v63  }
0xfb: {  	s17 =	sadd.s32 $0x60, s9  }
0xfc: {  	[tilespmem:s31], [sflag:$0xC] =	stream.indirect.gather [hbm4b:s4+s13], $0x80, s17, s13, $0xb8;
	[tilespmem:$0x1F380] =	vst v63  }
0xfd: {  	_ =	swait.ge [sflag:s1], $0x30  }
0xfe: {  	[sflag:s1] =	ssyncset.done $0x0  }
0xff: {  	[sflag:s1] =	ssyncadd.s32 $0xFFFFFFD0  }
0x100: {  	_ =	swait.ge [sflag:s0], $0x1800  }
0x101: {  	[sflag:s0] =	ssyncset.done $0x0  }
0x102: {  	[sflag:s0] =	ssyncadd.s32 $0xFFFFE800  }
0x103: {  	[spmem:s2] =	stream.indirect.scatter.add.f32 [tilespmem:s15], [sflag:$0x10], $0x80, s14, s13, $0xb8;
	[tilespmem:$0x1F380] =	vst v63  }
0x104: {  	_ =	swait.ge [sflag:s5], $0x30  }
0x105: {  	[sflag:s5] =	ssyncset.done $0x0  }
0x106: {  	[sflag:s5] =	ssyncadd.s32 $0xFFFFFFD0  }
0x107: {  	_ =	swait.ge [sflag:s6], $0x1800  }
0x108: {  	[sflag:s6] =	ssyncset.done $0x0  }
0x109: {  	[sflag:s6] =	ssyncadd.s32 $0xFFFFE800  }
0x10a: {  	[spmem:s2] =	stream.indirect.scatter.add.f32 [tilespmem:s29], [sflag:$0x11], $0x80, s28, s13, $0xb8;
	[tilespmem:$0x1F380] =	vst v63  }
0x10b: {  	_ =	swait.ge [sflag:s7], $0x30  }
0x10c: {  	[sflag:s7] =	ssyncset.done $0x0  }
0x10d: {  	[sflag:s7] =	ssyncadd.s32 $0xFFFFFFD0  }
0x10e: {  	_ =	swait.ge [sflag:s8], $0x1800  }
0x10f: {  	[sflag:s8] =	ssyncset.done $0x0  }
0x110: {  	s18 =	simm.s32 $0xD;
	[sflag:s8] =	ssyncadd.s32 $0xFFFFE800  }
0x111: {  	[spmem:s2] =	stream.indirect.scatter.add.f32 [tilespmem:s31], [sflag:$0x12], $0x80, s30, s13, $0xb8;
	[tilespmem:$0x1F380] =	vst v63  }
0x112: {  	_ =	swait.ge [sflag:s18], $0x1800  }
0x113: {  	[sflag:s18] =	ssyncset.done $0x0  }
0x114: {  	s10 =	simm.s32 $0xE;
	[sflag:s18] =	ssyncadd.s32 $0xFFFFE800  }
0x115: {  	_ =	swait.ge [sflag:s10], $0x1800  }
0x116: {  	[sflag:s10] =	ssyncset.done $0x0  }
0x117: {  	s11 =	simm.s32 $0xF;
	[sflag:s10] =	ssyncadd.s32 $0xFFFFE800  }
0x118: {  	_ =	swait.ge [sflag:s11], $0x1800  }
0x119: {  	[sflag:s11] =	ssyncset.done $0x0  }
0x11a: {  	s12 =	simm.s32 $0x10;
	[sflag:s11] =	ssyncadd.s32 $0xFFFFE800  }
0x11b: {  	_ =	swait.ge [sflag:s12], $0x1800  }
0x11c: {  	[sflag:s12] =	ssyncset.done $0x0  }
0x11d: {  	s14 =	simm.s32 $0x11;
	[sflag:s12] =	ssyncadd.s32 $0xFFFFE800  }
0x11e: {  	_ =	swait.ge [sflag:s14], $0x1800  }
0x11f: {  	[sflag:s14] =	ssyncset.done $0x0  }
0x120: {  	s15 =	simm.s32 $0x12;
	[sflag:s14] =	ssyncadd.s32 $0xFFFFE800  }
0x121: {  	_ =	swait.ge [sflag:s15], $0x1800  }
0x122: {  	[sflag:s15] =	ssyncset.done $0x0  }
0x123: {  	[sflag:s15] =	ssyncadd.s32 $0xFFFFE800  }
0x124: {  	[bflag:$0x0] =	sbarrier.arrive $0xFFFF  }
0x125: {  	s16 =	rddreg [dreg:$0xb]  }
0x126: {  	s11 =	rddreg [dreg:$0xd]  }
0x127: {  	s10 =	simm.s32 $0x13;
	s12 =	rddreg [dreg:$0xe]  }
0x128: {  	[hbm:s16], [sflag:s11] =	dma.local [spmem:s12], $0x2710  }
0x129: {  	_ =	swait.ge [sflag:s10], $0x2710  }
0x12a: {  	s17 =	rddreg [dreg:$0xf]  }
0x12b: {  	s18 =	rddreg [dreg:$0xc];
	s14 =	sadd.s32 $0x1, s17  }
0x12c: {  	p0 =	sne.s32 s14, s18  }
.Ltmp1:
0x12d: {  	_ = 	snop;
	(pc) =	sbr.rel @p0 .LBB2_1-.Ltmp1, $3  }
0x12e: {  	_ =	sdelay $0x1  }
0x12f: {  	[sflag:s10] =	ssyncset.done $0x0  }
0x130: {  	[sflag:s10] =	ssyncadd.s32 $0xFFFFD8F0  }
0x131: {  	_ =	sfence.sel $0x180000  }
0x132: {  	[bflag:$0x0] =	sbarrier.arrive $0xFFFF  }
0x133: {  	_ =	strace $0x9000004A  }
0x134: {  	s0 =	stileid.u32;
	[bflag:$0x2] =	sbarrier.arrive $0xFFFF  }
0x135: {  	p0 =	sne.s32 s0, $0x0;
	s0 =	rddreg [dreg:$0x2]  }
0x136: {  	s0 =	sadd.s32 @!p0 $0x100000, s0  }
0x137: {  	[sflag:s0] =	ssyncadd.tile.s32 @!p0 $0x1;
	_ =	shalt  }
.Lfunc_end2:
_tile_overlayer_lowered:
.L_overlay_start_2:
0x138: {  	(tag) =	ssettag $0x2  }
0x139: {  	s0 =	rddreg [dreg:$0x0];
	s2 =	stileid.u32  }
0x13a: {  	s1 =	rddreg [dreg:$0x1];
	p0 =	sne.s32 s2, $0x0  }
0x13b: {  	s3 =	rddreg [dreg:$0x2];
	[bflag:$0x3] =	sbarrier.arrive $0xFFFF;
	s2 =	simm.s32 @!p0 $0x1C13  }
0x13c: {  	[timem:s3], [sflag:s2] =	dma.local @!p0 [hbm:s0], s1  }
0x13d: {  	s0 =	simm.s32 @!p0 $0x13  }
0x13e: {  	_ =	swait.ge @!p0 [sflag:s0], s1  }
0x13f: {  	s1 =	ssub.s32 @!p0 $0x0, s1;
	[sflag:s0] =	ssyncset.done @!p0 $0x0  }
0x140: {  	[sflag:s0] =	ssyncadd.s32 @!p0 s1  }
0x141: {  	[bflag:$0x3] =	sbarrier.arrive $0xFFFF  }
0x142: {  	_ =	shalt  }

// kernel: kernel.14.cloned.1.call-start
scs
__scs_entry_jumppad:
0x0: {  	(pc) =	sbr.rel $0x88, $3  }
0x1: {  	(tag) =	ssettag $0x0;
	lr =	simm.s32 $0x1  }
0x2: {  	[smem:$0x3F9A] =	sst lr;
	_ =	strace $0xD0000000  }
0x3: {  	_ = 	snop  }
0x4: {  	_ = 	snop  }
0x5: {  	_ = 	snop  }
0x6: {  	_ = 	snop  }
0x7: {  	_ = 	snop  }
__scs_overlays_trampoline_lowered:
0x8: {  	[smem:$0x3FA9] =	sst s0  }
0x9: {  	[smem:$0x3FAA] =	sst s1  }
0xa: {  	[smem:$0x3FAB] =	sst s2  }
0xb: {  	[smem:$0x3FAC] =	sst s3  }
0xc: {  	[smem:$0x3FAD] =	sst s4  }
0xd: {  	[smem:$0x3FAE] =	sst s5  }
0xe: {  	[smem:$0x3FAF] =	sst s6  }
0xf: {  	[smem:$0x3FB0] =	sst s7  }
0x10: {  	[smem:$0x3FB1] =	sst s8  }
0x11: {  	[smem:$0x3FB2] =	sst s9;
	s0 =	simm.s32 @!p0 $0x0  }
0x12: {  	s1 =	sld [smem:$0x3F98];
	s0 =	simm.s32 @p0 $0x1  }
0x13: {  	[smem:$0x3FB3] =	sst s0;
	s0 =	simm.s32 @!p1 $0x0  }
0x14: {  	s2 =	sld [smem:$0x3F97];
	s0 =	simm.s32 @p1 $0x1  }
0x15: {  	[smem:$0x3FB4] =	sst s0;
	s0 =	simm.s32 @!p2 $0x0  }
0x16: {  	s3 =	sld [smem:$0x3FDB];
	s0 =	simm.s32 @p2 $0x1  }
0x17: {  	s4 =	simm.s32 $0x1BF5;
	[smem:$0x3FB6] =	sst s0  }
0x18: {  	s0 =	sld [smem:$0x3F99];
	_ =	swait.ge [sflag:s4], $0x0  }
0x19: {  	s7 =	sld [smem:$0x3F9A]  }
0x1a: {  	s8 =	sadd.s32 $0xFFFFE003, lr  }
0x1b: {  	s9 =	sadd.s32 $0xFFFFFEF7, lr;
	s5 =	simm.s32 $0xFFFFFFFF;
	p2 =	slt.u32 s8, $0xFFFFF086  }
0x1c: {  	p1 =	slt.u32 s9, $0xF7A;
	s5 =	simm.s32 @!p2 $0x0  }
0x1d: {  	s5 =	simm.s32 @p1 $0x1;
	p0 =	seq.s32 s7, s2  }
0x1e: {  	s7 =	smul.u32 @!p0 $0xF7A, s2;
	p2 =	seq.s32 @!p0 s5, $0x0  }
0x1f: {  	s9 =	smul.u32 $0xF7A, s1;
	s8 =	simm.s32 @!p0 $0x1BF5;
	p2 =	por !p2, p0  }
0x20: {  	[sflag:s8] =	ssyncset.s32 @!p0 $0xFFFFF086;
	s6 =	sadd.s32 @!p0 s3, s7;
	s7 =	simm.s32 @!p0 $0x108  }
0x21: {  	s3 =	sadd.s32 s3, s9;
	s6 =	sadd.s32 @!p0 $0x88, s6;
	s7 =	simm.s32 @p2 $0x1082  }
0x22: {  	[simem:s7], [sflag:s8] =	dma.local @!p0 [hbm:s6], $0xF7A  }
0x23: {  	s9 =	sor.u32 $0xD0000000, s2;
	s6 =	simm.s32 $0x108;
	_ =	swait.ge @!p0 [sflag:s8], $0x0  }
0x24: {  	s3 =	sadd.s32 $0x88, s3;
	s6 =	simm.s32 @!p1 $0x1082;
	[sflag:s4] =	ssyncset.s32 $0xFFFFF086  }
0x25: {  	[simem:s6], [sflag:s4] =	dma.local [hbm:s3], $0xF7A  }
0x26: {  	[smem:$0x3F9A] =	sst s1;
	(tag) =	ssettag s2;
	_ =	strace s9  }
0x27: {  	s1 =	sld [smem:$0x3FAA]  }
0x28: {  	s2 =	sld [smem:$0x3FAB]  }
0x29: {  	s4 =	sld [smem:$0x3FAD]  }
0x2a: {  	p0 =	seq.s32 s5, $0x0;
	s5 =	sld [smem:$0x3FAE]  }
0x2b: {  	s6 =	sld [smem:$0x3FAF]  }
0x2c: {  	s7 =	sld [smem:$0x3FB0]  }
0x2d: {  	s3 =	simm.s32 $0x108;
	s8 =	sld [smem:$0x3FB1]  }
0x2e: {  	s3 =	simm.s32 @!p0 $0x1082;
	s9 =	sld [smem:$0x3FB2]  }
0x2f: {  	lr =	sadd.s32 s0, s3;
	s0 =	sld [smem:$0x3FA9]  }
0x30: {  	s3 =	sld [smem:$0x3FAC]  }
0x31: {  	[smem:$0x3FB5] =	sst s10  }
0x32: {  	s10 =	sld [smem:$0x3FB3];
	_ =	sdelay $0x3  }
0x33: {  	p0 =	seq.s32 s10, $0x1;
	s10 =	sld [smem:$0x3FB5];
	_ =	sdelay $0x3  }
0x34: {  	[smem:$0x3FB5] =	sst s10  }
0x35: {  	s10 =	sld [smem:$0x3FB4];
	_ =	sdelay $0x3  }
0x36: {  	p1 =	seq.s32 s10, $0x1;
	s10 =	sld [smem:$0x3FB5];
	_ =	sdelay $0x3  }
0x37: {  	[smem:$0x3FB5] =	sst s10  }
0x38: {  	s10 =	sld [smem:$0x3FB6]  }
0x39: {  	_ = 	snop;
	(pc) =	sbr.ind lr, $3  }
0x3a: {  	_ = 	snop  }
0x3b: {  	_ = 	snop  }
0x3c: {  	p2 =	seq.s32 s10, $0x1;
	s10 =	sld [smem:$0x3FB5]  }
0x3d: {  	_ =	shalt  }
0x3e: {  	_ =	shalt  }
0x3f: {  	_ =	shalt  }
0x40: {  	_ =	shalt  }
0x41: {  	_ =	shalt  }
0x42: {  	_ =	shalt  }
0x43: {  	_ =	shalt  }
0x44: {  	_ =	shalt  }
0x45: {  	_ =	shalt  }
0x46: {  	_ =	shalt  }
0x47: {  	_ =	shalt  }
0x48: {  	_ =	shalt  }
0x49: {  	_ =	shalt  }
0x4a: {  	_ =	shalt  }
0x4b: {  	_ =	shalt  }
0x4c: {  	_ =	shalt  }
0x4d: {  	_ =	shalt  }
0x4e: {  	_ =	shalt  }
0x4f: {  	_ =	shalt  }
0x50: {  	_ =	shalt  }
0x51: {  	_ =	shalt  }
0x52: {  	_ =	shalt  }
0x53: {  	_ =	shalt  }
0x54: {  	_ =	shalt  }
0x55: {  	_ =	shalt  }
0x56: {  	_ =	shalt  }
0x57: {  	_ =	shalt  }
0x58: {  	_ =	shalt  }
0x59: {  	_ =	shalt  }
0x5a: {  	_ =	shalt  }
0x5b: {  	_ =	shalt  }
0x5c: {  	_ =	shalt  }
0x5d: {  	_ =	shalt  }
0x5e: {  	_ =	shalt  }
0x5f: {  	_ =	shalt  }
0x60: {  	_ =	shalt  }
0x61: {  	_ =	shalt  }
0x62: {  	_ =	shalt  }
0x63: {  	_ =	shalt  }
0x64: {  	_ =	shalt  }
0x65: {  	_ =	shalt  }
0x66: {  	_ =	shalt  }
0x67: {  	_ =	shalt  }
0x68: {  	_ =	shalt  }
0x69: {  	_ =	shalt  }
0x6a: {  	_ =	shalt  }
0x6b: {  	_ =	shalt  }
0x6c: {  	_ =	shalt  }
0x6d: {  	_ =	shalt  }
0x6e: {  	_ =	shalt  }
0x6f: {  	_ =	shalt  }
0x70: {  	_ =	shalt  }
0x71: {  	_ =	shalt  }
0x72: {  	_ =	shalt  }
0x73: {  	_ =	shalt  }
0x74: {  	_ =	shalt  }
0x75: {  	_ =	shalt  }
0x76: {  	_ =	shalt  }
0x77: {  	_ =	shalt  }
0x78: {  	_ =	shalt  }
0x79: {  	_ =	shalt  }
0x7a: {  	_ =	shalt  }
0x7b: {  	_ =	shalt  }
0x7c: {  	_ =	shalt  }
0x7d: {  	_ =	shalt  }
0x7e: {  	_ =	shalt  }
0x7f: {  	_ =	shalt  }
0x80: {  	_ =	shalt  }
0x81: {  	_ =	shalt  }
0x82: {  	_ =	shalt  }
0x83: {  	_ =	shalt  }
0x84: {  	_ =	shalt  }
0x85: {  	_ =	shalt  }
0x86: {  	_ =	shalt  }
0x87: {  	_ =	shalt  }
.Lfunc_end0:
.L_simem_size_0:
called_computation.2_lowered:
.L_overlay_start_0:
0x88: {  	s2 =	sld [smem:$0x3FD9]  }
0x89: {  	s3 =	sld [smem:$0x3FFE];
	_ =	sdelay $0x1  }
0x8a: {  	s1 =	srdreg.scid  }
0x8b: {  	s0 =	sand.u32 $0x1, s1  }
0x8c: {  	s16 =	sshll.u32 s0, $0xA;
	s2 =	sadd.s32 s3, s2  }
0x8d: {  	s2 =	sadd.s32 s2, s16  }
0x8e: {  	[smem:$0x3FC1] =	sst s2  }
0x8f: {  	_ = 	snop  }
0x90: {  	(tm) =	ssettm $0x1  }
0x91: {  	s17 =	sld [smem:$0x3FFB];
	_ =	sdelay $0x3  }
0x92: {  	_ =	strace s17  }
0x93: {  	s2 =	sld [smem:$0x3FFC];
	_ =	sdelay $0x3  }
0x94: {  	_ =	strace s2  }
0x95: {  	s2 =	sld [smem:$0x3FFD];
	_ =	sdelay $0x3  }
0x96: {  	_ =	strace s2  }
0x97: {  	_ =	strace $0x8FFFFFFF  }
0x98: {  	s18 =	sld [smem:$0x3FDB];
	_ =	sdelay $0x1  }
0x99: {  	s19 =	simm.s32 $_scs_section_size  }
0x9a: {  	s4 =	simm.s32 $_size__tile_overlayer_lowered;
	s5 =	simm.s32 $_tile_overlayer_lowered  }
0x9b: {  	s22 =	simm.s32 $0x1BFF;
	s21 =	sshll.u32 s5, $0x1;
	s2 =	sadd.s32 s19, s18  }
0x9c: {  	s6 =	simm.s32 $0x0;
	s20 =	sshll.u32 s4, $0x1;
	s4 =	sadd.s32 s21, s2  }
0x9d: {  	[timem:s6], [sflag:s22] =	dma.local [hbm:s4], s20  }
0x9e: {  	_ =	swait.ge [sflag:s22], s20  }
0x9f: {  	s3 =	ssub.s32 $0x0, s20;
	[sflag:s22] =	ssyncset.done $0x0  }
0xa0: {  	[sflag:s22] =	ssyncadd.s32 s3;
	_ =	sdelay $0x1  }
0xa1: {  	s23 =	simm.s32 $0x1B8B  }
0xa2: {  	_ =	swait.ge [sflag:s23], $0x1  }
0xa3: {  	[sflag:s23] =	ssyncset.done $0x0  }
0xa4: {  	s25 =	simm.s32 $0x1B8E;
	s24 =	sld [smem:$0x3FFE];
	[sflag:s23] =	ssyncadd.s32 $0xFFFFFFFF  }
0xa5: {  	s26 =	simm.s32 $execute0_lowered;
	[smem:$0x3FD2] =	sst s25  }
0xa6: {  	s4 =	sshll.u32 s26, $0x1;
	_ =	strace $0x8000004C;
	[dreg:$0x1] =	wrdreg $0xFFFFFFFF  }
0xa7: {  	s28 =	simm.s32 $_size_execute0_lowered;
	s2 =	sadd.s32 s2, s4;
	[dreg:$0x0] =	wrdreg $0x0  }
0xa8: {  	s4 =	sshll.u32 s28, $0x1;
	[dreg:$0x2] =	wrdreg s2  }
0xa9: {  	[dreg:$0x3] =	wrdreg s4  }
0xaa: {  	[dreg:$0x4] =	wrdreg $0xC0  }
0xab: {  	_ =	task [dreg:s6], $0x5FFFF  }
0xac: {  	[dreg:$0x1] =	wrdreg $0xFFFFFFFF  }
0xad: {  	[dreg:$0x0] =	wrdreg $0x60  }
0xae: {  	[dreg:$0x2] =	wrdreg s24  }
0xaf: {  	[dreg:$0x3] =	wrdreg $0xBA800  }
0xb0: {  	[dreg:$0x4] =	wrdreg $0x9  }
0xb1: {  	_ =	task.clear_ibuf [dreg:s6], $0x5FFFF;
	_ =	strace $0x9000004C  }
0xb2: {  	s29 =	simm.s32 $0x9;
	_ =	strace $0x8000004E  }
0xb3: {  	_ =	swait.ge [sflag:s29], $0x1  }
0xb4: {  	[sflag:s29] =	ssyncadd.s32 $0xFFFFFFFF  }
0xb5: {  	_ =	strace $0x9000004E  }
0xb6: {  	_ =	sfence  }
0xb7: {  	s30 =	sld [smem:$0x0];
	_ =	sdelay $0x2  }
0xb8: {  	s31 =	sshll.u32 s1, $0xD;
	s1 =	sshrl.u32 s1, $0x2  }
0xb9: {  	s3 =	sand.u32 $0x4000, s31;
	s1 =	sadd.s32 s1, s30  }
0xba: {  	s0 =	sor.u32 s3, s0;
	s1 =	sshll.u32 s1, $0x11  }
0xbb: {  	s0 =	sor.u32 s1, s0  }
0xbc: {  	s0 =	sadd.s32 $0x8F2B, s0  }
0xbd: {  	[sflag:s0] =	ssyncadd.remote.s32 $0x1  }
0xbe: {  	_ =	sfence.sel $0xFFFF  }
0xbf: {  	[dreg:$0x0] =	wrdreg $0xFFFFFFFF;
	(pc) =	sbr.abs _section_cstart, $3  }
0xc0: {  	[dreg:$0x1] =	wrdreg $0xFFFFFFFF  }
0xc1: {  	_ =	task.clear_ibuf [dreg:s6], $0x2FFFF;
	_ =	strace $0x9FFFFFFF  }
0xc2: {  	(tm) =	ssettm $0x7FFFFFFF  }
0xc3: {  	_ =	shalt  }
tec
execute0_lowered:
.L_overlay_start_1:
0x0: {  	(tag) =	ssettag $0x1  }
0x1: {  	s0 =	srdreg.scid;
	s1 =	rddreg [dreg:$0x0]  }
0x2: {  	s11 =	stileid.u32;
	s2 =	rddreg [dreg:$0x1];
	s28 =	simm.s32 $0x2980  }
0x3: {  	s29 =	simm.s32 $0x8A80;
	s30 =	simm.s32 $0x2A00;
	s31 =	simm.s32 $0xA280  }
0x4: {  	s0 =	sand.u32 $0x1, s0;
	s7 =	smul.u32 $0x4E200, s11;
	s9 =	sadd.s32 $0xD200, s1  }
0x5: {  	s10 =	smul.u32 $0x2760, s11;
	s12 =	sadd.s32 $0x2A00, s1;
	s3 =	sshll.u32 s0, $0x4  }
0x6: {  	s8 =	smul.u32 $0x27600, s0;
	s0 =	ssub.s32 $0x2, s0;
	s4 =	sor.u32 s11, s3  }
0x7: {  	s3 =	simm.s32 $0x0;
	s24 =	sshrl.u32 s0, $0x1;
	s25 =	sshrl.u32 s7, $0x2  }
0x8: {  	s7 =	simm.s32 $0x6;
	s5 =	smul.u32 $0x2760, s4;
	[smem:$0x7FF] =	sst s3  }
0x9: {  	s6 =	smul.u32 $0x2780, s4;
	s4 =	sadd.s32 $0x6F000, s1;
	s0 =	ssub.s32 s0, s24  }
0xa: {  	s26 =	sadd.s32 s10, s8;
	s8 =	sadd.s32 s25, s2;
	_ =	strace $0x8000004D  }
0xb: {  	[dreg:$0x9] =	wrdreg s12;
	s10 =	sadd.s32 $0x90, s26;
	s13 =	sadd.s32 $0xC0, s26  }
0xc: {  	s0 =	smax.u32 s0, $0x1;
	s17 =	sadd.s32 $0xF0, s26;
	s19 =	sadd.s32 $0x60, s26  }
0xd: {  	s20 =	sadd.s32 $0x30, s26;
	s24 =	sshrl.u32 s26, $0x3;
	s26 =	sshll.u32 s11, $0x6  }
0xe: {  	s5 =	sshrl.u32 s5, $0x3;
	s12 =	sshrl.u32 s10, $0x3;
	[dreg:$0xc] =	wrdreg s0  }
0xf: {  	s15 =	sshrl.u32 s13, $0x3;
	s18 =	sshrl.u32 s17, $0x3;
	s22 =	sshrl.u32 s20, $0x3  }
0x10: {  	s25 =	sadd.s32 s24, s9;
	s10 =	simm.s32 $0x13;
	s11 =	sor.u32 $0x1C13, s26  }
0x11: {  	s13 =	simm.s32 $0x30;
	s20 =	simm.s32 $0x7;
	s24 =	simm.s32 $0x9  }
0x12: {  	s26 =	simm.s32 $0x5A80;
	s5 =	sadd.s32 s5, s1;
	[dreg:$0x8] =	wrdreg s25  }
0x13: {  	s1 =	sadd.s32 s6, s1;
	s14 =	sadd.s32 s12, s9;
	[dreg:$0xd] =	wrdreg s11  }
0x14: {  	s16 =	sadd.s32 s15, s9;
	s0 =	sadd.s32 s18, s9;
	[dreg:$0x3] =	wrdreg s14  }
0x15: {  	s23 =	sadd.s32 s22, s9;
	s12 =	sshrl.u32 s8, $0x3;
	[dreg:$0x4] =	wrdreg s16  }
0x16: {  	s22 =	simm.s32 $0x8;
	s6 =	simm.s32 $0xB;
	[dreg:$0x5] =	wrdreg s0  }
0x17: {  	s8 =	simm.s32 $0xC;
	s25 =	simm.s32 $0x4280;
	[dreg:$0x7] =	wrdreg s23  }
0x18: {  	s5 =	sadd.s32 $0x17000, s5;
	s1 =	sadd.s32 $0x96200, s1;
	[dreg:$0xe] =	wrdreg s12  }
0x19: {  	s23 =	simm.s32 $0x3;
	s0 =	simm.s32 $0xA;
	[dreg:$0xa] =	wrdreg s5  }
0x1a: {  	s14 =	simm.s32 $0x0;
	[dreg:$0xb] =	wrdreg s1;
	s1 =	sshrl.u32 s19, $0x3  }
0x1b: {  	s19 =	simm.s32 $0x1;
	s5 =	simm.s32 $0x5;
	s21 =	sadd.s32 s1, s9  }
0x1c: {  	s1 =	simm.s32 $0x4;
	[dreg:$0x6] =	wrdreg s21;
	s21 =	simm.s32 $0x2  }
.LBB2_1:
0x1d: {  	[dreg:$0xf] =	wrdreg s14  }
0x1e: {  	s9 =	rddreg [dreg:$0xa]  }
0x1f: {  	[tilespmem:s3], [sflag:$0x13] =	stream.linear.gather [hbm4b:s9+s3], $0x2760, $0x38;
	[tilespmem:$0x1F380] =	vst v63  }
0x20: {  	_ =	swait.ge [sflag:s10], $0x2760  }
0x21: {  	[sflag:s10] =	ssyncset.done $0x0  }
0x22: {  	s18 =	rddreg [dreg:$0x9];
	[sflag:s10] =	ssyncadd.s32 $0xFFFFD8A0  }
0x23: {  	[spmem:s12], [sflag:s11] =	dma.local [hbm:s18], $0x2710  }
0x24: {  	_ =	swait.ge [sflag:s10], $0x2710  }
0x25: {  	[sflag:s10] =	ssyncset.done $0x0  }
0x26: {  	p0 =	por $0x1, $0x1;
	[sflag:s10] =	ssyncadd.s32 $0xFFFFD8F0  }
0x27: {  	s9 =	simm.s32 @!p0 $0xD;
	[bflag:$0x0] =	sbarrier.arrive $0xFFFF  }
0x28: {  	_ =	swait.ge @!p0 [sflag:s9], $0x1800  }
0x29: {  	s11 =	rddreg [dreg:$0x8];
	[sflag:s9] =	ssyncset.done @!p0 $0x0  }
0x2a: {  	[sflag:s9] =	ssyncadd.s32 @!p0 $0xFFFFE800;
	s12 =	sadd.s32 $0x0, s11;
	s11 =	simm.s32 $0x2780  }
0x2b: {  	[tilespmem:s11], [sflag:$0x1] =	stream.linear.gather [hbm4b:s12+s3], $0x30, $0x38;
	[tilespmem:$0x1F380] =	vst v63  }
0x2c: {  	s14 =	simm.s32 $0x0;
	s10 =	simm.s32 @!p0 $0xE;
	s12 =	simm.s32 $0x2A80  }
0x2d: {  	[tilespmem:s12], [sflag:$0x7] =	stream.indirect.gather [hbm4b:s4+s13], $0x80, s14, s13, $0xb8;
	[tilespmem:$0x1F380] =	vst v63  }
0x2e: {  	_ =	swait.ge @!p0 [sflag:s10], $0x1800  }
0x2f: {  	s15 =	rddreg [dreg:$0x7];
	[sflag:s10] =	ssyncset.done @!p0 $0x0  }
0x30: {  	s14 =	simm.s32 $0x2800;
	[sflag:s10] =	ssyncadd.s32 @!p0 $0xFFFFE800;
	s9 =	sadd.s32 $0x0, s15  }
0x31: {  	[tilespmem:s14], [sflag:$0x2] =	stream.linear.gather [hbm4b:s9+s3], $0x30, $0x38;
	[tilespmem:$0x1F380] =	vst v63  }
0x32: {  	s16 =	simm.s32 $0x30;
	s10 =	simm.s32 @!p0 $0xF;
	s15 =	simm.s32 $0x4280  }
0x33: {  	[tilespmem:s15], [sflag:$0x8] =	stream.indirect.gather [hbm4b:s4+s13], $0x80, s16, s13, $0xb8;
	[tilespmem:$0x1F380] =	vst v63  }
0x34: {  	_ =	swait.ge @!p0 [sflag:s10], $0x1800  }
0x35: {  	s17 =	rddreg [dreg:$0x6];
	[sflag:s10] =	ssyncset.done @!p0 $0x0  }
0x36: {  	s18 =	simm.s32 $0x2880;
	[sflag:s10] =	ssyncadd.s32 @!p0 $0xFFFFE800;
	s9 =	sadd.s32 $0x0, s17  }
0x37: {  	[tilespmem:s18], [sflag:$0x3] =	stream.linear.gather [hbm4b:s9+s3], $0x30, $0x38;
	[tilespmem:$0x1F380] =	vst v63  }
0x38: {  	s16 =	simm.s32 $0x5A80;
	s17 =	simm.s32 $0x60  }
0x39: {  	[tilespmem:s16], [sflag:$0x9] =	stream.indirect.gather [hbm4b:s4+s13], $0x80, s17, s13, $0xb8;
	[tilespmem:$0x1F380] =	vst v63  }
0x3a: {  	_ =	swait.ge [sflag:s19], $0x30  }
0x3b: {  	[sflag:s19] =	ssyncset.done $0x0  }
0x3c: {  	[sflag:s19] =	ssyncadd.s32 $0xFFFFFFD0  }
0x3d: {  	_ =	swait.ge [sflag:s20], $0x1800  }
0x3e: {  	[sflag:s20] =	ssyncset.done $0x0  }
0x3f: {  	[sflag:s20] =	ssyncadd.s32 $0xFFFFE800  }
0x40: {  	[spmem:s2] =	stream.indirect.scatter.add.f32 [tilespmem:s12], [sflag:$0xD], $0x80, s11, s13, $0xb8;
	[tilespmem:$0x1F380] =	vst v63  }
0x41: {  	_ =	swait.ge [sflag:s21], $0x30  }
0x42: {  	[sflag:s21] =	ssyncset.done $0x0  }
0x43: {  	[sflag:s21] =	ssyncadd.s32 $0xFFFFFFD0  }
0x44: {  	_ =	swait.ge [sflag:s22], $0x1800  }
0x45: {  	[sflag:s22] =	ssyncset.done $0x0  }
0x46: {  	[sflag:s22] =	ssyncadd.s32 $0xFFFFE800  }
0x47: {  	[spmem:s2] =	stream.indirect.scatter.add.f32 [tilespmem:s15], [sflag:$0xE], $0x80, s14, s13, $0xb8;
	[tilespmem:$0x1F380] =	vst v63  }
0x48: {  	_ =	swait.ge [sflag:s23], $0x30  }
0x49: {  	[sflag:s23] =	ssyncset.done $0x0  }
0x4a: {  	[sflag:s23] =	ssyncadd.s32 $0xFFFFFFD0  }
0x4b: {  	_ =	swait.ge [sflag:s24], $0x1800  }
0x4c: {  	[sflag:s24] =	ssyncset.done $0x0  }
0x4d: {  	s9 =	simm.s32 @!p0 $0x10;
	[sflag:s24] =	ssyncadd.s32 $0xFFFFE800  }
0x4e: {  	[spmem:s2] =	stream.indirect.scatter.add.f32 [tilespmem:s16], [sflag:$0xF], $0x80, s18, s13, $0xb8;
	[tilespmem:$0x1F380] =	vst v63  }
0x4f: {  	_ =	swait.ge @!p0 [sflag:s9], $0x1800  }
0x50: {  	s18 =	rddreg [dreg:$0x3];
	[sflag:s9] =	ssyncset.done @!p0 $0x0  }
0x51: {  	s11 =	simm.s32 $0x2900;
	[sflag:s9] =	ssyncadd.s32 @!p0 $0xFFFFE800;
	s10 =	sadd.s32 $0x0, s18  }
0x52: {  	[tilespmem:s11], [sflag:$0x4] =	stream.linear.gather [hbm4b:s10+s3], $0x30, $0x38;
	[tilespmem:$0x1F380] =	vst v63  }
0x53: {  	s12 =	simm.s32 $0x90;
	s14 =	simm.s32 $0x7280;
	s10 =	simm.s32 @!p0 $0x11  }
0x54: {  	[tilespmem:s14], [sflag:$0xA] =	stream.indirect.gather [hbm4b:s4+s13], $0x80, s12, s13, $0xb8;
	[tilespmem:$0x1F380] =	vst v63  }
0x55: {  	_ =	swait.ge @!p0 [sflag:s10], $0x1800  }
0x56: {  	s15 =	rddreg [dreg:$0x4];
	[sflag:s10] =	ssyncset.done @!p0 $0x0  }
0x57: {  	[sflag:s10] =	ssyncadd.s32 @!p0 $0xFFFFE800;
	s9 =	sadd.s32 $0x0, s15  }
0x58: {  	[tilespmem:s28], [sflag:$0x5] =	stream.linear.gather [hbm4b:s9+s3], $0x30, $0x38;
	[tilespmem:$0x1F380] =	vst v63  }
0x59: {  	s16 =	simm.s32 $0xC0;
	s10 =	simm.s32 @!p0 $0x12  }
0x5a: {  	[tilespmem:s29], [sflag:$0xB] =	stream.indirect.gather [hbm4b:s4+s13], $0x80, s16, s13, $0xb8;
	[tilespmem:$0x1F380] =	vst v63  }
0x5b: {  	_ =	swait.ge @!p0 [sflag:s10], $0x1800  }
0x5c: {  	s17 =	rddreg [dreg:$0x5];
	[sflag:s10] =	ssyncset.done @!p0 $0x0  }
0x5d: {  	[sflag:s10] =	ssyncadd.s32 @!p0 $0xFFFFE800;
	s9 =	sadd.s32 $0x0, s17  }
0x5e: {  	[tilespmem:s30], [sflag:$0x6] =	stream.linear.gather [hbm4b:s9+s3], $0x30, $0x38;
	[tilespmem:$0x1F380] =	vst v63  }
0x5f: {  	s18 =	simm.s32 $0xF0  }
0x60: {  	[tilespmem:s31], [sflag:$0xC] =	stream.indirect.gather [hbm4b:s4+s13], $0x80, s18, s13, $0xb8;
	[tilespmem:$0x1F380] =	vst v63  }
0x61: {  	_ =	swait.ge [sflag:s1], $0x30  }
0x62: {  	[sflag:s1] =	ssyncset.done $0x0  }
0x63: {  	[sflag:s1] =	ssyncadd.s32 $0xFFFFFFD0  }
0x64: {  	_ =	swait.ge [sflag:s0], $0x1800  }
0x65: {  	[sflag:s0] =	ssyncset.done $0x0  }
0x66: {  	[sflag:s0] =	ssyncadd.s32 $0xFFFFE800  }
0x67: {  	[spmem:s2] =	stream.indirect.scatter.add.f32 [tilespmem:s14], [sflag:$0x10], $0x80, s11, s13, $0xb8;
	[tilespmem:$0x1F380] =	vst v63  }
0x68: {  	_ =	swait.ge [sflag:s5], $0x30  }
0x69: {  	[sflag:s5] =	ssyncset.done $0x0  }
0x6a: {  	[sflag:s5] =	ssyncadd.s32 $0xFFFFFFD0  }
0x6b: {  	_ =	swait.ge [sflag:s6], $0x1800  }
0x6c: {  	[sflag:s6] =	ssyncset.done $0x0  }
0x6d: {  	[sflag:s6] =	ssyncadd.s32 $0xFFFFE800  }
0x6e: {  	[spmem:s2] =	stream.indirect.scatter.add.f32 [tilespmem:s29], [sflag:$0x11], $0x80, s28, s13, $0xb8;
	[tilespmem:$0x1F380] =	vst v63  }
0x6f: {  	_ =	swait.ge [sflag:s7], $0x30  }
0x70: {  	[sflag:s7] =	ssyncset.done $0x0  }
0x71: {  	[sflag:s7] =	ssyncadd.s32 $0xFFFFFFD0  }
0x72: {  	s10 =	simm.s32 $0x48;
	p0 =	por $0x0, $0x0;
	_ =	swait.ge [sflag:s8], $0x1800  }
0x73: {  	s9 =	simm.s32 $0x1B0;
	s11 =	simm.s32 $0x24;
	[sflag:s8] =	ssyncset.done $0x0  }
.LBB2_2:
0x74: {  	s14 =	simm.s32 @!p0 $0xD;
	[sflag:s8] =	ssyncadd.s32 $0xFFFFE800  }
0x75: {  	[spmem:s2] =	stream.indirect.scatter.add.f32 [tilespmem:s31], [sflag:$0x12], $0x80, s30, s13, $0xb8;
	[tilespmem:$0x1F380] =	vst v63  }
0x76: {  	_ =	swait.ge @!p0 [sflag:s14], $0x1800  }
0x77: {  	[sflag:s14] =	ssyncset.done @!p0 $0x0;
	s15 =	rddreg [dreg:$0x8]  }
0x78: {  	s16 =	simm.s32 $0x2780;
	[sflag:s14] =	ssyncadd.s32 @!p0 $0xFFFFE800;
	s17 =	sadd.s32 s11, s15  }
0x79: {  	[tilespmem:s16], [sflag:$0x1] =	stream.linear.gather [hbm4b:s17+s3], $0x30, $0x38;
	[tilespmem:$0x1F380] =	vst v63  }
0x7a: {  	s18 =	sadd.s32 $0xFFFFFF70, s9;
	s15 =	simm.s32 @!p0 $0xE;
	s17 =	simm.s32 $0x2A80  }
0x7b: {  	[tilespmem:s17], [sflag:$0x7] =	stream.indirect.gather [hbm4b:s4+s13], $0x80, s18, s13, $0xb8;
	[tilespmem:$0x1F380] =	vst v63  }
0x7c: {  	_ =	swait.ge @!p0 [sflag:s15], $0x1800  }
0x7d: {  	s18 =	rddreg [dreg:$0x7];
	[sflag:s15] =	ssyncset.done @!p0 $0x0  }
0x7e: {  	[sflag:s15] =	ssyncadd.s32 @!p0 $0xFFFFE800;
	s14 =	sadd.s32 s11, s18;
	s18 =	simm.s32 $0x2800  }
0x7f: {  	[tilespmem:s18], [sflag:$0x2] =	stream.linear.gather [hbm4b:s14+s3], $0x30, $0x38;
	[tilespmem:$0x1F380] =	vst v63  }
0x80: {  	s15 =	simm.s32 @!p0 $0xF;
	s14 =	sadd.s32 $0xFFFFFFA0, s9  }
0x81: {  	[tilespmem:s25], [sflag:$0x8] =	stream.indirect.gather [hbm4b:s4+s13], $0x80, s14, s13, $0xb8;
	[tilespmem:$0x1F380] =	vst v63  }
0x82: {  	_ =	swait.ge @!p0 [sflag:s15], $0x1800  }
0x83: {  	s14 =	rddreg [dreg:$0x6];
	[sflag:s15] =	ssyncset.done @!p0 $0x0  }
0x84: {  	[sflag:s15] =	ssyncadd.s32 @!p0 $0xFFFFE800;
	s14 =	sadd.s32 s11, s14;
	s15 =	simm.s32 $0x2880  }
0x85: {  	[tilespmem:s15], [sflag:$0x3] =	stream.linear.gather [hbm4b:s14+s3], $0x30, $0x38;
	[tilespmem:$0x1F380] =	vst v63  }
0x86: {  	s14 =	sadd.s32 $0xFFFFFFD0, s9  }
0x87: {  	[tilespmem:s26], [sflag:$0x9] =	stream.indirect.gather [hbm4b:s4+s13], $0x80, s14, s13, $0xb8;
	[tilespmem:$0x1F380] =	vst v63  }
0x88: {  	_ =	swait.ge [sflag:s19], $0x30  }
0x89: {  	[sflag:s19] =	ssyncset.done $0x0  }
0x8a: {  	[sflag:s19] =	ssyncadd.s32 $0xFFFFFFD0  }
0x8b: {  	_ =	swait.ge [sflag:s20], $0x1800  }
0x8c: {  	[sflag:s20] =	ssyncset.done $0x0  }
0x8d: {  	[sflag:s20] =	ssyncadd.s32 $0xFFFFE800  }
0x8e: {  	[spmem:s2] =	stream.indirect.scatter.add.f32 [tilespmem:s17], [sflag:$0xD], $0x80, s16, s13, $0xb8;
	[tilespmem:$0x1F380] =	vst v63  }
0x8f: {  	_ =	swait.ge [sflag:s21], $0x30  }
0x90: {  	[sflag:s21] =	ssyncset.done $0x0  }
0x91: {  	[sflag:s21] =	ssyncadd.s32 $0xFFFFFFD0  }
0x92: {  	_ =	swait.ge [sflag:s22], $0x1800  }
0x93: {  	[sflag:s22] =	ssyncset.done $0x0  }
0x94: {  	[sflag:s22] =	ssyncadd.s32 $0xFFFFE800  }
0x95: {  	[spmem:s2] =	stream.indirect.scatter.add.f32 [tilespmem:s25], [sflag:$0xE], $0x80, s18, s13, $0xb8;
	[tilespmem:$0x1F380] =	vst v63  }
0x96: {  	_ =	swait.ge [sflag:s23], $0x30  }
0x97: {  	[sflag:s23] =	ssyncset.done $0x0  }
0x98: {  	[sflag:s23] =	ssyncadd.s32 $0xFFFFFFD0  }
0x99: {  	_ =	swait.ge [sflag:s24], $0x1800  }
0x9a: {  	[sflag:s24] =	ssyncset.done $0x0  }
0x9b: {  	s14 =	simm.s32 @!p0 $0x10;
	[sflag:s24] =	ssyncadd.s32 $0xFFFFE800  }
0x9c: {  	[spmem:s2] =	stream.indirect.scatter.add.f32 [tilespmem:s26], [sflag:$0xF], $0x80, s15, s13, $0xb8;
	[tilespmem:$0x1F380] =	vst v63  }
0x9d: {  	_ =	swait.ge @!p0 [sflag:s14], $0x1800  }
0x9e: {  	s16 =	rddreg [dreg:$0x3];
	[sflag:s14] =	ssyncset.done @!p0 $0x0  }
0x9f: {  	[sflag:s14] =	ssyncadd.s32 @!p0 $0xFFFFE800;
	s17 =	sadd.s32 s11, s16;
	s16 =	simm.s32 $0x2900  }
0xa0: {  	[tilespmem:s16], [sflag:$0x4] =	stream.linear.gather [hbm4b:s17+s3], $0x30, $0x38;
	[tilespmem:$0x1F380] =	vst v63  }
0xa1: {  	s14 =	simm.s32 @!p0 $0x11;
	s17 =	simm.s32 $0x7280  }
0xa2: {  	[tilespmem:s17], [sflag:$0xA] =	stream.indirect.gather [hbm4b:s4+s13], $0x80, s9, s13, $0xb8;
	[tilespmem:$0x1F380] =	vst v63  }
0xa3: {  	_ =	swait.ge @!p0 [sflag:s14], $0x1800  }
0xa4: {  	s18 =	rddreg [dreg:$0x4];
	[sflag:s14] =	ssyncset.done @!p0 $0x0  }
0xa5: {  	[sflag:s14] =	ssyncadd.s32 @!p0 $0xFFFFE800;
	s15 =	sadd.s32 s11, s18  }
0xa6: {  	[tilespmem:s28], [sflag:$0x5] =	stream.linear.gather [hbm4b:s15+s3], $0x30, $0x38;
	[tilespmem:$0x1F380] =	vst v63  }
0xa7: {  	s18 =	sadd.s32 $0x30, s9;
	s15 =	simm.s32 @!p0 $0x12  }
0xa8: {  	[tilespmem:s29], [sflag:$0xB] =	stream.indirect.gather [hbm4b:s4+s13], $0x80, s18, s13, $0xb8;
	[tilespmem:$0x1F380] =	vst v63  }
0xa9: {  	_ =	swait.ge @!p0 [sflag:s15], $0x1800  }
0xaa: {  	s18 =	rddreg [dreg:$0x5];
	[sflag:s15] =	ssyncset.done @!p0 $0x0  }
0xab: {  	[sflag:s15] =	ssyncadd.s32 @!p0 $0xFFFFE800;
	s14 =	sadd.s32 s11, s18  }
0xac: {  	[tilespmem:s30], [sflag:$0x6] =	stream.linear.gather [hbm4b:s14+s3], $0x30, $0x38;
	[tilespmem:$0x1F380] =	vst v63  }
0xad: {  	s18 =	sadd.s32 $0x60, s9  }
0xae: {  	[tilespmem:s31], [sflag:$0xC] =	stream.indirect.gather [hbm4b:s4+s13], $0x80, s18, s13, $0xb8;
	[tilespmem:$0x1F380] =	vst v63  }
0xaf: {  	_ =	swait.ge [sflag:s1], $0x30  }
0xb0: {  	[sflag:s1] =	ssyncset.done $0x0  }
0xb1: {  	[sflag:s1] =	ssyncadd.s32 $0xFFFFFFD0  }
0xb2: {  	_ =	swait.ge [sflag:s0], $0x1800  }
0xb3: {  	[sflag:s0] =	ssyncset.done $0x0  }
0xb4: {  	[sflag:s0] =	ssyncadd.s32 $0xFFFFE800  }
0xb5: {  	[spmem:s2] =	stream.indirect.scatter.add.f32 [tilespmem:s17], [sflag:$0x10], $0x80, s16, s13, $0xb8;
	[tilespmem:$0x1F380] =	vst v63  }
0xb6: {  	_ =	swait.ge [sflag:s5], $0x30  }
0xb7: {  	[sflag:s5] =	ssyncset.done $0x0  }
0xb8: {  	[sflag:s5] =	ssyncadd.s32 $0xFFFFFFD0  }
0xb9: {  	_ =	swait.ge [sflag:s6], $0x1800  }
0xba: {  	s12 =	smov.u32 s10;
	s10 =	sadd.s32 $0x24, s10;
	[sflag:s6] =	ssyncset.done $0x0  }
0xbb: {  	p1 =	sne.s32 s10, $0x4EC;
	[sflag:s6] =	ssyncadd.s32 $0xFFFFE800  }
0xbc: {  	[spmem:s2] =	stream.indirect.scatter.add.f32 [tilespmem:s29], [sflag:$0x11], $0x80, s28, s13, $0xb8;
	[tilespmem:$0x1F380] =	vst v63  }
.Ltmp0:
0xbd: {  	_ =	swait.ge [sflag:s7], $0x30;
	(pc) =	sbr.rel @p1 .LBB2_2-.Ltmp0, $4  }
0xbe: {  	[sflag:s7] =	ssyncset.done $0x0  }
0xbf: {  	[sflag:s7] =	ssyncadd.s32 $0xFFFFFFD0  }
0xc0: {  	s11 =	smov.u32 s12;
	_ =	swait.ge [sflag:s8], $0x1800  }
0xc1: {  	s9 =	sadd.s32 $0x120, s9;
	p0 =	seq.s32 s11, $0x0;
	[sflag:s8] =	ssyncset.done $0x0  }
0xc2: {  	s10 =	simm.s32 @!p0 $0xD;
	[sflag:s8] =	ssyncadd.s32 $0xFFFFE800  }
0xc3: {  	[spmem:s2] =	stream.indirect.scatter.add.f32 [tilespmem:s31], [sflag:$0x12], $0x80, s30, s13, $0xb8;
	[tilespmem:$0x1F380] =	vst v63  }
0xc4: {  	_ =	swait.ge @!p0 [sflag:s10], $0x1800  }
0xc5: {  	s12 =	rddreg [dreg:$0x8];
	[sflag:s10] =	ssyncset.done @!p0 $0x0  }
0xc6: {  	s14 =	simm.s32 $0x2780;
	[sflag:s10] =	ssyncadd.s32 @!p0 $0xFFFFE800;
	s15 =	sadd.s32 s11, s12  }
0xc7: {  	[tilespmem:s14], [sflag:$0x1] =	stream.linear.gather [hbm4b:s15+s3], $0x30, $0x38;
	[tilespmem:$0x1F380] =	vst v63  }
0xc8: {  	s16 =	sadd.s32 $0xFFFFFF70, s9;
	s12 =	simm.s32 @!p0 $0xE;
	s15 =	simm.s32 $0x2A80  }
0xc9: {  	[tilespmem:s15], [sflag:$0x7] =	stream.indirect.gather [hbm4b:s4+s13], $0x80, s16, s13, $0xb8;
	[tilespmem:$0x1F380] =	vst v63  }
0xca: {  	_ =	swait.ge @!p0 [sflag:s12], $0x1800  }
0xcb: {  	s17 =	rddreg [dreg:$0x7];
	[sflag:s12] =	ssyncset.done @!p0 $0x0  }
0xcc: {  	s16 =	simm.s32 $0x2800;
	[sflag:s12] =	ssyncadd.s32 @!p0 $0xFFFFE800;
	s10 =	sadd.s32 s11, s17  }
0xcd: {  	[tilespmem:s16], [sflag:$0x2] =	stream.linear.gather [hbm4b:s10+s3], $0x30, $0x38;
	[tilespmem:$0x1F380] =	vst v63  }
0xce: {  	s18 =	sadd.s32 $0xFFFFFFA0, s9;
	s12 =	simm.s32 @!p0 $0xF;
	s17 =	simm.s32 $0x4280  }
0xcf: {  	[tilespmem:s17], [sflag:$0x8] =	stream.indirect.gather [hbm4b:s4+s13], $0x80, s18, s13, $0xb8;
	[tilespmem:$0x1F380] =	vst v63  }
0xd0: {  	_ =	swait.ge @!p0 [sflag:s12], $0x1800  }
0xd1: {  	s18 =	rddreg [dreg:$0x6];
	[sflag:s12] =	ssyncset.done @!p0 $0x0  }
0xd2: {  	[sflag:s12] =	ssyncadd.s32 @!p0 $0xFFFFE800;
	s10 =	sadd.s32 s11, s18;
	s12 =	simm.s32 $0x2880  }
0xd3: {  	[tilespmem:s12], [sflag:$0x3] =	stream.linear.gather [hbm4b:s10+s3], $0x30, $0x38;
	[tilespmem:$0x1F380] =	vst v63  }
0xd4: {  	s18 =	simm.s32 $0x5A80;
	s10 =	sadd.s32 $0xFFFFFFD0, s9  }
0xd5: {  	[tilespmem:s18], [sflag:$0x9] =	stream.indirect.gather [hbm4b:s4+s13], $0x80, s10, s13, $0xb8;
	[tilespmem:$0x1F380] =	vst v63  }
0xd6: {  	_ =	swait.ge [sflag:s19], $0x30  }
0xd7: {  	[sflag:s19] =	ssyncset.done $0x0  }
0xd8: {  	[sflag:s19] =	ssyncadd.s32 $0xFFFFFFD0  }
0xd9: {  	_ =	swait.ge [sflag:s20], $0x1800  }
0xda: {  	[sflag:s20] =	ssyncset.done $0x0  }
0xdb: {  	[sflag:s20] =	ssyncadd.s32 $0xFFFFE800  }
0xdc: {  	[spmem:s2] =	stream.indirect.scatter.add.f32 [tilespmem:s15], [sflag:$0xD], $0x80, s14, s13, $0xb8;
	[tilespmem:$0x1F380] =	vst v63  }
0xdd: {  	_ =	swait.ge [sflag:s21], $0x30  }
0xde: {  	[sflag:s21] =	ssyncset.done $0x0  }
0xdf: {  	[sflag:s21] =	ssyncadd.s32 $0xFFFFFFD0  }
0xe0: {  	_ =	swait.ge [sflag:s22], $0x1800  }
0xe1: {  	[sflag:s22] =	ssyncset.done $0x0  }
0xe2: {  	[sflag:s22] =	ssyncadd.s32 $0xFFFFE800  }
0xe3: {  	[spmem:s2] =	stream.indirect.scatter.add.f32 [tilespmem:s17], [sflag:$0xE], $0x80, s16, s13, $0xb8;
	[tilespmem:$0x1F380] =	vst v63  }
0xe4: {  	_ =	swait.ge [sflag:s23], $0x30  }
0xe5: {  	[sflag:s23] =	ssyncset.done $0x0  }
0xe6: {  	[sflag:s23] =	ssyncadd.s32 $0xFFFFFFD0  }
0xe7: {  	_ =	swait.ge [sflag:s24], $0x1800  }
0xe8: {  	[sflag:s24] =	ssyncset.done $0x0  }
0xe9: {  	s10 =	simm.s32 @!p0 $0x10;
	[sflag:s24] =	ssyncadd.s32 $0xFFFFE800  }
0xea: {  	[spmem:s2] =	stream.indirect.scatter.add.f32 [tilespmem:s18], [sflag:$0xF], $0x80, s12, s13, $0xb8;
	[tilespmem:$0x1F380] =	vst v63  }
0xeb: {  	_ =	swait.ge @!p0 [sflag:s10], $0x1800  }
0xec: {  	s14 =	rddreg [dreg:$0x3];
	[sflag:s10] =	ssyncset.done @!p0 $0x0  }
0xed: {  	[sflag:s10] =	ssyncadd.s32 @!p0 $0xFFFFE800;
	s15 =	sadd.s32 s11, s14;
	s14 =	simm.s32 $0x2900  }
0xee: {  	[tilespmem:s14], [sflag:$0x4] =	stream.linear.gather [hbm4b:s15+s3], $0x30, $0x38;
	[tilespmem:$0x1F380] =	vst v63  }
0xef: {  	s10 =	simm.s32 @!p0 $0x11;
	s15 =	simm.s32 $0x7280  }
0xf0: {  	[tilespmem:s15], [sflag:$0xA] =	stream.indirect.gather [hbm4b:s4+s13], $0x80, s9, s13, $0xb8;
	[tilespmem:$0x1F380] =	vst v63  }
0xf1: {  	_ =	swait.ge @!p0 [sflag:s10], $0x1800  }
0xf2: {  	s16 =	rddreg [dreg:$0x4];
	[sflag:s10] =	ssyncset.done @!p0 $0x0  }
0xf3: {  	[sflag:s10] =	ssyncadd.s32 @!p0 $0xFFFFE800;
	s17 =	sadd.s32 s11, s16  }
0xf4: {  	[tilespmem:s28], [sflag:$0x5] =	stream.linear.gather [hbm4b:s17+s3], $0x30, $0x38;
	[tilespmem:$0x1F380] =	vst v63  }
0xf5: {  	s18 =	sadd.s32 $0x30, s9;
	s12 =	simm.s32 @!p0 $0x12  }
0xf6: {  	[tilespmem:s29], [sflag:$0xB] =	stream.indirect.gather [hbm4b:s4+s13], $0x80, s18, s13, $0xb8;
	[tilespmem:$0x1F380] =	vst v63  }
0xf7: {  	_ =	swait.ge @!p0 [sflag:s12], $0x1800  }
0xf8: {  	s16 =	rddreg [dreg:$0x5];
	[sflag:s12] =	ssyncset.done @!p0 $0x0  }
0xf9: {  	[sflag:s12] =	ssyncadd.s32 @!p0 $0xFFFFE800;
	s10 =	sadd.s32 s11, s16  }
0xfa: {  	[tilespmem:s30], [sflag:$0x6] =	stream.linear.gather [hbm4b:s10+s3], $0x30, $0x38;
	[tilespmem:$0x1F380] =	vst v63  }
0xfb: {  	s17 =	sadd.s32 $0x60, s9  }
0xfc: {  	[tilespmem:s31], [sflag:$0xC] =	stream.indirect.gather [hbm4b:s4+s13], $0x80, s17, s13, $0xb8;
	[tilespmem:$0x1F380] =	vst v63  }
0xfd: {  	_ =	swait.ge [sflag:s1], $0x30  }
0xfe: {  	[sflag:s1] =	ssyncset.done $0x0  }
0xff: {  	[sflag:s1] =	ssyncadd.s32 $0xFFFFFFD0  }
0x100: {  	_ =	swait.ge [sflag:s0], $0x1800  }
0x101: {  	[sflag:s0] =	ssyncset.done $0x0  }
0x102: {  	[sflag:s0] =	ssyncadd.s32 $0xFFFFE800  }
0x103: {  	[spmem:s2] =	stream.indirect.scatter.add.f32 [tilespmem:s15], [sflag:$0x10], $0x80, s14, s13, $0xb8;
	[tilespmem:$0x1F380] =	vst v63  }
0x104: {  	_ =	swait.ge [sflag:s5], $0x30  }
0x105: {  	[sflag:s5] =	ssyncset.done $0x0  }
0x106: {  	[sflag:s5] =	ssyncadd.s32 $0xFFFFFFD0  }
0x107: {  	_ =	swait.ge [sflag:s6], $0x1800  }
0x108: {  	[sflag:s6] =	ssyncset.done $0x0  }
0x109: {  	[sflag:s6] =	ssyncadd.s32 $0xFFFFE800  }
0x10a: {  	[spmem:s2] =	stream.indirect.scatter.add.f32 [tilespmem:s29], [sflag:$0x11], $0x80, s28, s13, $0xb8;
	[tilespmem:$0x1F380] =	vst v63  }
0x10b: {  	_ =	swait.ge [sflag:s7], $0x30  }
0x10c: {  	[sflag:s7] =	ssyncset.done $0x0  }
0x10d: {  	[sflag:s7] =	ssyncadd.s32 $0xFFFFFFD0  }
0x10e: {  	_ =	swait.ge [sflag:s8], $0x1800  }
0x10f: {  	[sflag:s8] =	ssyncset.done $0x0  }
0x110: {  	s18 =	simm.s32 $0xD;
	[sflag:s8] =	ssyncadd.s32 $0xFFFFE800  }
0x111: {  	[spmem:s2] =	stream.indirect.scatter.add.f32 [tilespmem:s31], [sflag:$0x12], $0x80, s30, s13, $0xb8;
	[tilespmem:$0x1F380] =	vst v63  }
0x112: {  	_ =	swait.ge [sflag:s18], $0x1800  }
0x113: {  	[sflag:s18] =	ssyncset.done $0x0  }
0x114: {  	s10 =	simm.s32 $0xE;
	[sflag:s18] =	ssyncadd.s32 $0xFFFFE800  }
0x115: {  	_ =	swait.ge [sflag:s10], $0x1800  }
0x116: {  	[sflag:s10] =	ssyncset.done $0x0  }
0x117: {  	s11 =	simm.s32 $0xF;
	[sflag:s10] =	ssyncadd.s32 $0xFFFFE800  }
0x118: {  	_ =	swait.ge [sflag:s11], $0x1800  }
0x119: {  	[sflag:s11] =	ssyncset.done $0x0  }
0x11a: {  	s12 =	simm.s32 $0x10;
	[sflag:s11] =	ssyncadd.s32 $0xFFFFE800  }
0x11b: {  	_ =	swait.ge [sflag:s12], $0x1800  }
0x11c: {  	[sflag:s12] =	ssyncset.done $0x0  }
0x11d: {  	s14 =	simm.s32 $0x11;
	[sflag:s12] =	ssyncadd.s32 $0xFFFFE800  }
0x11e: {  	_ =	swait.ge [sflag:s14], $0x1800  }
0x11f: {  	[sflag:s14] =	ssyncset.done $0x0  }
0x120: {  	s15 =	simm.s32 $0x12;
	[sflag:s14] =	ssyncadd.s32 $0xFFFFE800  }
0x121: {  	_ =	swait.ge [sflag:s15], $0x1800  }
0x122: {  	[sflag:s15] =	ssyncset.done $0x0  }
0x123: {  	[sflag:s15] =	ssyncadd.s32 $0xFFFFE800  }
0x124: {  	[bflag:$0x0] =	sbarrier.arrive $0xFFFF  }
0x125: {  	s16 =	rddreg [dreg:$0xb]  }
0x126: {  	s11 =	rddreg [dreg:$0xd]  }
0x127: {  	s10 =	simm.s32 $0x13;
	s12 =	rddreg [dreg:$0xe]  }
0x128: {  	[hbm:s16], [sflag:s11] =	dma.local [spmem:s12], $0x2710  }
0x129: {  	_ =	swait.ge [sflag:s10], $0x2710  }
0x12a: {  	s17 =	rddreg [dreg:$0xf]  }
0x12b: {  	s18 =	rddreg [dreg:$0xc];
	s14 =	sadd.s32 $0x1, s17  }
0x12c: {  	p0 =	sne.s32 s14, s18  }
.Ltmp1:
0x12d: {  	_ = 	snop;
	(pc) =	sbr.rel @p0 .LBB2_1-.Ltmp1, $3  }
0x12e: {  	_ =	sdelay $0x1  }
0x12f: {  	[sflag:s10] =	ssyncset.done $0x0  }
0x130: {  	[sflag:s10] =	ssyncadd.s32 $0xFFFFD8F0  }
0x131: {  	_ =	sfence.sel $0x180000  }
0x132: {  	[bflag:$0x0] =	sbarrier.arrive $0xFFFF  }
0x133: {  	_ =	strace $0x9000004D  }
0x134: {  	s0 =	stileid.u32;
	[bflag:$0x2] =	sbarrier.arrive $0xFFFF  }
0x135: {  	p0 =	sne.s32 s0, $0x0;
	s0 =	rddreg [dreg:$0x2]  }
0x136: {  	s0 =	sadd.s32 @!p0 $0x100000, s0  }
0x137: {  	[sflag:s0] =	ssyncadd.tile.s32 @!p0 $0x1;
	_ =	shalt  }
.Lfunc_end2:
_tile_overlayer_lowered:
.L_overlay_start_2:
0x138: {  	(tag) =	ssettag $0x2  }
0x139: {  	s0 =	rddreg [dreg:$0x0];
	s2 =	stileid.u32  }
0x13a: {  	s1 =	rddreg [dreg:$0x1];
	p0 =	sne.s32 s2, $0x0  }
0x13b: {  	s3 =	rddreg [dreg:$0x2];
	[bflag:$0x3] =	sbarrier.arrive $0xFFFF;
	s2 =	simm.s32 @!p0 $0x1C13  }
0x13c: {  	[timem:s3], [sflag:s2] =	dma.local @!p0 [hbm:s0], s1  }
0x13d: {  	s0 =	simm.s32 @!p0 $0x13  }
0x13e: {  	_ =	swait.ge @!p0 [sflag:s0], s1  }
0x13f: {  	s1 =	ssub.s32 @!p0 $0x0, s1;
	[sflag:s0] =	ssyncset.done @!p0 $0x0  }
0x140: {  	[sflag:s0] =	ssyncadd.s32 @!p0 s1  }
0x141: {  	[bflag:$0x3] =	sbarrier.arrive $0xFFFF  }
0x142: {  	_ =	shalt  }

// kernel: kernel.8.cloned.1.call-start
scs
__scs_entry_jumppad:
0x0: {  	(pc) =	sbr.rel $0x88, $3  }
0x1: {  	(tag) =	ssettag $0x0;
	lr =	simm.s32 $0x1  }
0x2: {  	[smem:$0x3F9A] =	sst lr;
	_ =	strace $0xD0000000  }
0x3: {  	_ = 	snop  }
0x4: {  	_ = 	snop  }
0x5: {  	_ = 	snop  }
0x6: {  	_ = 	snop  }
0x7: {  	_ = 	snop  }
__scs_overlays_trampoline_lowered:
0x8: {  	[smem:$0x3FA9] =	sst s0  }
0x9: {  	[smem:$0x3FAA] =	sst s1  }
0xa: {  	[smem:$0x3FAB] =	sst s2  }
0xb: {  	[smem:$0x3FAC] =	sst s3  }
0xc: {  	[smem:$0x3FAD] =	sst s4  }
0xd: {  	[smem:$0x3FAE] =	sst s5  }
0xe: {  	[smem:$0x3FAF] =	sst s6  }
0xf: {  	[smem:$0x3FB0] =	sst s7  }
0x10: {  	[smem:$0x3FB1] =	sst s8  }
0x11: {  	[smem:$0x3FB2] =	sst s9;
	s0 =	simm.s32 @!p0 $0x0  }
0x12: {  	s1 =	sld [smem:$0x3F98];
	s0 =	simm.s32 @p0 $0x1  }
0x13: {  	[smem:$0x3FB3] =	sst s0;
	s0 =	simm.s32 @!p1 $0x0  }
0x14: {  	s2 =	sld [smem:$0x3F97];
	s0 =	simm.s32 @p1 $0x1  }
0x15: {  	[smem:$0x3FB4] =	sst s0;
	s0 =	simm.s32 @!p2 $0x0  }
0x16: {  	s3 =	sld [smem:$0x3FDB];
	s0 =	simm.s32 @p2 $0x1  }
0x17: {  	s4 =	simm.s32 $0x1BF5;
	[smem:$0x3FB6] =	sst s0  }
0x18: {  	s0 =	sld [smem:$0x3F99];
	_ =	swait.ge [sflag:s4], $0x0  }
0x19: {  	s7 =	sld [smem:$0x3F9A]  }
0x1a: {  	s8 =	sadd.s32 $0xFFFFE003, lr  }
0x1b: {  	s9 =	sadd.s32 $0xFFFFFEF7, lr;
	s5 =	simm.s32 $0xFFFFFFFF;
	p2 =	slt.u32 s8, $0xFFFFF086  }
0x1c: {  	p1 =	slt.u32 s9, $0xF7A;
	s5 =	simm.s32 @!p2 $0x0  }
0x1d: {  	s5 =	simm.s32 @p1 $0x1;
	p0 =	seq.s32 s7, s2  }
0x1e: {  	s7 =	smul.u32 @!p0 $0xF7A, s2;
	p2 =	seq.s32 @!p0 s5, $0x0  }
0x1f: {  	s9 =	smul.u32 $0xF7A, s1;
	s8 =	simm.s32 @!p0 $0x1BF5;
	p2 =	por !p2, p0  }
0x20: {  	[sflag:s8] =	ssyncset.s32 @!p0 $0xFFFFF086;
	s6 =	sadd.s32 @!p0 s3, s7;
	s7 =	simm.s32 @!p0 $0x108  }
0x21: {  	s3 =	sadd.s32 s3, s9;
	s6 =	sadd.s32 @!p0 $0x88, s6;
	s7 =	simm.s32 @p2 $0x1082  }
0x22: {  	[simem:s7], [sflag:s8] =	dma.local @!p0 [hbm:s6], $0xF7A  }
0x23: {  	s9 =	sor.u32 $0xD0000000, s2;
	s6 =	simm.s32 $0x108;
	_ =	swait.ge @!p0 [sflag:s8], $0x0  }
0x24: {  	s3 =	sadd.s32 $0x88, s3;
	s6 =	simm.s32 @!p1 $0x1082;
	[sflag:s4] =	ssyncset.s32 $0xFFFFF086  }
0x25: {  	[simem:s6], [sflag:s4] =	dma.local [hbm:s3], $0xF7A  }
0x26: {  	[smem:$0x3F9A] =	sst s1;
	(tag) =	ssettag s2;
	_ =	strace s9  }
0x27: {  	s1 =	sld [smem:$0x3FAA]  }
0x28: {  	s2 =	sld [smem:$0x3FAB]  }
0x29: {  	s4 =	sld [smem:$0x3FAD]  }
0x2a: {  	p0 =	seq.s32 s5, $0x0;
	s5 =	sld [smem:$0x3FAE]  }
0x2b: {  	s6 =	sld [smem:$0x3FAF]  }
0x2c: {  	s7 =	sld [smem:$0x3FB0]  }
0x2d: {  	s3 =	simm.s32 $0x108;
	s8 =	sld [smem:$0x3FB1]  }
0x2e: {  	s3 =	simm.s32 @!p0 $0x1082;
	s9 =	sld [smem:$0x3FB2]  }
0x2f: {  	lr =	sadd.s32 s0, s3;
	s0 =	sld [smem:$0x3FA9]  }
0x30: {  	s3 =	sld [smem:$0x3FAC]  }
0x31: {  	[smem:$0x3FB5] =	sst s10  }
0x32: {  	s10 =	sld [smem:$0x3FB3];
	_ =	sdelay $0x3  }
0x33: {  	p0 =	seq.s32 s10, $0x1;
	s10 =	sld [smem:$0x3FB5];
	_ =	sdelay $0x3  }
0x34: {  	[smem:$0x3FB5] =	sst s10  }
0x35: {  	s10 =	sld [smem:$0x3FB4];
	_ =	sdelay $0x3  }
0x36: {  	p1 =	seq.s32 s10, $0x1;
	s10 =	sld [smem:$0x3FB5];
	_ =	sdelay $0x3  }
0x37: {  	[smem:$0x3FB5] =	sst s10  }
0x38: {  	s10 =	sld [smem:$0x3FB6]  }
0x39: {  	_ = 	snop;
	(pc) =	sbr.ind lr, $3  }
0x3a: {  	_ = 	snop  }
0x3b: {  	_ = 	snop  }
0x3c: {  	p2 =	seq.s32 s10, $0x1;
	s10 =	sld [smem:$0x3FB5]  }
0x3d: {  	_ =	shalt  }
0x3e: {  	_ =	shalt  }
0x3f: {  	_ =	shalt  }
0x40: {  	_ =	shalt  }
0x41: {  	_ =	shalt  }
0x42: {  	_ =	shalt  }
0x43: {  	_ =	shalt  }
0x44: {  	_ =	shalt  }
0x45: {  	_ =	shalt  }
0x46: {  	_ =	shalt  }
0x47: {  	_ =	shalt  }
0x48: {  	_ =	shalt  }
0x49: {  	_ =	shalt  }
0x4a: {  	_ =	shalt  }
0x4b: {  	_ =	shalt  }
0x4c: {  	_ =	shalt  }
0x4d: {  	_ =	shalt  }
0x4e: {  	_ =	shalt  }
0x4f: {  	_ =	shalt  }
0x50: {  	_ =	shalt  }
0x51: {  	_ =	shalt  }
0x52: {  	_ =	shalt  }
0x53: {  	_ =	shalt  }
0x54: {  	_ =	shalt  }
0x55: {  	_ =	shalt  }
0x56: {  	_ =	shalt  }
0x57: {  	_ =	shalt  }
0x58: {  	_ =	shalt  }
0x59: {  	_ =	shalt  }
0x5a: {  	_ =	shalt  }
0x5b: {  	_ =	shalt  }
0x5c: {  	_ =	shalt  }
0x5d: {  	_ =	shalt  }
0x5e: {  	_ =	shalt  }
0x5f: {  	_ =	shalt  }
0x60: {  	_ =	shalt  }
0x61: {  	_ =	shalt  }
0x62: {  	_ =	shalt  }
0x63: {  	_ =	shalt  }
0x64: {  	_ =	shalt  }
0x65: {  	_ =	shalt  }
0x66: {  	_ =	shalt  }
0x67: {  	_ =	shalt  }
0x68: {  	_ =	shalt  }
0x69: {  	_ =	shalt  }
0x6a: {  	_ =	shalt  }
0x6b: {  	_ =	shalt  }
0x6c: {  	_ =	shalt  }
0x6d: {  	_ =	shalt  }
0x6e: {  	_ =	shalt  }
0x6f: {  	_ =	shalt  }
0x70: {  	_ =	shalt  }
0x71: {  	_ =	shalt  }
0x72: {  	_ =	shalt  }
0x73: {  	_ =	shalt  }
0x74: {  	_ =	shalt  }
0x75: {  	_ =	shalt  }
0x76: {  	_ =	shalt  }
0x77: {  	_ =	shalt  }
0x78: {  	_ =	shalt  }
0x79: {  	_ =	shalt  }
0x7a: {  	_ =	shalt  }
0x7b: {  	_ =	shalt  }
0x7c: {  	_ =	shalt  }
0x7d: {  	_ =	shalt  }
0x7e: {  	_ =	shalt  }
0x7f: {  	_ =	shalt  }
0x80: {  	_ =	shalt  }
0x81: {  	_ =	shalt  }
0x82: {  	_ =	shalt  }
0x83: {  	_ =	shalt  }
0x84: {  	_ =	shalt  }
0x85: {  	_ =	shalt  }
0x86: {  	_ =	shalt  }
0x87: {  	_ =	shalt  }
.Lfunc_end0:
.L_simem_size_0:
called_computation_lowered:
.L_overlay_start_0:
0x88: {  	s2 =	sld [smem:$0x3FD9]  }
0x89: {  	s3 =	sld [smem:$0x3FFE];
	_ =	sdelay $0x1  }
0x8a: {  	s1 =	srdreg.scid  }
0x8b: {  	s0 =	sand.u32 $0x1, s1  }
0x8c: {  	s16 =	sshll.u32 s0, $0xA;
	s2 =	sadd.s32 s3, s2  }
0x8d: {  	s2 =	sadd.s32 s2, s16  }
0x8e: {  	[smem:$0x3FC1] =	sst s2  }
0x8f: {  	_ = 	snop  }
0x90: {  	(tm) =	ssettm $0x1  }
0x91: {  	s17 =	sld [smem:$0x3FFB];
	_ =	sdelay $0x3  }
0x92: {  	_ =	strace s17  }
0x93: {  	s2 =	sld [smem:$0x3FFC];
	_ =	sdelay $0x3  }
0x94: {  	_ =	strace s2  }
0x95: {  	s2 =	sld [smem:$0x3FFD];
	_ =	sdelay $0x3  }
0x96: {  	_ =	strace s2  }
0x97: {  	_ =	strace $0x8FFFFFFF  }
0x98: {  	s18 =	sld [smem:$0x3FDB];
	_ =	sdelay $0x1  }
0x99: {  	s19 =	simm.s32 $_scs_section_size  }
0x9a: {  	s4 =	simm.s32 $_size__tile_overlayer_lowered;
	s5 =	simm.s32 $_tile_overlayer_lowered  }
0x9b: {  	s22 =	simm.s32 $0x1BFF;
	s21 =	sshll.u32 s5, $0x1;
	s2 =	sadd.s32 s19, s18  }
0x9c: {  	s6 =	simm.s32 $0x0;
	s20 =	sshll.u32 s4, $0x1;
	s4 =	sadd.s32 s21, s2  }
0x9d: {  	[timem:s6], [sflag:s22] =	dma.local [hbm:s4], s20  }
0x9e: {  	_ =	swait.ge [sflag:s22], s20  }
0x9f: {  	s3 =	ssub.s32 $0x0, s20;
	[sflag:s22] =	ssyncset.done $0x0  }
0xa0: {  	[sflag:s22] =	ssyncadd.s32 s3;
	_ =	sdelay $0x1  }
0xa1: {  	s23 =	simm.s32 $0x1B8B  }
0xa2: {  	_ =	swait.ge [sflag:s23], $0x1  }
0xa3: {  	[sflag:s23] =	ssyncset.done $0x0  }
0xa4: {  	s25 =	simm.s32 $0x1B8E;
	s24 =	sld [smem:$0x3FFE];
	[sflag:s23] =	ssyncadd.s32 $0xFFFFFFFF  }
0xa5: {  	s26 =	simm.s32 $execute0_lowered;
	[smem:$0x3FD2] =	sst s25  }
0xa6: {  	s4 =	sshll.u32 s26, $0x1;
	_ =	strace $0x80000046;
	[dreg:$0x1] =	wrdreg $0xFFFFFFFF  }
0xa7: {  	s28 =	simm.s32 $_size_execute0_lowered;
	s2 =	sadd.s32 s2, s4;
	[dreg:$0x0] =	wrdreg $0x0  }
0xa8: {  	s4 =	sshll.u32 s28, $0x1;
	[dreg:$0x2] =	wrdreg s2  }
0xa9: {  	[dreg:$0x3] =	wrdreg s4  }
0xaa: {  	[dreg:$0x4] =	wrdreg $0xC0  }
0xab: {  	_ =	task [dreg:s6], $0x5FFFF  }
0xac: {  	[dreg:$0x1] =	wrdreg $0xFFFFFFFF  }
0xad: {  	[dreg:$0x0] =	wrdreg $0x60  }
0xae: {  	[dreg:$0x2] =	wrdreg s24  }
0xaf: {  	[dreg:$0x3] =	wrdreg $0x7A000  }
0xb0: {  	[dreg:$0x4] =	wrdreg $0x9  }
0xb1: {  	_ =	task.clear_ibuf [dreg:s6], $0x5FFFF;
	_ =	strace $0x90000046  }
0xb2: {  	s29 =	simm.s32 $0x9;
	_ =	strace $0x80000048  }
0xb3: {  	_ =	swait.ge [sflag:s29], $0x1  }
0xb4: {  	[sflag:s29] =	ssyncadd.s32 $0xFFFFFFFF  }
0xb5: {  	_ =	strace $0x90000048  }
0xb6: {  	_ =	sfence  }
0xb7: {  	s30 =	sld [smem:$0x0];
	_ =	sdelay $0x2  }
0xb8: {  	s31 =	sshll.u32 s1, $0xD;
	s1 =	sshrl.u32 s1, $0x2  }
0xb9: {  	s3 =	sand.u32 $0x4000, s31;
	s1 =	sadd.s32 s1, s30  }
0xba: {  	s0 =	sor.u32 s3, s0;
	s1 =	sshll.u32 s1, $0x11  }
0xbb: {  	s0 =	sor.u32 s1, s0  }
0xbc: {  	s0 =	sadd.s32 $0x8F2B, s0  }
0xbd: {  	[sflag:s0] =	ssyncadd.remote.s32 $0x1  }
0xbe: {  	_ =	sfence.sel $0xFFFF  }
0xbf: {  	[dreg:$0x0] =	wrdreg $0xFFFFFFFF;
	(pc) =	sbr.abs _section_cstart, $3  }
0xc0: {  	[dreg:$0x1] =	wrdreg $0xFFFFFFFF  }
0xc1: {  	_ =	task.clear_ibuf [dreg:s6], $0x2FFFF;
	_ =	strace $0x9FFFFFFF  }
0xc2: {  	(tm) =	ssettm $0x7FFFFFFF  }
0xc3: {  	_ =	shalt  }
tec
execute0_lowered:
.L_overlay_start_1:
0x0: {  	(tag) =	ssettag $0x1  }
0x1: {  	s0 =	srdreg.scid;
	s1 =	rddreg [dreg:$0x0]  }
0x2: {  	s2 =	rddreg [dreg:$0x1];
	s7 =	stileid.u32;
	s5 =	simm.s32 $0x0  }
0x3: {  	s23 =	simm.s32 $0x1;
	s24 =	simm.s32 $0x2780;
	s0 =	sand.u32 $0x1, s0  }
0x4: {  	s31 =	simm.s32 $0x7500;
	s29 =	smul.u32 $0xA00, s7;
	s3 =	sshll.u32 s0, $0x4  }
0x5: {  	s28 =	sshll.u32 s7, $0x7;
	s3 =	sor.u32 s7, s3;
	s7 =	smul.u32 $0xA000, s7  }
0x6: {  	s25 =	simm.s32 $0x0;
	s4 =	smul.u32 $0x4E2, s3;
	s3 =	sshrl.u32 s3, $0x3  }
0x7: {  	[smem:$0x7FF] =	sst s5;
	s0 =	ssub.s32 $0x2, s0;
	s3 =	smul.u32 $0x1400, s3  }
0x8: {  	_ =	strace $0x80000047;
	s5 =	sand.u32 $0x380, s28;
	s6 =	sshrl.u32 s0, $0x1  }
0x9: {  	s0 =	ssub.s32 s0, s6;
	s30 =	sshrl.u32 s7, $0x2;
	s3 =	sor.u32 s5, s3  }
0xa: {  	s22 =	smax.u32 s0, $0x1;
	s0 =	simm.s32 $0x80;
	s3 =	sshrl.u32 s3, $0x3  }
0xb: {  	s4 =	sadd.s32 s4, s1;
	s5 =	sshrl.u32 s29, $0x2;
	s1 =	sadd.s32 s3, s1  }
0xc: {  	s3 =	sadd.s32 $0x2A00, s4;
	s4 =	sadd.s32 s5, s2;
	s5 =	sadd.s32 s30, s2  }
0xd: {  	s2 =	simm.s32 $0x7780;
	s6 =	sadd.s32 $0x2800, s4;
	s7 =	sadd.s32 $0x5000, s4  }
0xe: {  	s8 =	sadd.s32 $0x7800, s4;
	s9 =	sadd.s32 $0xA000, s4;
	s10 =	sadd.s32 $0xC800, s4  }
0xf: {  	s11 =	sadd.s32 $0xF000, s4;
	s12 =	sadd.s32 $0x11800, s4;
	s13 =	sadd.s32 $0x14000, s4  }
0x10: {  	s14 =	sadd.s32 $0x16800, s4;
	s15 =	sadd.s32 $0x19000, s4;
	s16 =	sadd.s32 $0x1B800, s4  }
0x11: {  	s17 =	sadd.s32 $0x1E000, s4;
	s18 =	sadd.s32 $0x20800, s4;
	s19 =	sadd.s32 $0x23000, s4  }
0x12: {  	v0 =	vimm.f32 $0.0e+00;
	v1 =	vimm.f32 $1.000000000e+00;
	s20 =	sadd.s32 $0x25800, s4;
	s21 =	sadd.s32 $0xC800, s1;
	s1 =	simm.s32 $0x400  }
.LBB2_1:
0x13: {  	s26 =	simm.s32 $0x0  }
0x14: {  	[tilespmem:s26], [sflag:$0x1] =	stream.linear.gather [hbm4b:s3+s26], $0x2710, $0x38;
	[tilespmem:$0xA200] =	vst v63  }
0x15: {  	_ =	swait.ge [sflag:s23], $0x2710  }
0x16: {  	[sflag:s23] =	ssyncset.done $0x0  }
0x17: {  	s26 =	simm.s32 $0x0;
	[sflag:s23] =	ssyncadd.s32 $0xFFFFD8F0  }
.LBB2_2:
0x18: {  	p0 =	sne.s32 s26, $0x9FC0  }
.Ltmp0:
0x19: {  	_ = 	snop;
	(pc) =	sbr.rel @p0 .LBB2_2-.Ltmp0, $3  }
0x1a: {  	_ =	sdelay $0x1  }
0x1b: {  	s28 =	sshra.s32 s26, $0x2  }
0x1c: {  	s26 =	sadd.s32 $0x40, s26;
	[tilespmem:s28+$0x2780] =	vst v0  }
0x1d: {  	s28 =	simm.s32 $0x0;
	s26 =	simm.s32 $0x40  }
.LBB2_4:
0x1e: {  	p0 =	sne.s32 s26, $0x9C00;
	v2 =	vld [tilespmem:s28+$0x0];
	_ =	sdelay $0x3  }
.Ltmp1:
0x1f: {  	(pc) =	sbr.rel @p0 .LBB2_4-.Ltmp1, $2  }
0x20: {  	_ =	sdelay $0x2  }
0x21: {  	s28 =	sshra.s32 s26, $0x2;
	s26 =	sadd.s32 $0x40, s26;
	[tilespmem:v2+s24+$0x0] =	vst.idx.add.f32.msk $0xffff, v1  }
0x22: {  	v2 =	vld [tilespmem:s28+$0x0];
	_ =	sdelay $0x7  }
0x23: {  	[tilespmem:v2+s24+$0x0] =	vst.idx.add.f32.msk $0xffff, v1  }
0x24: {  	[spmem:s5] =	stream.linear.scatter [tilespmem:s24], [sflag:$0x1], $0x2800, $0x38;
	[tilespmem:$0xA200] =	vst v63  }
0x25: {  	_ =	swait.ge [sflag:s23], $0x2800  }
0x26: {  	[sflag:s23] =	ssyncset.done $0x0  }
0x27: {  	[sflag:s23] =	ssyncadd.s32 $0xFFFFD800  }
0x28: {  	s26 =	simm.s32 $0x4F80;
	[bflag:$0x0] =	sbarrier.arrive $0xFFFF  }
0x29: {  	[tilespmem:s26], [sflag:$0x1] =	stream.linear.gather [spmem:s4], $0x280, $0x38;
	[tilespmem:$0xA200] =	vst v63  }
0x2a: {  	_ =	swait.ge [sflag:s23], $0x280  }
0x2b: {  	[sflag:s23] =	ssyncset.done $0x0  }
0x2c: {  	s28 =	simm.s32 $0x5200;
	[sflag:s23] =	ssyncadd.s32 $0xFFFFFD80  }
0x2d: {  	[tilespmem:s28], [sflag:$0x1] =	stream.linear.gather [spmem:s6], $0x280, $0x38;
	[tilespmem:$0xA200] =	vst v63  }
0x2e: {  	_ =	swait.ge [sflag:s23], $0x280  }
0x2f: {  	[sflag:s23] =	ssyncset.done $0x0  }
0x30: {  	s28 =	simm.s32 $0x5480;
	[sflag:s23] =	ssyncadd.s32 $0xFFFFFD80  }
0x31: {  	[tilespmem:s28], [sflag:$0x1] =	stream.linear.gather [spmem:s7], $0x280, $0x38;
	[tilespmem:$0xA200] =	vst v63  }
0x32: {  	_ =	swait.ge [sflag:s23], $0x280  }
0x33: {  	[sflag:s23] =	ssyncset.done $0x0  }
0x34: {  	s28 =	simm.s32 $0x5700;
	[sflag:s23] =	ssyncadd.s32 $0xFFFFFD80  }
0x35: {  	[tilespmem:s28], [sflag:$0x1] =	stream.linear.gather [spmem:s8], $0x280, $0x38;
	[tilespmem:$0xA200] =	vst v63  }
0x36: {  	_ =	swait.ge [sflag:s23], $0x280  }
0x37: {  	[sflag:s23] =	ssyncset.done $0x0  }
0x38: {  	s28 =	simm.s32 $0x5980;
	[sflag:s23] =	ssyncadd.s32 $0xFFFFFD80  }
0x39: {  	[tilespmem:s28], [sflag:$0x1] =	stream.linear.gather [spmem:s9], $0x280, $0x38;
	[tilespmem:$0xA200] =	vst v63  }
0x3a: {  	_ =	swait.ge [sflag:s23], $0x280  }
0x3b: {  	[sflag:s23] =	ssyncset.done $0x0  }
0x3c: {  	s28 =	simm.s32 $0x5C00;
	[sflag:s23] =	ssyncadd.s32 $0xFFFFFD80  }
0x3d: {  	[tilespmem:s28], [sflag:$0x1] =	stream.linear.gather [spmem:s10], $0x280, $0x38;
	[tilespmem:$0xA200] =	vst v63  }
0x3e: {  	_ =	swait.ge [sflag:s23], $0x280  }
0x3f: {  	[sflag:s23] =	ssyncset.done $0x0  }
0x40: {  	s28 =	simm.s32 $0x5E80;
	[sflag:s23] =	ssyncadd.s32 $0xFFFFFD80  }
0x41: {  	[tilespmem:s28], [sflag:$0x1] =	stream.linear.gather [spmem:s11], $0x280, $0x38;
	[tilespmem:$0xA200] =	vst v63  }
0x42: {  	_ =	swait.ge [sflag:s23], $0x280  }
0x43: {  	[sflag:s23] =	ssyncset.done $0x0  }
0x44: {  	s28 =	simm.s32 $0x6100;
	[sflag:s23] =	ssyncadd.s32 $0xFFFFFD80  }
0x45: {  	[tilespmem:s28], [sflag:$0x1] =	stream.linear.gather [spmem:s12], $0x280, $0x38;
	[tilespmem:$0xA200] =	vst v63  }
0x46: {  	_ =	swait.ge [sflag:s23], $0x280  }
0x47: {  	[sflag:s23] =	ssyncset.done $0x0  }
0x48: {  	s28 =	simm.s32 $0x6380;
	[sflag:s23] =	ssyncadd.s32 $0xFFFFFD80  }
0x49: {  	[tilespmem:s28], [sflag:$0x1] =	stream.linear.gather [spmem:s13], $0x280, $0x38;
	[tilespmem:$0xA200] =	vst v63  }
0x4a: {  	_ =	swait.ge [sflag:s23], $0x280  }
0x4b: {  	[sflag:s23] =	ssyncset.done $0x0  }
0x4c: {  	s28 =	simm.s32 $0x6600;
	[sflag:s23] =	ssyncadd.s32 $0xFFFFFD80  }
0x4d: {  	[tilespmem:s28], [sflag:$0x1] =	stream.linear.gather [spmem:s14], $0x280, $0x38;
	[tilespmem:$0xA200] =	vst v63  }
0x4e: {  	_ =	swait.ge [sflag:s23], $0x280  }
0x4f: {  	[sflag:s23] =	ssyncset.done $0x0  }
0x50: {  	s28 =	simm.s32 $0x6880;
	[sflag:s23] =	ssyncadd.s32 $0xFFFFFD80  }
0x51: {  	[tilespmem:s28], [sflag:$0x1] =	stream.linear.gather [spmem:s15], $0x280, $0x38;
	[tilespmem:$0xA200] =	vst v63  }
0x52: {  	_ =	swait.ge [sflag:s23], $0x280  }
0x53: {  	[sflag:s23] =	ssyncset.done $0x0  }
0x54: {  	s28 =	simm.s32 $0x6B00;
	[sflag:s23] =	ssyncadd.s32 $0xFFFFFD80  }
0x55: {  	[tilespmem:s28], [sflag:$0x1] =	stream.linear.gather [spmem:s16], $0x280, $0x38;
	[tilespmem:$0xA200] =	vst v63  }
0x56: {  	_ =	swait.ge [sflag:s23], $0x280  }
0x57: {  	[sflag:s23] =	ssyncset.done $0x0  }
0x58: {  	s28 =	simm.s32 $0x6D80;
	[sflag:s23] =	ssyncadd.s32 $0xFFFFFD80  }
0x59: {  	[tilespmem:s28], [sflag:$0x1] =	stream.linear.gather [spmem:s17], $0x280, $0x38;
	[tilespmem:$0xA200] =	vst v63  }
0x5a: {  	_ =	swait.ge [sflag:s23], $0x280  }
0x5b: {  	[sflag:s23] =	ssyncset.done $0x0  }
0x5c: {  	s28 =	simm.s32 $0x7000;
	[sflag:s23] =	ssyncadd.s32 $0xFFFFFD80  }
0x5d: {  	[tilespmem:s28], [sflag:$0x1] =	stream.linear.gather [spmem:s18], $0x280, $0x38;
	[tilespmem:$0xA200] =	vst v63  }
0x5e: {  	_ =	swait.ge [sflag:s23], $0x280  }
0x5f: {  	[sflag:s23] =	ssyncset.done $0x0  }
0x60: {  	s28 =	simm.s32 $0x7280;
	[sflag:s23] =	ssyncadd.s32 $0xFFFFFD80  }
0x61: {  	[tilespmem:s28], [sflag:$0x1] =	stream.linear.gather [spmem:s19], $0x280, $0x38;
	[tilespmem:$0xA200] =	vst v63  }
0x62: {  	_ =	swait.ge [sflag:s23], $0x280  }
0x63: {  	[sflag:s23] =	ssyncset.done $0x0  }
0x64: {  	[sflag:s23] =	ssyncadd.s32 $0xFFFFFD80  }
0x65: {  	[tilespmem:s31], [sflag:$0x1] =	stream.linear.gather [spmem:s20], $0x280, $0x38;
	[tilespmem:$0xA200] =	vst v63  }
0x66: {  	_ =	swait.ge [sflag:s23], $0x280  }
0x67: {  	s28 =	simm.s32 $0x0;
	[sflag:s23] =	ssyncset.done $0x0  }
0x68: {  	s28 =	sand.u32 $0x3F0, s28;
	[sflag:s23] =	ssyncadd.s32 $0xFFFFFD80  }
0x69: {  	v2 =	vld [tilespmem:s28+$0x5200]  }
0x6a: {  	v3 =	vld [tilespmem:s26+$0x0];
	_ =	sdelay $0x1  }
0x6b: {  	v4 =	vld [tilespmem:s28+$0x5480];
	_ =	sdelay $0x1  }
0x6c: {  	v5 =	vld [tilespmem:s28+$0x5700]  }
0x6d: {  	v2 =	vadd.f32 v2, v3  }
0x6e: {  	v3 =	vld [tilespmem:s28+$0x5980]  }
0x6f: {  	v2 =	vadd.f32 v4, v2  }
0x70: {  	v56 =	vld [tilespmem:s28+$0x5C00]  }
0x71: {  	v2 =	vadd.f32 v5, v2  }
0x72: {  	v57 =	vld [tilespmem:s28+$0x5E80]  }
0x73: {  	v2 =	vadd.f32 v3, v2  }
0x74: {  	v3 =	vld [tilespmem:s28+$0x6100]  }
0x75: {  	v2 =	vadd.f32 v56, v2  }
0x76: {  	v58 =	vld [tilespmem:s28+$0x6380]  }
0x77: {  	v2 =	vadd.f32 v57, v2  }
0x78: {  	v59 =	vld [tilespmem:s28+$0x6600]  }
0x79: {  	v2 =	vadd.f32 v3, v2  }
0x7a: {  	v3 =	vld [tilespmem:s28+$0x6880]  }
0x7b: {  	v2 =	vadd.f32 v58, v2  }
0x7c: {  	v60 =	vld [tilespmem:s28+$0x6B00]  }
0x7d: {  	v2 =	vadd.f32 v59, v2  }
0x7e: {  	v61 =	vld [tilespmem:s28+$0x6D80]  }
0x7f: {  	v2 =	vadd.f32 v3, v2  }
0x80: {  	v3 =	vld [tilespmem:s28+$0x7000]  }
0x81: {  	v2 =	vadd.f32 v60, v2  }
0x82: {  	v62 =	vld [tilespmem:s28+$0x7280]  }
0x83: {  	v2 =	vadd.f32 v61, v2  }
0x84: {  	v63 =	vld [tilespmem:s28+$0x7500]  }
0x85: {  	v2 =	vadd.f32 v3, v2;
	_ =	sdelay $0x1  }
0x86: {  	v2 =	vadd.f32 v62, v2;
	_ =	sdelay $0x1  }
0x87: {  	v2 =	vadd.f32 v63, v2  }
0x88: {  	s26 =	simm.s32 $0x7780;
	s28 =	simm.s32 $0x10  }
0x89: {  	s28 =	sand.u32 $0x3F0, s28;
	[tilespmem:s26+$0x0] =	vst v2  }
0x8a: {  	s30 =	simm.s32 $0x20;
	s29 =	simm.s32 $0x4F90;
	v2 =	vld [tilespmem:s28+$0x5200]  }
.LBB2_6:
0x8b: {  	p0 =	sne.s32 s30, $0x270;
	v3 =	vld [tilespmem:s29+$0x0];
	_ =	sdelay $0x1  }
0x8c: {  	v4 =	vld [tilespmem:s28+$0x5480];
	_ =	sdelay $0x1  }
0x8d: {  	v5 =	vld [tilespmem:s28+$0x5700]  }
0x8e: {  	v2 =	vadd.f32 v2, v3  }
0x8f: {  	v3 =	vld [tilespmem:s28+$0x5980]  }
0x90: {  	v2 =	vadd.f32 v4, v2  }
0x91: {  	v4 =	vld [tilespmem:s28+$0x5C00]  }
0x92: {  	v2 =	vadd.f32 v5, v2  }
0x93: {  	v5 =	vld [tilespmem:s28+$0x5E80]  }
0x94: {  	v2 =	vadd.f32 v3, v2  }
0x95: {  	v3 =	vld [tilespmem:s28+$0x6100]  }
0x96: {  	v2 =	vadd.f32 v4, v2  }
0x97: {  	v4 =	vld [tilespmem:s28+$0x6380]  }
0x98: {  	v2 =	vadd.f32 v5, v2  }
0x99: {  	v5 =	vld [tilespmem:s28+$0x6600]  }
0x9a: {  	v2 =	vadd.f32 v3, v2  }
0x9b: {  	v3 =	vld [tilespmem:s28+$0x6880]  }
0x9c: {  	v2 =	vadd.f32 v4, v2  }
0x9d: {  	v4 =	vld [tilespmem:s28+$0x6B00]  }
0x9e: {  	v2 =	vadd.f32 v5, v2  }
0x9f: {  	v5 =	vld [tilespmem:s28+$0x6D80]  }
0xa0: {  	v2 =	vadd.f32 v3, v2  }
0xa1: {  	v3 =	vld [tilespmem:s28+$0x7000]  }
0xa2: {  	v2 =	vadd.f32 v4, v2  }
0xa3: {  	v4 =	vld [tilespmem:s28+$0x7280]  }
0xa4: {  	v2 =	vadd.f32 v5, v2  }
0xa5: {  	v5 =	vld [tilespmem:s28+$0x7500]  }
0xa6: {  	v2 =	vadd.f32 v3, v2;
	_ =	sdelay $0x1  }
0xa7: {  	v2 =	vadd.f32 v4, v2  }
.Ltmp2:
0xa8: {  	(pc) =	sbr.rel @p0 .LBB2_6-.Ltmp2, $4  }
0xa9: {  	v2 =	vadd.f32 v5, v2  }
0xaa: {  	s26 =	sadd.s32 $0x10, s26  }
0xab: {  	s28 =	sand.u32 $0x3F0, s30;
	[tilespmem:s26+$0x0] =	vst v2  }
0xac: {  	s29 =	sadd.s32 $0x10, s29;
	s30 =	sadd.s32 $0x10, s30;
	v2 =	vld [tilespmem:s28+$0x5200]  }
0xad: {  	v3 =	vld [tilespmem:s29+$0x0];
	_ =	sdelay $0x1  }
0xae: {  	v4 =	vld [tilespmem:s28+$0x5480];
	_ =	sdelay $0x1  }
0xaf: {  	v5 =	vld [tilespmem:s28+$0x5700]  }
0xb0: {  	v2 =	vadd.f32 v2, v3  }
0xb1: {  	v3 =	vld [tilespmem:s28+$0x5980]  }
0xb2: {  	v2 =	vadd.f32 v4, v2  }
0xb3: {  	v56 =	vld [tilespmem:s28+$0x5C00]  }
0xb4: {  	v2 =	vadd.f32 v5, v2  }
0xb5: {  	v57 =	vld [tilespmem:s28+$0x5E80]  }
0xb6: {  	v2 =	vadd.f32 v3, v2  }
0xb7: {  	v3 =	vld [tilespmem:s28+$0x6100]  }
0xb8: {  	v2 =	vadd.f32 v56, v2  }
0xb9: {  	v58 =	vld [tilespmem:s28+$0x6380]  }
0xba: {  	v2 =	vadd.f32 v57, v2  }
0xbb: {  	v59 =	vld [tilespmem:s28+$0x6600]  }
0xbc: {  	v2 =	vadd.f32 v3, v2  }
0xbd: {  	v3 =	vld [tilespmem:s28+$0x6880]  }
0xbe: {  	v2 =	vadd.f32 v58, v2  }
0xbf: {  	v60 =	vld [tilespmem:s28+$0x6B00]  }
0xc0: {  	v2 =	vadd.f32 v59, v2  }
0xc1: {  	v61 =	vld [tilespmem:s28+$0x6D80]  }
0xc2: {  	v2 =	vadd.f32 v3, v2  }
0xc3: {  	v3 =	vld [tilespmem:s28+$0x7000]  }
0xc4: {  	v2 =	vadd.f32 v60, v2  }
0xc5: {  	v62 =	vld [tilespmem:s28+$0x7280]  }
0xc6: {  	v2 =	vadd.f32 v61, v2  }
0xc7: {  	v63 =	vld [tilespmem:s28+$0x7500]  }
0xc8: {  	v2 =	vadd.f32 v3, v2;
	_ =	sdelay $0x1  }
0xc9: {  	v2 =	vadd.f32 v62, v2;
	_ =	sdelay $0x1  }
0xca: {  	s25 =	sadd.s32 $0x1, s25;
	v2 =	vadd.f32 v63, v2  }
0xcb: {  	s26 =	sadd.s32 $0x10, s26;
	p0 =	sne.s32 s25, s22  }
.Ltmp3:
0xcc: {  	[tilespmem:s26+$0x0] =	vst v2;
	(pc) =	sbr.rel @p0 .LBB2_1-.Ltmp3, $4  }
0xcd: {  	[hbm4b:s21+s0] =	stream.strided.scatter [tilespmem:s2], [sflag:$0x1], $0x280, s1, s0, $0x38;
	[tilespmem:$0xA200] =	vst v63  }
0xce: {  	_ =	swait.ge [sflag:s23], $0x280  }
0xcf: {  	[sflag:s23] =	ssyncset.done $0x0  }
0xd0: {  	[sflag:s23] =	ssyncadd.s32 $0xFFFFFD80  }
0xd1: {  	_ =	sfence.sel $0x180000  }
0xd2: {  	[bflag:$0x0] =	sbarrier.arrive $0xFFFF  }
0xd3: {  	_ =	strace $0x90000047  }
0xd4: {  	s0 =	stileid.u32;
	[bflag:$0x2] =	sbarrier.arrive $0xFFFF  }
0xd5: {  	p0 =	sne.s32 s0, $0x0;
	s0 =	rddreg [dreg:$0x2]  }
0xd6: {  	s0 =	sadd.s32 @!p0 $0x100000, s0  }
0xd7: {  	[sflag:s0] =	ssyncadd.tile.s32 @!p0 $0x1;
	_ =	shalt  }
.Lfunc_end2:
_tile_overlayer_lowered:
.L_overlay_start_2:
0xd8: {  	(tag) =	ssettag $0x2  }
0xd9: {  	s0 =	rddreg [dreg:$0x0];
	s2 =	stileid.u32  }
0xda: {  	s1 =	rddreg [dreg:$0x1];
	p0 =	sne.s32 s2, $0x0  }
0xdb: {  	s3 =	rddreg [dreg:$0x2];
	[bflag:$0x3] =	sbarrier.arrive $0xFFFF;
	s2 =	simm.s32 @!p0 $0x1C01  }
0xdc: {  	[timem:s3], [sflag:s2] =	dma.local @!p0 [hbm:s0], s1  }
0xdd: {  	s0 =	simm.s32 @!p0 $0x1  }
0xde: {  	_ =	swait.ge @!p0 [sflag:s0], s1  }
0xdf: {  	s1 =	ssub.s32 @!p0 $0x0, s1;
	[sflag:s0] =	ssyncset.done @!p0 $0x0  }
0xe0: {  	[sflag:s0] =	ssyncadd.s32 @!p0 s1  }
0xe1: {  	[bflag:$0x3] =	sbarrier.arrive $0xFFFF  }
0xe2: {  	_ =	shalt  }

</sc_bundles>
